<compile_context>
chip_gen: v7x
topology: tpu7x:2x2x1
jax: 0.10.2.dev20260603
libtpu: 0.0.44.dev20260713+nightly
codegen_flags: <defaults>
</compile_context>

<pallas_src>
import functools

import jax
import jax.numpy as jnp
from jax import lax
from jax.experimental import pallas as pl
from jax.experimental.pallas import tpu as pltpu
from jax.experimental.pallas import tpu_sc as plsc

N, E, D, H, O, G = 10000, 320000, 128, 128, 64, 64

NC, NS = 2, 16
HH = H // NC
EPT = E // NS
CK = 80
NCHUNK = EPT // CK
NBUF = 5
NP_ = 10240
RPT = NP_ // NS

BR = 2000
NB = N // BR



def _sc_agg_build():
    mesh = plsc.VectorSubcoreMesh(
        core_axis_name="c", subcore_axis_name="s",
        num_cores=NC, num_subcores=NS)

    @functools.partial(
        pl.kernel,
        out_type=jax.ShapeDtypeStruct((NC, NP_, HH), jnp.float32),
        mesh=mesh,
        scratch_types=[
            pltpu.VMEM((NCHUNK, CK), jnp.int32),
            pltpu.VMEM((NCHUNK, CK), jnp.int32),
            [pltpu.VMEM((CK, HH), jnp.float32)] * NBUF,
            [pltpu.SemaphoreType.DMA] * NBUF,
            pltpu.VMEM_SHARED((NP_, HH), jnp.float32),
        ],
        compiler_params=pltpu.CompilerParams(use_tc_tiling_on_sc=False),
    )
    def sc_agg(neigh_hbm, row_hbm, col_hbm, zeros_hbm, out_hbm,
               rowv, colv, bufs, gsems, agg_sh):
        cid = lax.axis_index("c")
        sid = lax.axis_index("s")

        pltpu.sync_copy(row_hbm.at[sid], rowv)
        pltpu.sync_copy(col_hbm.at[sid], colv)
        nh = neigh_hbm.at[cid]

        for b in range(NBUF):
            pltpu.async_copy(nh.at[colv.at[b]], bufs[b], gsems[b])

        pltpu.sync_copy(zeros_hbm, agg_sh.at[pl.ds(sid * RPT, RPT)])
        plsc.subcore_barrier()

        def block(t, carry):
            for b in range(NBUF):
                i = t * NBUF + b
                pltpu.make_async_copy(
                    nh.at[colv.at[i]], bufs[b], gsems[b]).wait()
                pltpu.sync_copy(bufs[b], agg_sh.at[rowv.at[i]], add=True)
                pltpu.async_copy(nh.at[colv.at[i + NBUF]], bufs[b], gsems[b])
            return carry
        lax.fori_loop(0, NCHUNK // NBUF - 1, block, 0)
        for b in range(NBUF):
            i = NCHUNK - NBUF + b
            pltpu.make_async_copy(
                nh.at[colv.at[i]], bufs[b], gsems[b]).wait()
            pltpu.sync_copy(bufs[b], agg_sh.at[rowv.at[i]], add=True)
        plsc.subcore_barrier()

        pltpu.sync_copy(agg_sh.at[pl.ds(sid * RPT, RPT)],
                        out_hbm.at[cid, pl.ds(sid * RPT, RPT)])

    return sc_agg


@functools.cache
def _sc_agg_cached():
    return _sc_agg_build()


def _sc_agg(neigh, row3, col3, zeros2d):
    return _sc_agg_cached()(neigh, row3, col3, zeros2d)



def _mm0_body(x_ref, w_ref, o1_ref, o2_ref):
    out = jnp.dot(x_ref[...], w_ref[...], preferred_element_type=jnp.float32)
    o1_ref[...] = out[:, :H]
    o2_ref[...] = jnp.stack([out[:, H:H + HH], out[:, H + HH:]], axis=0)


def _layer_body(s_ref, p_ref, w_ref, o1_ref, o2_ref):
    agg = jnp.concatenate([p_ref[0], p_ref[1]], axis=1)
    g = jnp.maximum(s_ref[...] + agg, 0.0)
    out = jnp.dot(g, w_ref[...], preferred_element_type=jnp.float32)
    o1_ref[...] = out[:, :H]
    o2_ref[...] = jnp.stack([out[:, H:H + HH], out[:, H + HH:]], axis=0)


def _pool_body(s_ref, p_ref, b_ref, wc_ref, bc_ref, o_ref,
               sums, counts):
    i = pl.program_id(0)

    @pl.when(i == 0)
    def _():
        sums[...] = jnp.zeros_like(sums)
        counts[...] = jnp.zeros_like(counts)

    agg = jnp.concatenate([p_ref[0], p_ref[1]], axis=1)
    g = jnp.maximum(s_ref[...] + agg, 0.0)
    onehot = (b_ref[...] == lax.broadcasted_iota(jnp.int32, (1, G), 1)
              ).astype(jnp.float32)
    dn = (((0,), (0,)), ((), ()))
    sums[...] += lax.dot_general(onehot, g, dn,
                                 preferred_element_type=jnp.float32)
    counts[...] += lax.dot_general(onehot, jnp.ones((BR, H), jnp.float32), dn,
                                   preferred_element_type=jnp.float32)

    @pl.when(i == NB - 1)
    def _():
        pooled = sums[...] / jnp.maximum(counts[...], 1.0)
        o_ref[...] = jnp.dot(pooled, wc_ref[...],
                             preferred_element_type=jnp.float32) + bc_ref[...]


def _row_spec():
    return pl.BlockSpec((BR, H), lambda i: (i, 0))


def _parts_spec():
    return pl.BlockSpec((NC, BR, HH), lambda i: (0, i, 0))


def _nb2_spec():
    return pl.BlockSpec((2, BR, HH), lambda i: (0, i, 0))


def _mm0(x, w12):
    return pl.pallas_call(
        _mm0_body,
        grid=(NB,),
        in_specs=[_row_spec(), pl.BlockSpec((D, 2 * H), lambda i: (0, 0))],
        out_specs=[_row_spec(), _nb2_spec()],
        out_shape=[jax.ShapeDtypeStruct((N, H), jnp.float32),
                   jax.ShapeDtypeStruct((2, N, HH), jnp.float32)],
    )(x, w12)


def _layer(s, parts, w12):
    return pl.pallas_call(
        _layer_body,
        grid=(NB,),
        in_specs=[_row_spec(), _parts_spec(),
                  pl.BlockSpec((H, 2 * H), lambda i: (0, 0))],
        out_specs=[_row_spec(), _nb2_spec()],
        out_shape=[jax.ShapeDtypeStruct((N, H), jnp.float32),
                   jax.ShapeDtypeStruct((2, N, HH), jnp.float32)],
    )(s, parts, w12)


def _pool(s, parts, batch2, wc_t, bc2):
    return pl.pallas_call(
        _pool_body,
        grid=(NB,),
        in_specs=[_row_spec(), _parts_spec(),
                  pl.BlockSpec((BR, 1), lambda i: (i, 0)),
                  pl.BlockSpec((H, O), lambda i: (0, 0)),
                  pl.BlockSpec((1, O), lambda i: (0, 0))],
        out_specs=pl.BlockSpec((G, O), lambda i: (0, 0)),
        out_shape=jax.ShapeDtypeStruct((G, O), jnp.float32),
        scratch_shapes=[pltpu.VMEM((G, H), jnp.float32),
                        pltpu.VMEM((G, H), jnp.float32)],
        compiler_params=pltpu.CompilerParams(
            dimension_semantics=("arbitrary",)),
    )(s, parts, batch2, wc_t, bc2)



def kernel(x, edge_index, batch, W1_0, W2_0, W1_1, W2_1, W1_2, W2_2, Wc, bc):
    w0 = jnp.concatenate([W1_0.T, W2_0.T], axis=1)
    w1 = jnp.concatenate([W1_1.T, W2_1.T], axis=1)
    w2 = jnp.concatenate([W1_2.T, W2_2.T], axis=1)
    row3 = edge_index[0].reshape(NS, NCHUNK, CK)
    col3 = edge_index[1].reshape(NS, NCHUNK, CK)
    batch2 = batch.reshape(N, 1)
    bc2 = bc.reshape(1, O)
    zeros2d = jnp.zeros((RPT, HH), jnp.float32)

    s, nb2 = _mm0(x, w0)
    parts = _sc_agg(nb2, row3, col3, zeros2d)
    s, nb2 = _layer(s, parts, w1)
    parts = _sc_agg(nb2, row3, col3, zeros2d)
    s, nb2 = _layer(s, parts, w2)
    parts = _sc_agg(nb2, row3, col3, zeros2d)
    return _pool(s, parts, batch2, Wc.T, bc2)

# --- scband reference (transcript-rebuilt; emitter-appended) ---
"""Pipeline reference for scband-gnn-37409165149000 (READ-ONLY COPY).

The authoritative reference and input builder live on the scoring server;
editing this copy changes nothing except your own understanding.
"""

import jax, jax.numpy as jnp
import numpy as np

N, E, D, H, O, G = 10000, 320000, 128, 128, 64, 64

def setup_inputs(seed: int = 0):
    key = jax.random.key(seed)
    ks = jax.random.split(key, 12)
    x = jax.random.normal(ks[0], (N, D), dtype=jnp.float32)
    edge_index = jax.random.randint(ks[1], (2, E), 0, N, dtype=jnp.int32)
    batch = jnp.sort(jax.random.randint(ks[2], (N,), 0, G, dtype=jnp.int32))
    s_in = 1.0 / np.sqrt(D)
    s_h = 1.0 / np.sqrt(H)
    W1_0 = jax.random.normal(ks[3], (H, D), dtype=jnp.float32) * s_in
    W2_0 = jax.random.normal(ks[4], (H, D), dtype=jnp.float32) * s_in
    W1_1 = jax.random.normal(ks[5], (H, H), dtype=jnp.float32) * s_h
    W2_1 = jax.random.normal(ks[6], (H, H), dtype=jnp.float32) * s_h
    W1_2 = jax.random.normal(ks[7], (H, H), dtype=jnp.float32) * s_h
    W2_2 = jax.random.normal(ks[8], (H, H), dtype=jnp.float32) * s_h
    Wc = jax.random.normal(ks[9], (O, H), dtype=jnp.float32) * s_h
    bc = jax.random.normal(ks[10], (O,), dtype=jnp.float32) * s_h
    return {"x": x, "edge_index": edge_index, "batch": batch,
            "W1_0": W1_0, "W2_0": W2_0, "W1_1": W1_1, "W2_1": W2_1,
            "W1_2": W1_2, "W2_2": W2_2, "Wc": Wc, "bc": bc}

def _layer_f(x, edge_index, W1, W2):
    self_features = x @ W1.T
    neighbor_features = x @ W2.T
    row = edge_index[0]
    col = edge_index[1]
    aggregated = jnp.zeros((x.shape[0], W2.shape[0]), dtype=x.dtype)
    aggregated = aggregated.at[row].add(neighbor_features[col])
    return jax.nn.relu(self_features + aggregated)

def reference(x, edge_index, batch, W1_0, W2_0, W1_1, W2_1, W1_2, W2_2, Wc, bc):
    h = _layer_f(x, edge_index, W1_0, W2_0)
    h = _layer_f(h, edge_index, W1_1, W2_1)
    h = _layer_f(h, edge_index, W1_2, W2_2)
    sums = jax.ops.segment_sum(h, batch, num_segments=G)
    counts = jax.ops.segment_sum(jnp.ones((h.shape[0],), dtype=h.dtype), batch, num_segments=G)
    counts = jnp.clip(counts, 1.0, None)
    pooled = sums / counts[:, None]
    return pooled @ Wc.T + bc

if __name__ == "__main__":
    import jax
    _d = setup_inputs()
    print(jax.jit(kernel)(*tuple(_d.values())))

</pallas_src>

<mosaic_0001>
#map = affine_map<(d0, d1) -> (0, 0, 0)>
#map1 = affine_map<(d0, d1) -> (0, 0)>
module attributes {stable_mosaic.version = 14 : i64} {
  func.func @sc_agg(%arg0: i32, %arg1: i32, %arg2: memref<2x10000x64xf32, #tpu.memory_space<hbm>>, %arg3: memref<16x250x80xi32, #tpu.memory_space<hbm>>, %arg4: memref<16x250x80xi32, #tpu.memory_space<hbm>>, %arg5: memref<640x64xf32, #tpu.memory_space<hbm>>, %arg6: memref<2x10240x64xf32, #tpu.memory_space<hbm>>, %arg7: memref<250x80xi32, #tpu.memory_space<vmem>>, %arg8: memref<250x80xi32, #tpu.memory_space<vmem>>, %arg9: memref<80x64xf32, #tpu.memory_space<vmem>>, %arg10: memref<80x64xf32, #tpu.memory_space<vmem>>, %arg11: memref<80x64xf32, #tpu.memory_space<vmem>>, %arg12: memref<80x64xf32, #tpu.memory_space<vmem>>, %arg13: memref<80x64xf32, #tpu.memory_space<vmem>>, %arg14: memref<!tpu.dma_semaphore, #tpu.memory_space<semaphore_mem>>, %arg15: memref<!tpu.dma_semaphore, #tpu.memory_space<semaphore_mem>>, %arg16: memref<!tpu.dma_semaphore, #tpu.memory_space<semaphore_mem>>, %arg17: memref<!tpu.dma_semaphore, #tpu.memory_space<semaphore_mem>>, %arg18: memref<!tpu.dma_semaphore, #tpu.memory_space<semaphore_mem>>, %arg19: memref<10240x64xf32, #tpu.memory_space<vmem_shared>>) attributes {dimension_semantics = [#tpu.dimension_semantics<core_parallel>, #tpu.dimension_semantics<subcore_parallel>], iteration_bounds = array<i64: 2, 16>, scalar_prefetch = 0 : i64, scratch_operands = 13 : i64, tpu.core_type = #tpu.core_type<sc_vector_subcore>, window_params = [{transform_indices = #map}, {transform_indices = #map}, {transform_indices = #map}, {transform_indices = #map1}, {transform_indices = #map}]} {
    "tpu.region"() ({
      %run_scoped3A_123 = tpu.sem_alloc : memref<!tpu.dma_semaphore, #tpu.memory_space<semaphore_mem>>
      %dma_start3A_124 = arith.constant 0 : i32
      %dma_start3A_125 = arith.constant 0 : i32
      %dma_start3A_126 = tpu.memref_slice %arg3[%arg1, %dma_start3A_124, %dma_start3A_125] : memref<16x250x80xi32, #tpu.memory_space<hbm>> -> memref<1x250x80xi32, #tpu.memory_space<hbm>>
      %dma_start3A_127 = tpu.memref_squeeze %dma_start3A_126 : memref<1x250x80xi32, #tpu.memory_space<hbm>> -> memref<250x80xi32, #tpu.memory_space<hbm>>
      %dma_start3A_128 = arith.constant 0 : i32
      %dma_start3A_129 = arith.constant 0 : i32
      %dma_start3A_130 = tpu.memref_slice %arg3[%arg1, %dma_start3A_128, %dma_start3A_129] : memref<16x250x80xi32, #tpu.memory_space<hbm>> -> memref<1x250x80xi32, #tpu.memory_space<hbm>>
      %dma_start3A_131 = tpu.memref_squeeze %dma_start3A_130 : memref<1x250x80xi32, #tpu.memory_space<hbm>> -> memref<250x80xi32, #tpu.memory_space<hbm>>
      tpu.enqueue_dma source(%dma_start3A_131 : memref<250x80xi32, #tpu.memory_space<hbm>>) target(%arg7 : memref<250x80xi32, #tpu.memory_space<vmem>>) target_semaphore(%run_scoped3A_123 : memref<!tpu.dma_semaphore, #tpu.memory_space<semaphore_mem>>)
      %dma_wait3A_132 = arith.constant 0 : i32
      %dma_wait3A_133 = arith.constant 0 : i32
      %dma_wait3A_134 = tpu.memref_slice %arg3[%arg1, %dma_wait3A_132, %dma_wait3A_133] : memref<16x250x80xi32, #tpu.memory_space<hbm>> -> memref<1x250x80xi32, #tpu.memory_space<hbm>>
      %dma_wait3A_135 = tpu.memref_squeeze %dma_wait3A_134 : memref<1x250x80xi32, #tpu.memory_space<hbm>> -> memref<250x80xi32, #tpu.memory_space<hbm>>
      %dma_wait3A_136 = arith.constant 0 : i32
      %dma_wait3A_137 = arith.constant 0 : i32
      %dma_wait3A_138 = tpu.memref_slice %arg3[%arg1, %dma_wait3A_136, %dma_wait3A_137] : memref<16x250x80xi32, #tpu.memory_space<hbm>> -> memref<1x250x80xi32, #tpu.memory_space<hbm>>
      %dma_wait3A_139 = tpu.memref_squeeze %dma_wait3A_138 : memref<1x250x80xi32, #tpu.memory_space<hbm>> -> memref<250x80xi32, #tpu.memory_space<hbm>>
      tpu.wait_dma2 semaphore(%run_scoped3A_123 : memref<!tpu.dma_semaphore, #tpu.memory_space<semaphore_mem>>) src(%dma_wait3A_139 : memref<250x80xi32, #tpu.memory_space<hbm>>) dst(%arg7 : memref<250x80xi32, #tpu.memory_space<vmem>>)
      tpu.yield
    }) : () -> ()
    "tpu.region"() ({
      %run_scoped3A_123 = tpu.sem_alloc : memref<!tpu.dma_semaphore, #tpu.memory_space<semaphore_mem>>
      %dma_start3A_124 = arith.constant 0 : i32
      %dma_start3A_125 = arith.constant 0 : i32
      %dma_start3A_126 = tpu.memref_slice %arg4[%arg1, %dma_start3A_124, %dma_start3A_125] : memref<16x250x80xi32, #tpu.memory_space<hbm>> -> memref<1x250x80xi32, #tpu.memory_space<hbm>>
      %dma_start3A_127 = tpu.memref_squeeze %dma_start3A_126 : memref<1x250x80xi32, #tpu.memory_space<hbm>> -> memref<250x80xi32, #tpu.memory_space<hbm>>
      %dma_start3A_128 = arith.constant 0 : i32
      %dma_start3A_129 = arith.constant 0 : i32
      %dma_start3A_130 = tpu.memref_slice %arg4[%arg1, %dma_start3A_128, %dma_start3A_129] : memref<16x250x80xi32, #tpu.memory_space<hbm>> -> memref<1x250x80xi32, #tpu.memory_space<hbm>>
      %dma_start3A_131 = tpu.memref_squeeze %dma_start3A_130 : memref<1x250x80xi32, #tpu.memory_space<hbm>> -> memref<250x80xi32, #tpu.memory_space<hbm>>
      tpu.enqueue_dma source(%dma_start3A_131 : memref<250x80xi32, #tpu.memory_space<hbm>>) target(%arg8 : memref<250x80xi32, #tpu.memory_space<vmem>>) target_semaphore(%run_scoped3A_123 : memref<!tpu.dma_semaphore, #tpu.memory_space<semaphore_mem>>)
      %dma_wait3A_132 = arith.constant 0 : i32
      %dma_wait3A_133 = arith.constant 0 : i32
      %dma_wait3A_134 = tpu.memref_slice %arg4[%arg1, %dma_wait3A_132, %dma_wait3A_133] : memref<16x250x80xi32, #tpu.memory_space<hbm>> -> memref<1x250x80xi32, #tpu.memory_space<hbm>>
      %dma_wait3A_135 = tpu.memref_squeeze %dma_wait3A_134 : memref<1x250x80xi32, #tpu.memory_space<hbm>> -> memref<250x80xi32, #tpu.memory_space<hbm>>
      %dma_wait3A_136 = arith.constant 0 : i32
      %dma_wait3A_137 = arith.constant 0 : i32
      %dma_wait3A_138 = tpu.memref_slice %arg4[%arg1, %dma_wait3A_136, %dma_wait3A_137] : memref<16x250x80xi32, #tpu.memory_space<hbm>> -> memref<1x250x80xi32, #tpu.memory_space<hbm>>
      %dma_wait3A_139 = tpu.memref_squeeze %dma_wait3A_138 : memref<1x250x80xi32, #tpu.memory_space<hbm>> -> memref<250x80xi32, #tpu.memory_space<hbm>>
      tpu.wait_dma2 semaphore(%run_scoped3A_123 : memref<!tpu.dma_semaphore, #tpu.memory_space<semaphore_mem>>) src(%dma_wait3A_139 : memref<250x80xi32, #tpu.memory_space<hbm>>) dst(%arg8 : memref<250x80xi32, #tpu.memory_space<vmem>>)
      tpu.yield
    }) : () -> ()
    %dma_start3A = arith.constant 0 : i32
    %dma_start3A_0 = arith.constant 0 : i32
    %dma_start3A_1 = tpu.memref_slice %arg8[%dma_start3A, %dma_start3A_0] : memref<250x80xi32, #tpu.memory_space<vmem>> -> memref<1x80xi32, #tpu.memory_space<vmem>>
    %dma_start3A_2 = tpu.memref_squeeze %dma_start3A_1 : memref<1x80xi32, #tpu.memory_space<vmem>> -> memref<80xi32, #tpu.memory_space<vmem>>
    %dma_start3A_3 = arith.constant 0 : i32
    %dma_start3A_4 = arith.constant 0 : i32
    %dma_start3A_5 = tpu.memref_slice %arg2[%arg0, %dma_start3A_3, %dma_start3A_4] : memref<2x10000x64xf32, #tpu.memory_space<hbm>> -> memref<1x10000x64xf32, #tpu.memory_space<hbm>>
    %dma_start3A_6 = tpu.memref_squeeze %dma_start3A_5 : memref<1x10000x64xf32, #tpu.memory_space<hbm>> -> memref<10000x64xf32, #tpu.memory_space<hbm>>
    %dma_start3A_7 = arith.constant 0 : i32
    %dma_start3A_8 = arith.constant 0 : i32
    %dma_start3A_9 = tpu.memref_slice %dma_start3A_6[%dma_start3A_7, %dma_start3A_8] : memref<10000x64xf32, #tpu.memory_space<hbm>> -> memref<10000x64xf32, #tpu.memory_space<hbm>>
    tpu.enqueue_indirect_dma source(%dma_start3A_9 : memref<10000x64xf32, #tpu.memory_space<hbm>>) target(%arg9 : memref<80x64xf32, #tpu.memory_space<vmem>>) offsets(%dma_start3A_2 : memref<80xi32, #tpu.memory_space<vmem>>) semaphore(%arg14 : memref<!tpu.dma_semaphore, #tpu.memory_space<semaphore_mem>>)
    %dma_start3A_10 = arith.constant 1 : i32
    %dma_start3A_11 = arith.constant 0 : i32
    %dma_start3A_12 = tpu.memref_slice %arg8[%dma_start3A_10, %dma_start3A_11] : memref<250x80xi32, #tpu.memory_space<vmem>> -> memref<1x80xi32, #tpu.memory_space<vmem>>
    %dma_start3A_13 = tpu.memref_squeeze %dma_start3A_12 : memref<1x80xi32, #tpu.memory_space<vmem>> -> memref<80xi32, #tpu.memory_space<vmem>>
    %dma_start3A_14 = arith.constant 0 : i32
    %dma_start3A_15 = arith.constant 0 : i32
    %dma_start3A_16 = tpu.memref_slice %arg2[%arg0, %dma_start3A_14, %dma_start3A_15] : memref<2x10000x64xf32, #tpu.memory_space<hbm>> -> memref<1x10000x64xf32, #tpu.memory_space<hbm>>
    %dma_start3A_17 = tpu.memref_squeeze %dma_start3A_16 : memref<1x10000x64xf32, #tpu.memory_space<hbm>> -> memref<10000x64xf32, #tpu.memory_space<hbm>>
    %dma_start3A_18 = arith.constant 0 : i32
    %dma_start3A_19 = arith.constant 0 : i32
    %dma_start3A_20 = tpu.memref_slice %dma_start3A_17[%dma_start3A_18, %dma_start3A_19] : memref<10000x64xf32, #tpu.memory_space<hbm>> -> memref<10000x64xf32, #tpu.memory_space<hbm>>
    tpu.enqueue_indirect_dma source(%dma_start3A_20 : memref<10000x64xf32, #tpu.memory_space<hbm>>) target(%arg10 : memref<80x64xf32, #tpu.memory_space<vmem>>) offsets(%dma_start3A_13 : memref<80xi32, #tpu.memory_space<vmem>>) semaphore(%arg15 : memref<!tpu.dma_semaphore, #tpu.memory_space<semaphore_mem>>)
    %dma_start3A_21 = arith.constant 2 : i32
    %dma_start3A_22 = arith.constant 0 : i32
    %dma_start3A_23 = tpu.memref_slice %arg8[%dma_start3A_21, %dma_start3A_22] : memref<250x80xi32, #tpu.memory_space<vmem>> -> memref<1x80xi32, #tpu.memory_space<vmem>>
    %dma_start3A_24 = tpu.memref_squeeze %dma_start3A_23 : memref<1x80xi32, #tpu.memory_space<vmem>> -> memref<80xi32, #tpu.memory_space<vmem>>
    %dma_start3A_25 = arith.constant 0 : i32
    %dma_start3A_26 = arith.constant 0 : i32
    %dma_start3A_27 = tpu.memref_slice %arg2[%arg0, %dma_start3A_25, %dma_start3A_26] : memref<2x10000x64xf32, #tpu.memory_space<hbm>> -> memref<1x10000x64xf32, #tpu.memory_space<hbm>>
    %dma_start3A_28 = tpu.memref_squeeze %dma_start3A_27 : memref<1x10000x64xf32, #tpu.memory_space<hbm>> -> memref<10000x64xf32, #tpu.memory_space<hbm>>
    %dma_start3A_29 = arith.constant 0 : i32
    %dma_start3A_30 = arith.constant 0 : i32
    %dma_start3A_31 = tpu.memref_slice %dma_start3A_28[%dma_start3A_29, %dma_start3A_30] : memref<10000x64xf32, #tpu.memory_space<hbm>> -> memref<10000x64xf32, #tpu.memory_space<hbm>>
    tpu.enqueue_indirect_dma source(%dma_start3A_31 : memref<10000x64xf32, #tpu.memory_space<hbm>>) target(%arg11 : memref<80x64xf32, #tpu.memory_space<vmem>>) offsets(%dma_start3A_24 : memref<80xi32, #tpu.memory_space<vmem>>) semaphore(%arg16 : memref<!tpu.dma_semaphore, #tpu.memory_space<semaphore_mem>>)
    %dma_start3A_32 = arith.constant 3 : i32
    %dma_start3A_33 = arith.constant 0 : i32
    %dma_start3A_34 = tpu.memref_slice %arg8[%dma_start3A_32, %dma_start3A_33] : memref<250x80xi32, #tpu.memory_space<vmem>> -> memref<1x80xi32, #tpu.memory_space<vmem>>
    %dma_start3A_35 = tpu.memref_squeeze %dma_start3A_34 : memref<1x80xi32, #tpu.memory_space<vmem>> -> memref<80xi32, #tpu.memory_space<vmem>>
    %dma_start3A_36 = arith.constant 0 : i32
    %dma_start3A_37 = arith.constant 0 : i32
    %dma_start3A_38 = tpu.memref_slice %arg2[%arg0, %dma_start3A_36, %dma_start3A_37] : memref<2x10000x64xf32, #tpu.memory_space<hbm>> -> memref<1x10000x64xf32, #tpu.memory_space<hbm>>
    %dma_start3A_39 = tpu.memref_squeeze %dma_start3A_38 : memref<1x10000x64xf32, #tpu.memory_space<hbm>> -> memref<10000x64xf32, #tpu.memory_space<hbm>>
    %dma_start3A_40 = arith.constant 0 : i32
    %dma_start3A_41 = arith.constant 0 : i32
    %dma_start3A_42 = tpu.memref_slice %dma_start3A_39[%dma_start3A_40, %dma_start3A_41] : memref<10000x64xf32, #tpu.memory_space<hbm>> -> memref<10000x64xf32, #tpu.memory_space<hbm>>
    tpu.enqueue_indirect_dma source(%dma_start3A_42 : memref<10000x64xf32, #tpu.memory_space<hbm>>) target(%arg12 : memref<80x64xf32, #tpu.memory_space<vmem>>) offsets(%dma_start3A_35 : memref<80xi32, #tpu.memory_space<vmem>>) semaphore(%arg17 : memref<!tpu.dma_semaphore, #tpu.memory_space<semaphore_mem>>)
    %dma_start3A_43 = arith.constant 4 : i32
    %dma_start3A_44 = arith.constant 0 : i32
    %dma_start3A_45 = tpu.memref_slice %arg8[%dma_start3A_43, %dma_start3A_44] : memref<250x80xi32, #tpu.memory_space<vmem>> -> memref<1x80xi32, #tpu.memory_space<vmem>>
    %dma_start3A_46 = tpu.memref_squeeze %dma_start3A_45 : memref<1x80xi32, #tpu.memory_space<vmem>> -> memref<80xi32, #tpu.memory_space<vmem>>
    %dma_start3A_47 = arith.constant 0 : i32
    %dma_start3A_48 = arith.constant 0 : i32
    %dma_start3A_49 = tpu.memref_slice %arg2[%arg0, %dma_start3A_47, %dma_start3A_48] : memref<2x10000x64xf32, #tpu.memory_space<hbm>> -> memref<1x10000x64xf32, #tpu.memory_space<hbm>>
    %dma_start3A_50 = tpu.memref_squeeze %dma_start3A_49 : memref<1x10000x64xf32, #tpu.memory_space<hbm>> -> memref<10000x64xf32, #tpu.memory_space<hbm>>
    %dma_start3A_51 = arith.constant 0 : i32
    %dma_start3A_52 = arith.constant 0 : i32
    %dma_start3A_53 = tpu.memref_slice %dma_start3A_50[%dma_start3A_51, %dma_start3A_52] : memref<10000x64xf32, #tpu.memory_space<hbm>> -> memref<10000x64xf32, #tpu.memory_space<hbm>>
    tpu.enqueue_indirect_dma source(%dma_start3A_53 : memref<10000x64xf32, #tpu.memory_space<hbm>>) target(%arg13 : memref<80x64xf32, #tpu.memory_space<vmem>>) offsets(%dma_start3A_46 : memref<80xi32, #tpu.memory_space<vmem>>) semaphore(%arg18 : memref<!tpu.dma_semaphore, #tpu.memory_space<semaphore_mem>>)
    %mul3A = arith.constant 640 : i32
    %mul3A_54 = arith.muli %arg1, %mul3A : i32
    "tpu.region"() ({
      %run_scoped3A_123 = tpu.sem_alloc : memref<!tpu.dma_semaphore, #tpu.memory_space<semaphore_mem>>
      %dma_start3A_124 = arith.constant 0 : i32
      %dma_start3A_125 = tpu.memref_slice %arg19[%mul3A_54, %dma_start3A_124] : memref<10240x64xf32, #tpu.memory_space<vmem_shared>> -> memref<640x64xf32, #tpu.memory_space<vmem_shared>>
      tpu.enqueue_dma source(%arg5 : memref<640x64xf32, #tpu.memory_space<hbm>>) target(%dma_start3A_125 : memref<640x64xf32, #tpu.memory_space<vmem_shared>>) target_semaphore(%run_scoped3A_123 : memref<!tpu.dma_semaphore, #tpu.memory_space<semaphore_mem>>)
      %dma_wait3A_126 = arith.constant 0 : i32
      %dma_wait3A_127 = tpu.memref_slice %arg19[%mul3A_54, %dma_wait3A_126] : memref<10240x64xf32, #tpu.memory_space<vmem_shared>> -> memref<640x64xf32, #tpu.memory_space<vmem_shared>>
      tpu.wait_dma2 semaphore(%run_scoped3A_123 : memref<!tpu.dma_semaphore, #tpu.memory_space<semaphore_mem>>) src(%arg5 : memref<640x64xf32, #tpu.memory_space<hbm>>) dst(%dma_wait3A_127 : memref<640x64xf32, #tpu.memory_space<vmem_shared>>)
      tpu.yield
    }) : () -> ()
    %barrier3A = arith.constant 0 : index
    tpu.barrier barrier_id(%barrier3A)
    %scan3A = arith.constant 0 : i32
    %scan3A_55 = arith.constant 0 : i32
    %scan3A_56 = arith.constant 49 : i32
    %scan3A_57 = arith.addi %scan3A_55, %scan3A_56 : i32
    %scan3A_58 = arith.constant 1 : i32
    scf.for %scan3A_123 = %scan3A_55 to %scan3A_57 step %scan3A_58  : i32 {
      %mul3A_124 = arith.constant 5 : i32
      %mul3A_125 = arith.muli %scan3A_123, %mul3A_124 : i32
      %add3A = arith.constant 0 : i32
      %add3A_126 = arith.addi %mul3A_125, %add3A : i32
      %dma_wait3A_127 = arith.constant 0 : i32
      %dma_wait3A_128 = tpu.memref_slice %arg8[%add3A_126, %dma_wait3A_127] : memref<250x80xi32, #tpu.memory_space<vmem>> -> memref<1x80xi32, #tpu.memory_space<vmem>>
      %dma_wait3A_129 = tpu.memref_squeeze %dma_wait3A_128 : memref<1x80xi32, #tpu.memory_space<vmem>> -> memref<80xi32, #tpu.memory_space<vmem>>
      %dma_wait3A_130 = arith.constant 0 : i32
      %dma_wait3A_131 = arith.constant 0 : i32
      %dma_wait3A_132 = tpu.memref_slice %arg2[%arg0, %dma_wait3A_130, %dma_wait3A_131] : memref<2x10000x64xf32, #tpu.memory_space<hbm>> -> memref<1x10000x64xf32, #tpu.memory_space<hbm>>
      %dma_wait3A_133 = tpu.memref_squeeze %dma_wait3A_132 : memref<1x10000x64xf32, #tpu.memory_space<hbm>> -> memref<10000x64xf32, #tpu.memory_space<hbm>>
      %dma_wait3A_134 = arith.constant 0 : i32
      %dma_wait3A_135 = arith.constant 0 : i32
      %dma_wait3A_136 = tpu.memref_slice %dma_wait3A_133[%dma_wait3A_134, %dma_wait3A_135] : memref<10000x64xf32, #tpu.memory_space<hbm>> -> memref<10000x64xf32, #tpu.memory_space<hbm>>
      tpu.wait_indirect_dma semaphore(%arg14 : memref<!tpu.dma_semaphore, #tpu.memory_space<semaphore_mem>>) src(%dma_wait3A_136 : memref<10000x64xf32, #tpu.memory_space<hbm>>) dst(%arg9 : memref<80x64xf32, #tpu.memory_space<vmem>>)
      "tpu.region"() ({
        %run_scoped3A_253 = tpu.sem_alloc : memref<!tpu.dma_semaphore, #tpu.memory_space<semaphore_mem>>
        %dma_start3A_254 = arith.constant 0 : i32
        %dma_start3A_255 = tpu.memref_slice %arg7[%add3A_126, %dma_start3A_254] : memref<250x80xi32, #tpu.memory_space<vmem>> -> memref<1x80xi32, #tpu.memory_space<vmem>>
        %dma_start3A_256 = tpu.memref_squeeze %dma_start3A_255 : memref<1x80xi32, #tpu.memory_space<vmem>> -> memref<80xi32, #tpu.memory_space<vmem>>
        %dma_start3A_257 = arith.constant 0 : i32
        %dma_start3A_258 = arith.constant 0 : i32
        %dma_start3A_259 = tpu.memref_slice %arg19[%dma_start3A_257, %dma_start3A_258] : memref<10240x64xf32, #tpu.memory_space<vmem_shared>> -> memref<10240x64xf32, #tpu.memory_space<vmem_shared>>
        tpu.enqueue_indirect_dma source(%arg9 : memref<80x64xf32, #tpu.memory_space<vmem>>) target(%dma_start3A_259 : memref<10240x64xf32, #tpu.memory_space<vmem_shared>>) offsets(%dma_start3A_256 : memref<80xi32, #tpu.memory_space<vmem>>) semaphore(%run_scoped3A_253 : memref<!tpu.dma_semaphore, #tpu.memory_space<semaphore_mem>>) {add = true}
        %dma_wait3A_260 = arith.constant 0 : i32
        %dma_wait3A_261 = tpu.memref_slice %arg7[%add3A_126, %dma_wait3A_260] : memref<250x80xi32, #tpu.memory_space<vmem>> -> memref<1x80xi32, #tpu.memory_space<vmem>>
        %dma_wait3A_262 = tpu.memref_squeeze %dma_wait3A_261 : memref<1x80xi32, #tpu.memory_space<vmem>> -> memref<80xi32, #tpu.memory_space<vmem>>
        %dma_wait3A_263 = arith.constant 0 : i32
        %dma_wait3A_264 = arith.constant 0 : i32
        %dma_wait3A_265 = tpu.memref_slice %arg19[%dma_wait3A_263, %dma_wait3A_264] : memref<10240x64xf32, #tpu.memory_space<vmem_shared>> -> memref<10240x64xf32, #tpu.memory_space<vmem_shared>>
        tpu.wait_indirect_dma semaphore(%run_scoped3A_253 : memref<!tpu.dma_semaphore, #tpu.memory_space<semaphore_mem>>) src(%arg9 : memref<80x64xf32, #tpu.memory_space<vmem>>) dst(%dma_wait3A_265 : memref<10240x64xf32, #tpu.memory_space<vmem_shared>>)
        tpu.yield
      }) : () -> ()
      %add3A_137 = arith.constant 5 : i32
      %add3A_138 = arith.addi %add3A_126, %add3A_137 : i32
      %dma_start3A_139 = arith.constant 0 : i32
      %dma_start3A_140 = tpu.memref_slice %arg8[%add3A_138, %dma_start3A_139] : memref<250x80xi32, #tpu.memory_space<vmem>> -> memref<1x80xi32, #tpu.memory_space<vmem>>
      %dma_start3A_141 = tpu.memref_squeeze %dma_start3A_140 : memref<1x80xi32, #tpu.memory_space<vmem>> -> memref<80xi32, #tpu.memory_space<vmem>>
      %dma_start3A_142 = arith.constant 0 : i32
      %dma_start3A_143 = arith.constant 0 : i32
      %dma_start3A_144 = tpu.memref_slice %arg2[%arg0, %dma_start3A_142, %dma_start3A_143] : memref<2x10000x64xf32, #tpu.memory_space<hbm>> -> memref<1x10000x64xf32, #tpu.memory_space<hbm>>
      %dma_start3A_145 = tpu.memref_squeeze %dma_start3A_144 : memref<1x10000x64xf32, #tpu.memory_space<hbm>> -> memref<10000x64xf32, #tpu.memory_space<hbm>>
      %dma_start3A_146 = arith.constant 0 : i32
      %dma_start3A_147 = arith.constant 0 : i32
      %dma_start3A_148 = tpu.memref_slice %dma_start3A_145[%dma_start3A_146, %dma_start3A_147] : memref<10000x64xf32, #tpu.memory_space<hbm>> -> memref<10000x64xf32, #tpu.memory_space<hbm>>
      tpu.enqueue_indirect_dma source(%dma_start3A_148 : memref<10000x64xf32, #tpu.memory_space<hbm>>) target(%arg9 : memref<80x64xf32, #tpu.memory_space<vmem>>) offsets(%dma_start3A_141 : memref<80xi32, #tpu.memory_space<vmem>>) semaphore(%arg14 : memref<!tpu.dma_semaphore, #tpu.memory_space<semaphore_mem>>)
      %mul3A_149 = arith.constant 5 : i32
      %mul3A_150 = arith.muli %scan3A_123, %mul3A_149 : i32
      %add3A_151 = arith.constant 1 : i32
      %add3A_152 = arith.addi %mul3A_150, %add3A_151 : i32
      %dma_wait3A_153 = arith.constant 0 : i32
      %dma_wait3A_154 = tpu.memref_slice %arg8[%add3A_152, %dma_wait3A_153] : memref<250x80xi32, #tpu.memory_space<vmem>> -> memref<1x80xi32, #tpu.memory_space<vmem>>
      %dma_wait3A_155 = tpu.memref_squeeze %dma_wait3A_154 : memref<1x80xi32, #tpu.memory_space<vmem>> -> memref<80xi32, #tpu.memory_space<vmem>>
      %dma_wait3A_156 = arith.constant 0 : i32
      %dma_wait3A_157 = arith.constant 0 : i32
      %dma_wait3A_158 = tpu.memref_slice %arg2[%arg0, %dma_wait3A_156, %dma_wait3A_157] : memref<2x10000x64xf32, #tpu.memory_space<hbm>> -> memref<1x10000x64xf32, #tpu.memory_space<hbm>>
      %dma_wait3A_159 = tpu.memref_squeeze %dma_wait3A_158 : memref<1x10000x64xf32, #tpu.memory_space<hbm>> -> memref<10000x64xf32, #tpu.memory_space<hbm>>
      %dma_wait3A_160 = arith.constant 0 : i32
      %dma_wait3A_161 = arith.constant 0 : i32
      %dma_wait3A_162 = tpu.memref_slice %dma_wait3A_159[%dma_wait3A_160, %dma_wait3A_161] : memref<10000x64xf32, #tpu.memory_space<hbm>> -> memref<10000x64xf32, #tpu.memory_space<hbm>>
      tpu.wait_indirect_dma semaphore(%arg15 : memref<!tpu.dma_semaphore, #tpu.memory_space<semaphore_mem>>) src(%dma_wait3A_162 : memref<10000x64xf32, #tpu.memory_space<hbm>>) dst(%arg10 : memref<80x64xf32, #tpu.memory_space<vmem>>)
      "tpu.region"() ({
        %run_scoped3A_253 = tpu.sem_alloc : memref<!tpu.dma_semaphore, #tpu.memory_space<semaphore_mem>>
        %dma_start3A_254 = arith.constant 0 : i32
        %dma_start3A_255 = tpu.memref_slice %arg7[%add3A_152, %dma_start3A_254] : memref<250x80xi32, #tpu.memory_space<vmem>> -> memref<1x80xi32, #tpu.memory_space<vmem>>
        %dma_start3A_256 = tpu.memref_squeeze %dma_start3A_255 : memref<1x80xi32, #tpu.memory_space<vmem>> -> memref<80xi32, #tpu.memory_space<vmem>>
        %dma_start3A_257 = arith.constant 0 : i32
        %dma_start3A_258 = arith.constant 0 : i32
        %dma_start3A_259 = tpu.memref_slice %arg19[%dma_start3A_257, %dma_start3A_258] : memref<10240x64xf32, #tpu.memory_space<vmem_shared>> -> memref<10240x64xf32, #tpu.memory_space<vmem_shared>>
        tpu.enqueue_indirect_dma source(%arg10 : memref<80x64xf32, #tpu.memory_space<vmem>>) target(%dma_start3A_259 : memref<10240x64xf32, #tpu.memory_space<vmem_shared>>) offsets(%dma_start3A_256 : memref<80xi32, #tpu.memory_space<vmem>>) semaphore(%run_scoped3A_253 : memref<!tpu.dma_semaphore, #tpu.memory_space<semaphore_mem>>) {add = true}
        %dma_wait3A_260 = arith.constant 0 : i32
        %dma_wait3A_261 = tpu.memref_slice %arg7[%add3A_152, %dma_wait3A_260] : memref<250x80xi32, #tpu.memory_space<vmem>> -> memref<1x80xi32, #tpu.memory_space<vmem>>
        %dma_wait3A_262 = tpu.memref_squeeze %dma_wait3A_261 : memref<1x80xi32, #tpu.memory_space<vmem>> -> memref<80xi32, #tpu.memory_space<vmem>>
        %dma_wait3A_263 = arith.constant 0 : i32
        %dma_wait3A_264 = arith.constant 0 : i32
        %dma_wait3A_265 = tpu.memref_slice %arg19[%dma_wait3A_263, %dma_wait3A_264] : memref<10240x64xf32, #tpu.memory_space<vmem_shared>> -> memref<10240x64xf32, #tpu.memory_space<vmem_shared>>
        tpu.wait_indirect_dma semaphore(%run_scoped3A_253 : memref<!tpu.dma_semaphore, #tpu.memory_space<semaphore_mem>>) src(%arg10 : memref<80x64xf32, #tpu.memory_space<vmem>>) dst(%dma_wait3A_265 : memref<10240x64xf32, #tpu.memory_space<vmem_shared>>)
        tpu.yield
      }) : () -> ()
      %add3A_163 = arith.constant 5 : i32
      %add3A_164 = arith.addi %add3A_152, %add3A_163 : i32
      %dma_start3A_165 = arith.constant 0 : i32
      %dma_start3A_166 = tpu.memref_slice %arg8[%add3A_164, %dma_start3A_165] : memref<250x80xi32, #tpu.memory_space<vmem>> -> memref<1x80xi32, #tpu.memory_space<vmem>>
      %dma_start3A_167 = tpu.memref_squeeze %dma_start3A_166 : memref<1x80xi32, #tpu.memory_space<vmem>> -> memref<80xi32, #tpu.memory_space<vmem>>
      %dma_start3A_168 = arith.constant 0 : i32
      %dma_start3A_169 = arith.constant 0 : i32
      %dma_start3A_170 = tpu.memref_slice %arg2[%arg0, %dma_start3A_168, %dma_start3A_169] : memref<2x10000x64xf32, #tpu.memory_space<hbm>> -> memref<1x10000x64xf32, #tpu.memory_space<hbm>>
      %dma_start3A_171 = tpu.memref_squeeze %dma_start3A_170 : memref<1x10000x64xf32, #tpu.memory_space<hbm>> -> memref<10000x64xf32, #tpu.memory_space<hbm>>
      %dma_start3A_172 = arith.constant 0 : i32
      %dma_start3A_173 = arith.constant 0 : i32
      %dma_start3A_174 = tpu.memref_slice %dma_start3A_171[%dma_start3A_172, %dma_start3A_173] : memref<10000x64xf32, #tpu.memory_space<hbm>> -> memref<10000x64xf32, #tpu.memory_space<hbm>>
      tpu.enqueue_indirect_dma source(%dma_start3A_174 : memref<10000x64xf32, #tpu.memory_space<hbm>>) target(%arg10 : memref<80x64xf32, #tpu.memory_space<vmem>>) offsets(%dma_start3A_167 : memref<80xi32, #tpu.memory_space<vmem>>) semaphore(%arg15 : memref<!tpu.dma_semaphore, #tpu.memory_space<semaphore_mem>>)
      %mul3A_175 = arith.constant 5 : i32
      %mul3A_176 = arith.muli %scan3A_123, %mul3A_175 : i32
      %add3A_177 = arith.constant 2 : i32
      %add3A_178 = arith.addi %mul3A_176, %add3A_177 : i32
      %dma_wait3A_179 = arith.constant 0 : i32
      %dma_wait3A_180 = tpu.memref_slice %arg8[%add3A_178, %dma_wait3A_179] : memref<250x80xi32, #tpu.memory_space<vmem>> -> memref<1x80xi32, #tpu.memory_space<vmem>>
      %dma_wait3A_181 = tpu.memref_squeeze %dma_wait3A_180 : memref<1x80xi32, #tpu.memory_space<vmem>> -> memref<80xi32, #tpu.memory_space<vmem>>
      %dma_wait3A_182 = arith.constant 0 : i32
      %dma_wait3A_183 = arith.constant 0 : i32
      %dma_wait3A_184 = tpu.memref_slice %arg2[%arg0, %dma_wait3A_182, %dma_wait3A_183] : memref<2x10000x64xf32, #tpu.memory_space<hbm>> -> memref<1x10000x64xf32, #tpu.memory_space<hbm>>
      %dma_wait3A_185 = tpu.memref_squeeze %dma_wait3A_184 : memref<1x10000x64xf32, #tpu.memory_space<hbm>> -> memref<10000x64xf32, #tpu.memory_space<hbm>>
      %dma_wait3A_186 = arith.constant 0 : i32
      %dma_wait3A_187 = arith.constant 0 : i32
      %dma_wait3A_188 = tpu.memref_slice %dma_wait3A_185[%dma_wait3A_186, %dma_wait3A_187] : memref<10000x64xf32, #tpu.memory_space<hbm>> -> memref<10000x64xf32, #tpu.memory_space<hbm>>
      tpu.wait_indirect_dma semaphore(%arg16 : memref<!tpu.dma_semaphore, #tpu.memory_space<semaphore_mem>>) src(%dma_wait3A_188 : memref<10000x64xf32, #tpu.memory_space<hbm>>) dst(%arg11 : memref<80x64xf32, #tpu.memory_space<vmem>>)
      "tpu.region"() ({
        %run_scoped3A_253 = tpu.sem_alloc : memref<!tpu.dma_semaphore, #tpu.memory_space<semaphore_mem>>
        %dma_start3A_254 = arith.constant 0 : i32
        %dma_start3A_255 = tpu.memref_slice %arg7[%add3A_178, %dma_start3A_254] : memref<250x80xi32, #tpu.memory_space<vmem>> -> memref<1x80xi32, #tpu.memory_space<vmem>>
        %dma_start3A_256 = tpu.memref_squeeze %dma_start3A_255 : memref<1x80xi32, #tpu.memory_space<vmem>> -> memref<80xi32, #tpu.memory_space<vmem>>
        %dma_start3A_257 = arith.constant 0 : i32
        %dma_start3A_258 = arith.constant 0 : i32
        %dma_start3A_259 = tpu.memref_slice %arg19[%dma_start3A_257, %dma_start3A_258] : memref<10240x64xf32, #tpu.memory_space<vmem_shared>> -> memref<10240x64xf32, #tpu.memory_space<vmem_shared>>
        tpu.enqueue_indirect_dma source(%arg11 : memref<80x64xf32, #tpu.memory_space<vmem>>) target(%dma_start3A_259 : memref<10240x64xf32, #tpu.memory_space<vmem_shared>>) offsets(%dma_start3A_256 : memref<80xi32, #tpu.memory_space<vmem>>) semaphore(%run_scoped3A_253 : memref<!tpu.dma_semaphore, #tpu.memory_space<semaphore_mem>>) {add = true}
        %dma_wait3A_260 = arith.constant 0 : i32
        %dma_wait3A_261 = tpu.memref_slice %arg7[%add3A_178, %dma_wait3A_260] : memref<250x80xi32, #tpu.memory_space<vmem>> -> memref<1x80xi32, #tpu.memory_space<vmem>>
        %dma_wait3A_262 = tpu.memref_squeeze %dma_wait3A_261 : memref<1x80xi32, #tpu.memory_space<vmem>> -> memref<80xi32, #tpu.memory_space<vmem>>
        %dma_wait3A_263 = arith.constant 0 : i32
        %dma_wait3A_264 = arith.constant 0 : i32
        %dma_wait3A_265 = tpu.memref_slice %arg19[%dma_wait3A_263, %dma_wait3A_264] : memref<10240x64xf32, #tpu.memory_space<vmem_shared>> -> memref<10240x64xf32, #tpu.memory_space<vmem_shared>>
        tpu.wait_indirect_dma semaphore(%run_scoped3A_253 : memref<!tpu.dma_semaphore, #tpu.memory_space<semaphore_mem>>) src(%arg11 : memref<80x64xf32, #tpu.memory_space<vmem>>) dst(%dma_wait3A_265 : memref<10240x64xf32, #tpu.memory_space<vmem_shared>>)
        tpu.yield
      }) : () -> ()
      %add3A_189 = arith.constant 5 : i32
      %add3A_190 = arith.addi %add3A_178, %add3A_189 : i32
      %dma_start3A_191 = arith.constant 0 : i32
      %dma_start3A_192 = tpu.memref_slice %arg8[%add3A_190, %dma_start3A_191] : memref<250x80xi32, #tpu.memory_space<vmem>> -> memref<1x80xi32, #tpu.memory_space<vmem>>
      %dma_start3A_193 = tpu.memref_squeeze %dma_start3A_192 : memref<1x80xi32, #tpu.memory_space<vmem>> -> memref<80xi32, #tpu.memory_space<vmem>>
      %dma_start3A_194 = arith.constant 0 : i32
      %dma_start3A_195 = arith.constant 0 : i32
      %dma_start3A_196 = tpu.memref_slice %arg2[%arg0, %dma_start3A_194, %dma_start3A_195] : memref<2x10000x64xf32, #tpu.memory_space<hbm>> -> memref<1x10000x64xf32, #tpu.memory_space<hbm>>
      %dma_start3A_197 = tpu.memref_squeeze %dma_start3A_196 : memref<1x10000x64xf32, #tpu.memory_space<hbm>> -> memref<10000x64xf32, #tpu.memory_space<hbm>>
      %dma_start3A_198 = arith.constant 0 : i32
      %dma_start3A_199 = arith.constant 0 : i32
      %dma_start3A_200 = tpu.memref_slice %dma_start3A_197[%dma_start3A_198, %dma_start3A_199] : memref<10000x64xf32, #tpu.memory_space<hbm>> -> memref<10000x64xf32, #tpu.memory_space<hbm>>
      tpu.enqueue_indirect_dma source(%dma_start3A_200 : memref<10000x64xf32, #tpu.memory_space<hbm>>) target(%arg11 : memref<80x64xf32, #tpu.memory_space<vmem>>) offsets(%dma_start3A_193 : memref<80xi32, #tpu.memory_space<vmem>>) semaphore(%arg16 : memref<!tpu.dma_semaphore, #tpu.memory_space<semaphore_mem>>)
      %mul3A_201 = arith.constant 5 : i32
      %mul3A_202 = arith.muli %scan3A_123, %mul3A_201 : i32
      %add3A_203 = arith.constant 3 : i32
      %add3A_204 = arith.addi %mul3A_202, %add3A_203 : i32
      %dma_wait3A_205 = arith.constant 0 : i32
      %dma_wait3A_206 = tpu.memref_slice %arg8[%add3A_204, %dma_wait3A_205] : memref<250x80xi32, #tpu.memory_space<vmem>> -> memref<1x80xi32, #tpu.memory_space<vmem>>
      %dma_wait3A_207 = tpu.memref_squeeze %dma_wait3A_206 : memref<1x80xi32, #tpu.memory_space<vmem>> -> memref<80xi32, #tpu.memory_space<vmem>>
      %dma_wait3A_208 = arith.constant 0 : i32
      %dma_wait3A_209 = arith.constant 0 : i32
      %dma_wait3A_210 = tpu.memref_slice %arg2[%arg0, %dma_wait3A_208, %dma_wait3A_209] : memref<2x10000x64xf32, #tpu.memory_space<hbm>> -> memref<1x10000x64xf32, #tpu.memory_space<hbm>>
      %dma_wait3A_211 = tpu.memref_squeeze %dma_wait3A_210 : memref<1x10000x64xf32, #tpu.memory_space<hbm>> -> memref<10000x64xf32, #tpu.memory_space<hbm>>
      %dma_wait3A_212 = arith.constant 0 : i32
      %dma_wait3A_213 = arith.constant 0 : i32
      %dma_wait3A_214 = tpu.memref_slice %dma_wait3A_211[%dma_wait3A_212, %dma_wait3A_213] : memref<10000x64xf32, #tpu.memory_space<hbm>> -> memref<10000x64xf32, #tpu.memory_space<hbm>>
      tpu.wait_indirect_dma semaphore(%arg17 : memref<!tpu.dma_semaphore, #tpu.memory_space<semaphore_mem>>) src(%dma_wait3A_214 : memref<10000x64xf32, #tpu.memory_space<hbm>>) dst(%arg12 : memref<80x64xf32, #tpu.memory_space<vmem>>)
      "tpu.region"() ({
        %run_scoped3A_253 = tpu.sem_alloc : memref<!tpu.dma_semaphore, #tpu.memory_space<semaphore_mem>>
        %dma_start3A_254 = arith.constant 0 : i32
        %dma_start3A_255 = tpu.memref_slice %arg7[%add3A_204, %dma_start3A_254] : memref<250x80xi32, #tpu.memory_space<vmem>> -> memref<1x80xi32, #tpu.memory_space<vmem>>
        %dma_start3A_256 = tpu.memref_squeeze %dma_start3A_255 : memref<1x80xi32, #tpu.memory_space<vmem>> -> memref<80xi32, #tpu.memory_space<vmem>>
        %dma_start3A_257 = arith.constant 0 : i32
        %dma_start3A_258 = arith.constant 0 : i32
        %dma_start3A_259 = tpu.memref_slice %arg19[%dma_start3A_257, %dma_start3A_258] : memref<10240x64xf32, #tpu.memory_space<vmem_shared>> -> memref<10240x64xf32, #tpu.memory_space<vmem_shared>>
        tpu.enqueue_indirect_dma source(%arg12 : memref<80x64xf32, #tpu.memory_space<vmem>>) target(%dma_start3A_259 : memref<10240x64xf32, #tpu.memory_space<vmem_shared>>) offsets(%dma_start3A_256 : memref<80xi32, #tpu.memory_space<vmem>>) semaphore(%run_scoped3A_253 : memref<!tpu.dma_semaphore, #tpu.memory_space<semaphore_mem>>) {add = true}
        %dma_wait3A_260 = arith.constant 0 : i32
        %dma_wait3A_261 = tpu.memref_slice %arg7[%add3A_204, %dma_wait3A_260] : memref<250x80xi32, #tpu.memory_space<vmem>> -> memref<1x80xi32, #tpu.memory_space<vmem>>
        %dma_wait3A_262 = tpu.memref_squeeze %dma_wait3A_261 : memref<1x80xi32, #tpu.memory_space<vmem>> -> memref<80xi32, #tpu.memory_space<vmem>>
        %dma_wait3A_263 = arith.constant 0 : i32
        %dma_wait3A_264 = arith.constant 0 : i32
        %dma_wait3A_265 = tpu.memref_slice %arg19[%dma_wait3A_263, %dma_wait3A_264] : memref<10240x64xf32, #tpu.memory_space<vmem_shared>> -> memref<10240x64xf32, #tpu.memory_space<vmem_shared>>
        tpu.wait_indirect_dma semaphore(%run_scoped3A_253 : memref<!tpu.dma_semaphore, #tpu.memory_space<semaphore_mem>>) src(%arg12 : memref<80x64xf32, #tpu.memory_space<vmem>>) dst(%dma_wait3A_265 : memref<10240x64xf32, #tpu.memory_space<vmem_shared>>)
        tpu.yield
      }) : () -> ()
      %add3A_215 = arith.constant 5 : i32
      %add3A_216 = arith.addi %add3A_204, %add3A_215 : i32
      %dma_start3A_217 = arith.constant 0 : i32
      %dma_start3A_218 = tpu.memref_slice %arg8[%add3A_216, %dma_start3A_217] : memref<250x80xi32, #tpu.memory_space<vmem>> -> memref<1x80xi32, #tpu.memory_space<vmem>>
      %dma_start3A_219 = tpu.memref_squeeze %dma_start3A_218 : memref<1x80xi32, #tpu.memory_space<vmem>> -> memref<80xi32, #tpu.memory_space<vmem>>
      %dma_start3A_220 = arith.constant 0 : i32
      %dma_start3A_221 = arith.constant 0 : i32
      %dma_start3A_222 = tpu.memref_slice %arg2[%arg0, %dma_start3A_220, %dma_start3A_221] : memref<2x10000x64xf32, #tpu.memory_space<hbm>> -> memref<1x10000x64xf32, #tpu.memory_space<hbm>>
      %dma_start3A_223 = tpu.memref_squeeze %dma_start3A_222 : memref<1x10000x64xf32, #tpu.memory_space<hbm>> -> memref<10000x64xf32, #tpu.memory_space<hbm>>
      %dma_start3A_224 = arith.constant 0 : i32
      %dma_start3A_225 = arith.constant 0 : i32
      %dma_start3A_226 = tpu.memref_slice %dma_start3A_223[%dma_start3A_224, %dma_start3A_225] : memref<10000x64xf32, #tpu.memory_space<hbm>> -> memref<10000x64xf32, #tpu.memory_space<hbm>>
      tpu.enqueue_indirect_dma source(%dma_start3A_226 : memref<10000x64xf32, #tpu.memory_space<hbm>>) target(%arg12 : memref<80x64xf32, #tpu.memory_space<vmem>>) offsets(%dma_start3A_219 : memref<80xi32, #tpu.memory_space<vmem>>) semaphore(%arg17 : memref<!tpu.dma_semaphore, #tpu.memory_space<semaphore_mem>>)
      %mul3A_227 = arith.constant 5 : i32
      %mul3A_228 = arith.muli %scan3A_123, %mul3A_227 : i32
      %add3A_229 = arith.constant 4 : i32
      %add3A_230 = arith.addi %mul3A_228, %add3A_229 : i32
      %dma_wait3A_231 = arith.constant 0 : i32
      %dma_wait3A_232 = tpu.memref_slice %arg8[%add3A_230, %dma_wait3A_231] : memref<250x80xi32, #tpu.memory_space<vmem>> -> memref<1x80xi32, #tpu.memory_space<vmem>>
      %dma_wait3A_233 = tpu.memref_squeeze %dma_wait3A_232 : memref<1x80xi32, #tpu.memory_space<vmem>> -> memref<80xi32, #tpu.memory_space<vmem>>
      %dma_wait3A_234 = arith.constant 0 : i32
      %dma_wait3A_235 = arith.constant 0 : i32
      %dma_wait3A_236 = tpu.memref_slice %arg2[%arg0, %dma_wait3A_234, %dma_wait3A_235] : memref<2x10000x64xf32, #tpu.memory_space<hbm>> -> memref<1x10000x64xf32, #tpu.memory_space<hbm>>
      %dma_wait3A_237 = tpu.memref_squeeze %dma_wait3A_236 : memref<1x10000x64xf32, #tpu.memory_space<hbm>> -> memref<10000x64xf32, #tpu.memory_space<hbm>>
      %dma_wait3A_238 = arith.constant 0 : i32
      %dma_wait3A_239 = arith.constant 0 : i32
      %dma_wait3A_240 = tpu.memref_slice %dma_wait3A_237[%dma_wait3A_238, %dma_wait3A_239] : memref<10000x64xf32, #tpu.memory_space<hbm>> -> memref<10000x64xf32, #tpu.memory_space<hbm>>
      tpu.wait_indirect_dma semaphore(%arg18 : memref<!tpu.dma_semaphore, #tpu.memory_space<semaphore_mem>>) src(%dma_wait3A_240 : memref<10000x64xf32, #tpu.memory_space<hbm>>) dst(%arg13 : memref<80x64xf32, #tpu.memory_space<vmem>>)
      "tpu.region"() ({
        %run_scoped3A_253 = tpu.sem_alloc : memref<!tpu.dma_semaphore, #tpu.memory_space<semaphore_mem>>
        %dma_start3A_254 = arith.constant 0 : i32
        %dma_start3A_255 = tpu.memref_slice %arg7[%add3A_230, %dma_start3A_254] : memref<250x80xi32, #tpu.memory_space<vmem>> -> memref<1x80xi32, #tpu.memory_space<vmem>>
        %dma_start3A_256 = tpu.memref_squeeze %dma_start3A_255 : memref<1x80xi32, #tpu.memory_space<vmem>> -> memref<80xi32, #tpu.memory_space<vmem>>
        %dma_start3A_257 = arith.constant 0 : i32
        %dma_start3A_258 = arith.constant 0 : i32
        %dma_start3A_259 = tpu.memref_slice %arg19[%dma_start3A_257, %dma_start3A_258] : memref<10240x64xf32, #tpu.memory_space<vmem_shared>> -> memref<10240x64xf32, #tpu.memory_space<vmem_shared>>
        tpu.enqueue_indirect_dma source(%arg13 : memref<80x64xf32, #tpu.memory_space<vmem>>) target(%dma_start3A_259 : memref<10240x64xf32, #tpu.memory_space<vmem_shared>>) offsets(%dma_start3A_256 : memref<80xi32, #tpu.memory_space<vmem>>) semaphore(%run_scoped3A_253 : memref<!tpu.dma_semaphore, #tpu.memory_space<semaphore_mem>>) {add = true}
        %dma_wait3A_260 = arith.constant 0 : i32
        %dma_wait3A_261 = tpu.memref_slice %arg7[%add3A_230, %dma_wait3A_260] : memref<250x80xi32, #tpu.memory_space<vmem>> -> memref<1x80xi32, #tpu.memory_space<vmem>>
        %dma_wait3A_262 = tpu.memref_squeeze %dma_wait3A_261 : memref<1x80xi32, #tpu.memory_space<vmem>> -> memref<80xi32, #tpu.memory_space<vmem>>
        %dma_wait3A_263 = arith.constant 0 : i32
        %dma_wait3A_264 = arith.constant 0 : i32
        %dma_wait3A_265 = tpu.memref_slice %arg19[%dma_wait3A_263, %dma_wait3A_264] : memref<10240x64xf32, #tpu.memory_space<vmem_shared>> -> memref<10240x64xf32, #tpu.memory_space<vmem_shared>>
        tpu.wait_indirect_dma semaphore(%run_scoped3A_253 : memref<!tpu.dma_semaphore, #tpu.memory_space<semaphore_mem>>) src(%arg13 : memref<80x64xf32, #tpu.memory_space<vmem>>) dst(%dma_wait3A_265 : memref<10240x64xf32, #tpu.memory_space<vmem_shared>>)
        tpu.yield
      }) : () -> ()
      %add3A_241 = arith.constant 5 : i32
      %add3A_242 = arith.addi %add3A_230, %add3A_241 : i32
      %dma_start3A_243 = arith.constant 0 : i32
      %dma_start3A_244 = tpu.memref_slice %arg8[%add3A_242, %dma_start3A_243] : memref<250x80xi32, #tpu.memory_space<vmem>> -> memref<1x80xi32, #tpu.memory_space<vmem>>
      %dma_start3A_245 = tpu.memref_squeeze %dma_start3A_244 : memref<1x80xi32, #tpu.memory_space<vmem>> -> memref<80xi32, #tpu.memory_space<vmem>>
      %dma_start3A_246 = arith.constant 0 : i32
      %dma_start3A_247 = arith.constant 0 : i32
      %dma_start3A_248 = tpu.memref_slice %arg2[%arg0, %dma_start3A_246, %dma_start3A_247] : memref<2x10000x64xf32, #tpu.memory_space<hbm>> -> memref<1x10000x64xf32, #tpu.memory_space<hbm>>
      %dma_start3A_249 = tpu.memref_squeeze %dma_start3A_248 : memref<1x10000x64xf32, #tpu.memory_space<hbm>> -> memref<10000x64xf32, #tpu.memory_space<hbm>>
      %dma_start3A_250 = arith.constant 0 : i32
      %dma_start3A_251 = arith.constant 0 : i32
      %dma_start3A_252 = tpu.memref_slice %dma_start3A_249[%dma_start3A_250, %dma_start3A_251] : memref<10000x64xf32, #tpu.memory_space<hbm>> -> memref<10000x64xf32, #tpu.memory_space<hbm>>
      tpu.enqueue_indirect_dma source(%dma_start3A_252 : memref<10000x64xf32, #tpu.memory_space<hbm>>) target(%arg13 : memref<80x64xf32, #tpu.memory_space<vmem>>) offsets(%dma_start3A_245 : memref<80xi32, #tpu.memory_space<vmem>>) semaphore(%arg18 : memref<!tpu.dma_semaphore, #tpu.memory_space<semaphore_mem>>)
    }
    %scan3A_59 = arith.constant 49 : i32
    %dma_wait3A = arith.constant 245 : i32
    %dma_wait3A_60 = arith.constant 0 : i32
    %dma_wait3A_61 = tpu.memref_slice %arg8[%dma_wait3A, %dma_wait3A_60] : memref<250x80xi32, #tpu.memory_space<vmem>> -> memref<1x80xi32, #tpu.memory_space<vmem>>
    %dma_wait3A_62 = tpu.memref_squeeze %dma_wait3A_61 : memref<1x80xi32, #tpu.memory_space<vmem>> -> memref<80xi32, #tpu.memory_space<vmem>>
    %dma_wait3A_63 = arith.constant 0 : i32
    %dma_wait3A_64 = arith.constant 0 : i32
    %dma_wait3A_65 = tpu.memref_slice %arg2[%arg0, %dma_wait3A_63, %dma_wait3A_64] : memref<2x10000x64xf32, #tpu.memory_space<hbm>> -> memref<1x10000x64xf32, #tpu.memory_space<hbm>>
    %dma_wait3A_66 = tpu.memref_squeeze %dma_wait3A_65 : memref<1x10000x64xf32, #tpu.memory_space<hbm>> -> memref<10000x64xf32, #tpu.memory_space<hbm>>
    %dma_wait3A_67 = arith.constant 0 : i32
    %dma_wait3A_68 = arith.constant 0 : i32
    %dma_wait3A_69 = tpu.memref_slice %dma_wait3A_66[%dma_wait3A_67, %dma_wait3A_68] : memref<10000x64xf32, #tpu.memory_space<hbm>> -> memref<10000x64xf32, #tpu.memory_space<hbm>>
    tpu.wait_indirect_dma semaphore(%arg14 : memref<!tpu.dma_semaphore, #tpu.memory_space<semaphore_mem>>) src(%dma_wait3A_69 : memref<10000x64xf32, #tpu.memory_space<hbm>>) dst(%arg9 : memref<80x64xf32, #tpu.memory_space<vmem>>)
    %run_scoped3A = arith.constant 245 : i32
    "tpu.region"() ({
      %run_scoped3A_123 = tpu.sem_alloc : memref<!tpu.dma_semaphore, #tpu.memory_space<semaphore_mem>>
      %dma_start3A_124 = arith.constant 0 : i32
      %dma_start3A_125 = tpu.memref_slice %arg7[%run_scoped3A, %dma_start3A_124] : memref<250x80xi32, #tpu.memory_space<vmem>> -> memref<1x80xi32, #tpu.memory_space<vmem>>
      %dma_start3A_126 = tpu.memref_squeeze %dma_start3A_125 : memref<1x80xi32, #tpu.memory_space<vmem>> -> memref<80xi32, #tpu.memory_space<vmem>>
      %dma_start3A_127 = arith.constant 0 : i32
      %dma_start3A_128 = arith.constant 0 : i32
      %dma_start3A_129 = tpu.memref_slice %arg19[%dma_start3A_127, %dma_start3A_128] : memref<10240x64xf32, #tpu.memory_space<vmem_shared>> -> memref<10240x64xf32, #tpu.memory_space<vmem_shared>>
      tpu.enqueue_indirect_dma source(%arg9 : memref<80x64xf32, #tpu.memory_space<vmem>>) target(%dma_start3A_129 : memref<10240x64xf32, #tpu.memory_space<vmem_shared>>) offsets(%dma_start3A_126 : memref<80xi32, #tpu.memory_space<vmem>>) semaphore(%run_scoped3A_123 : memref<!tpu.dma_semaphore, #tpu.memory_space<semaphore_mem>>) {add = true}
      %dma_wait3A_130 = arith.constant 0 : i32
      %dma_wait3A_131 = tpu.memref_slice %arg7[%run_scoped3A, %dma_wait3A_130] : memref<250x80xi32, #tpu.memory_space<vmem>> -> memref<1x80xi32, #tpu.memory_space<vmem>>
      %dma_wait3A_132 = tpu.memref_squeeze %dma_wait3A_131 : memref<1x80xi32, #tpu.memory_space<vmem>> -> memref<80xi32, #tpu.memory_space<vmem>>
      %dma_wait3A_133 = arith.constant 0 : i32
      %dma_wait3A_134 = arith.constant 0 : i32
      %dma_wait3A_135 = tpu.memref_slice %arg19[%dma_wait3A_133, %dma_wait3A_134] : memref<10240x64xf32, #tpu.memory_space<vmem_shared>> -> memref<10240x64xf32, #tpu.memory_space<vmem_shared>>
      tpu.wait_indirect_dma semaphore(%run_scoped3A_123 : memref<!tpu.dma_semaphore, #tpu.memory_space<semaphore_mem>>) src(%arg9 : memref<80x64xf32, #tpu.memory_space<vmem>>) dst(%dma_wait3A_135 : memref<10240x64xf32, #tpu.memory_space<vmem_shared>>)
      tpu.yield
    }) : () -> ()
    %dma_wait3A_70 = arith.constant 246 : i32
    %dma_wait3A_71 = arith.constant 0 : i32
    %dma_wait3A_72 = tpu.memref_slice %arg8[%dma_wait3A_70, %dma_wait3A_71] : memref<250x80xi32, #tpu.memory_space<vmem>> -> memref<1x80xi32, #tpu.memory_space<vmem>>
    %dma_wait3A_73 = tpu.memref_squeeze %dma_wait3A_72 : memref<1x80xi32, #tpu.memory_space<vmem>> -> memref<80xi32, #tpu.memory_space<vmem>>
    %dma_wait3A_74 = arith.constant 0 : i32
    %dma_wait3A_75 = arith.constant 0 : i32
    %dma_wait3A_76 = tpu.memref_slice %arg2[%arg0, %dma_wait3A_74, %dma_wait3A_75] : memref<2x10000x64xf32, #tpu.memory_space<hbm>> -> memref<1x10000x64xf32, #tpu.memory_space<hbm>>
    %dma_wait3A_77 = tpu.memref_squeeze %dma_wait3A_76 : memref<1x10000x64xf32, #tpu.memory_space<hbm>> -> memref<10000x64xf32, #tpu.memory_space<hbm>>
    %dma_wait3A_78 = arith.constant 0 : i32
    %dma_wait3A_79 = arith.constant 0 : i32
    %dma_wait3A_80 = tpu.memref_slice %dma_wait3A_77[%dma_wait3A_78, %dma_wait3A_79] : memref<10000x64xf32, #tpu.memory_space<hbm>> -> memref<10000x64xf32, #tpu.memory_space<hbm>>
    tpu.wait_indirect_dma semaphore(%arg15 : memref<!tpu.dma_semaphore, #tpu.memory_space<semaphore_mem>>) src(%dma_wait3A_80 : memref<10000x64xf32, #tpu.memory_space<hbm>>) dst(%arg10 : memref<80x64xf32, #tpu.memory_space<vmem>>)
    %run_scoped3A_81 = arith.constant 246 : i32
    "tpu.region"() ({
      %run_scoped3A_123 = tpu.sem_alloc : memref<!tpu.dma_semaphore, #tpu.memory_space<semaphore_mem>>
      %dma_start3A_124 = arith.constant 0 : i32
      %dma_start3A_125 = tpu.memref_slice %arg7[%run_scoped3A_81, %dma_start3A_124] : memref<250x80xi32, #tpu.memory_space<vmem>> -> memref<1x80xi32, #tpu.memory_space<vmem>>
      %dma_start3A_126 = tpu.memref_squeeze %dma_start3A_125 : memref<1x80xi32, #tpu.memory_space<vmem>> -> memref<80xi32, #tpu.memory_space<vmem>>
      %dma_start3A_127 = arith.constant 0 : i32
      %dma_start3A_128 = arith.constant 0 : i32
      %dma_start3A_129 = tpu.memref_slice %arg19[%dma_start3A_127, %dma_start3A_128] : memref<10240x64xf32, #tpu.memory_space<vmem_shared>> -> memref<10240x64xf32, #tpu.memory_space<vmem_shared>>
      tpu.enqueue_indirect_dma source(%arg10 : memref<80x64xf32, #tpu.memory_space<vmem>>) target(%dma_start3A_129 : memref<10240x64xf32, #tpu.memory_space<vmem_shared>>) offsets(%dma_start3A_126 : memref<80xi32, #tpu.memory_space<vmem>>) semaphore(%run_scoped3A_123 : memref<!tpu.dma_semaphore, #tpu.memory_space<semaphore_mem>>) {add = true}
      %dma_wait3A_130 = arith.constant 0 : i32
      %dma_wait3A_131 = tpu.memref_slice %arg7[%run_scoped3A_81, %dma_wait3A_130] : memref<250x80xi32, #tpu.memory_space<vmem>> -> memref<1x80xi32, #tpu.memory_space<vmem>>
      %dma_wait3A_132 = tpu.memref_squeeze %dma_wait3A_131 : memref<1x80xi32, #tpu.memory_space<vmem>> -> memref<80xi32, #tpu.memory_space<vmem>>
      %dma_wait3A_133 = arith.constant 0 : i32
      %dma_wait3A_134 = arith.constant 0 : i32
      %dma_wait3A_135 = tpu.memref_slice %arg19[%dma_wait3A_133, %dma_wait3A_134] : memref<10240x64xf32, #tpu.memory_space<vmem_shared>> -> memref<10240x64xf32, #tpu.memory_space<vmem_shared>>
      tpu.wait_indirect_dma semaphore(%run_scoped3A_123 : memref<!tpu.dma_semaphore, #tpu.memory_space<semaphore_mem>>) src(%arg10 : memref<80x64xf32, #tpu.memory_space<vmem>>) dst(%dma_wait3A_135 : memref<10240x64xf32, #tpu.memory_space<vmem_shared>>)
      tpu.yield
    }) : () -> ()
    %dma_wait3A_82 = arith.constant 247 : i32
    %dma_wait3A_83 = arith.constant 0 : i32
    %dma_wait3A_84 = tpu.memref_slice %arg8[%dma_wait3A_82, %dma_wait3A_83] : memref<250x80xi32, #tpu.memory_space<vmem>> -> memref<1x80xi32, #tpu.memory_space<vmem>>
    %dma_wait3A_85 = tpu.memref_squeeze %dma_wait3A_84 : memref<1x80xi32, #tpu.memory_space<vmem>> -> memref<80xi32, #tpu.memory_space<vmem>>
    %dma_wait3A_86 = arith.constant 0 : i32
    %dma_wait3A_87 = arith.constant 0 : i32
    %dma_wait3A_88 = tpu.memref_slice %arg2[%arg0, %dma_wait3A_86, %dma_wait3A_87] : memref<2x10000x64xf32, #tpu.memory_space<hbm>> -> memref<1x10000x64xf32, #tpu.memory_space<hbm>>
    %dma_wait3A_89 = tpu.memref_squeeze %dma_wait3A_88 : memref<1x10000x64xf32, #tpu.memory_space<hbm>> -> memref<10000x64xf32, #tpu.memory_space<hbm>>
    %dma_wait3A_90 = arith.constant 0 : i32
    %dma_wait3A_91 = arith.constant 0 : i32
    %dma_wait3A_92 = tpu.memref_slice %dma_wait3A_89[%dma_wait3A_90, %dma_wait3A_91] : memref<10000x64xf32, #tpu.memory_space<hbm>> -> memref<10000x64xf32, #tpu.memory_space<hbm>>
    tpu.wait_indirect_dma semaphore(%arg16 : memref<!tpu.dma_semaphore, #tpu.memory_space<semaphore_mem>>) src(%dma_wait3A_92 : memref<10000x64xf32, #tpu.memory_space<hbm>>) dst(%arg11 : memref<80x64xf32, #tpu.memory_space<vmem>>)
    %run_scoped3A_93 = arith.constant 247 : i32
    "tpu.region"() ({
      %run_scoped3A_123 = tpu.sem_alloc : memref<!tpu.dma_semaphore, #tpu.memory_space<semaphore_mem>>
      %dma_start3A_124 = arith.constant 0 : i32
      %dma_start3A_125 = tpu.memref_slice %arg7[%run_scoped3A_93, %dma_start3A_124] : memref<250x80xi32, #tpu.memory_space<vmem>> -> memref<1x80xi32, #tpu.memory_space<vmem>>
      %dma_start3A_126 = tpu.memref_squeeze %dma_start3A_125 : memref<1x80xi32, #tpu.memory_space<vmem>> -> memref<80xi32, #tpu.memory_space<vmem>>
      %dma_start3A_127 = arith.constant 0 : i32
      %dma_start3A_128 = arith.constant 0 : i32
      %dma_start3A_129 = tpu.memref_slice %arg19[%dma_start3A_127, %dma_start3A_128] : memref<10240x64xf32, #tpu.memory_space<vmem_shared>> -> memref<10240x64xf32, #tpu.memory_space<vmem_shared>>
      tpu.enqueue_indirect_dma source(%arg11 : memref<80x64xf32, #tpu.memory_space<vmem>>) target(%dma_start3A_129 : memref<10240x64xf32, #tpu.memory_space<vmem_shared>>) offsets(%dma_start3A_126 : memref<80xi32, #tpu.memory_space<vmem>>) semaphore(%run_scoped3A_123 : memref<!tpu.dma_semaphore, #tpu.memory_space<semaphore_mem>>) {add = true}
      %dma_wait3A_130 = arith.constant 0 : i32
      %dma_wait3A_131 = tpu.memref_slice %arg7[%run_scoped3A_93, %dma_wait3A_130] : memref<250x80xi32, #tpu.memory_space<vmem>> -> memref<1x80xi32, #tpu.memory_space<vmem>>
      %dma_wait3A_132 = tpu.memref_squeeze %dma_wait3A_131 : memref<1x80xi32, #tpu.memory_space<vmem>> -> memref<80xi32, #tpu.memory_space<vmem>>
      %dma_wait3A_133 = arith.constant 0 : i32
      %dma_wait3A_134 = arith.constant 0 : i32
      %dma_wait3A_135 = tpu.memref_slice %arg19[%dma_wait3A_133, %dma_wait3A_134] : memref<10240x64xf32, #tpu.memory_space<vmem_shared>> -> memref<10240x64xf32, #tpu.memory_space<vmem_shared>>
      tpu.wait_indirect_dma semaphore(%run_scoped3A_123 : memref<!tpu.dma_semaphore, #tpu.memory_space<semaphore_mem>>) src(%arg11 : memref<80x64xf32, #tpu.memory_space<vmem>>) dst(%dma_wait3A_135 : memref<10240x64xf32, #tpu.memory_space<vmem_shared>>)
      tpu.yield
    }) : () -> ()
    %dma_wait3A_94 = arith.constant 248 : i32
    %dma_wait3A_95 = arith.constant 0 : i32
    %dma_wait3A_96 = tpu.memref_slice %arg8[%dma_wait3A_94, %dma_wait3A_95] : memref<250x80xi32, #tpu.memory_space<vmem>> -> memref<1x80xi32, #tpu.memory_space<vmem>>
    %dma_wait3A_97 = tpu.memref_squeeze %dma_wait3A_96 : memref<1x80xi32, #tpu.memory_space<vmem>> -> memref<80xi32, #tpu.memory_space<vmem>>
    %dma_wait3A_98 = arith.constant 0 : i32
    %dma_wait3A_99 = arith.constant 0 : i32
    %dma_wait3A_100 = tpu.memref_slice %arg2[%arg0, %dma_wait3A_98, %dma_wait3A_99] : memref<2x10000x64xf32, #tpu.memory_space<hbm>> -> memref<1x10000x64xf32, #tpu.memory_space<hbm>>
    %dma_wait3A_101 = tpu.memref_squeeze %dma_wait3A_100 : memref<1x10000x64xf32, #tpu.memory_space<hbm>> -> memref<10000x64xf32, #tpu.memory_space<hbm>>
    %dma_wait3A_102 = arith.constant 0 : i32
    %dma_wait3A_103 = arith.constant 0 : i32
    %dma_wait3A_104 = tpu.memref_slice %dma_wait3A_101[%dma_wait3A_102, %dma_wait3A_103] : memref<10000x64xf32, #tpu.memory_space<hbm>> -> memref<10000x64xf32, #tpu.memory_space<hbm>>
    tpu.wait_indirect_dma semaphore(%arg17 : memref<!tpu.dma_semaphore, #tpu.memory_space<semaphore_mem>>) src(%dma_wait3A_104 : memref<10000x64xf32, #tpu.memory_space<hbm>>) dst(%arg12 : memref<80x64xf32, #tpu.memory_space<vmem>>)
    %run_scoped3A_105 = arith.constant 248 : i32
    "tpu.region"() ({
      %run_scoped3A_123 = tpu.sem_alloc : memref<!tpu.dma_semaphore, #tpu.memory_space<semaphore_mem>>
      %dma_start3A_124 = arith.constant 0 : i32
      %dma_start3A_125 = tpu.memref_slice %arg7[%run_scoped3A_105, %dma_start3A_124] : memref<250x80xi32, #tpu.memory_space<vmem>> -> memref<1x80xi32, #tpu.memory_space<vmem>>
      %dma_start3A_126 = tpu.memref_squeeze %dma_start3A_125 : memref<1x80xi32, #tpu.memory_space<vmem>> -> memref<80xi32, #tpu.memory_space<vmem>>
      %dma_start3A_127 = arith.constant 0 : i32
      %dma_start3A_128 = arith.constant 0 : i32
      %dma_start3A_129 = tpu.memref_slice %arg19[%dma_start3A_127, %dma_start3A_128] : memref<10240x64xf32, #tpu.memory_space<vmem_shared>> -> memref<10240x64xf32, #tpu.memory_space<vmem_shared>>
      tpu.enqueue_indirect_dma source(%arg12 : memref<80x64xf32, #tpu.memory_space<vmem>>) target(%dma_start3A_129 : memref<10240x64xf32, #tpu.memory_space<vmem_shared>>) offsets(%dma_start3A_126 : memref<80xi32, #tpu.memory_space<vmem>>) semaphore(%run_scoped3A_123 : memref<!tpu.dma_semaphore, #tpu.memory_space<semaphore_mem>>) {add = true}
      %dma_wait3A_130 = arith.constant 0 : i32
      %dma_wait3A_131 = tpu.memref_slice %arg7[%run_scoped3A_105, %dma_wait3A_130] : memref<250x80xi32, #tpu.memory_space<vmem>> -> memref<1x80xi32, #tpu.memory_space<vmem>>
      %dma_wait3A_132 = tpu.memref_squeeze %dma_wait3A_131 : memref<1x80xi32, #tpu.memory_space<vmem>> -> memref<80xi32, #tpu.memory_space<vmem>>
      %dma_wait3A_133 = arith.constant 0 : i32
      %dma_wait3A_134 = arith.constant 0 : i32
      %dma_wait3A_135 = tpu.memref_slice %arg19[%dma_wait3A_133, %dma_wait3A_134] : memref<10240x64xf32, #tpu.memory_space<vmem_shared>> -> memref<10240x64xf32, #tpu.memory_space<vmem_shared>>
      tpu.wait_indirect_dma semaphore(%run_scoped3A_123 : memref<!tpu.dma_semaphore, #tpu.memory_space<semaphore_mem>>) src(%arg12 : memref<80x64xf32, #tpu.memory_space<vmem>>) dst(%dma_wait3A_135 : memref<10240x64xf32, #tpu.memory_space<vmem_shared>>)
      tpu.yield
    }) : () -> ()
    %dma_wait3A_106 = arith.constant 249 : i32
    %dma_wait3A_107 = arith.constant 0 : i32
    %dma_wait3A_108 = tpu.memref_slice %arg8[%dma_wait3A_106, %dma_wait3A_107] : memref<250x80xi32, #tpu.memory_space<vmem>> -> memref<1x80xi32, #tpu.memory_space<vmem>>
    %dma_wait3A_109 = tpu.memref_squeeze %dma_wait3A_108 : memref<1x80xi32, #tpu.memory_space<vmem>> -> memref<80xi32, #tpu.memory_space<vmem>>
    %dma_wait3A_110 = arith.constant 0 : i32
    %dma_wait3A_111 = arith.constant 0 : i32
    %dma_wait3A_112 = tpu.memref_slice %arg2[%arg0, %dma_wait3A_110, %dma_wait3A_111] : memref<2x10000x64xf32, #tpu.memory_space<hbm>> -> memref<1x10000x64xf32, #tpu.memory_space<hbm>>
    %dma_wait3A_113 = tpu.memref_squeeze %dma_wait3A_112 : memref<1x10000x64xf32, #tpu.memory_space<hbm>> -> memref<10000x64xf32, #tpu.memory_space<hbm>>
    %dma_wait3A_114 = arith.constant 0 : i32
    %dma_wait3A_115 = arith.constant 0 : i32
    %dma_wait3A_116 = tpu.memref_slice %dma_wait3A_113[%dma_wait3A_114, %dma_wait3A_115] : memref<10000x64xf32, #tpu.memory_space<hbm>> -> memref<10000x64xf32, #tpu.memory_space<hbm>>
    tpu.wait_indirect_dma semaphore(%arg18 : memref<!tpu.dma_semaphore, #tpu.memory_space<semaphore_mem>>) src(%dma_wait3A_116 : memref<10000x64xf32, #tpu.memory_space<hbm>>) dst(%arg13 : memref<80x64xf32, #tpu.memory_space<vmem>>)
    %run_scoped3A_117 = arith.constant 249 : i32
    "tpu.region"() ({
      %run_scoped3A_123 = tpu.sem_alloc : memref<!tpu.dma_semaphore, #tpu.memory_space<semaphore_mem>>
      %dma_start3A_124 = arith.constant 0 : i32
      %dma_start3A_125 = tpu.memref_slice %arg7[%run_scoped3A_117, %dma_start3A_124] : memref<250x80xi32, #tpu.memory_space<vmem>> -> memref<1x80xi32, #tpu.memory_space<vmem>>
      %dma_start3A_126 = tpu.memref_squeeze %dma_start3A_125 : memref<1x80xi32, #tpu.memory_space<vmem>> -> memref<80xi32, #tpu.memory_space<vmem>>
      %dma_start3A_127 = arith.constant 0 : i32
      %dma_start3A_128 = arith.constant 0 : i32
      %dma_start3A_129 = tpu.memref_slice %arg19[%dma_start3A_127, %dma_start3A_128] : memref<10240x64xf32, #tpu.memory_space<vmem_shared>> -> memref<10240x64xf32, #tpu.memory_space<vmem_shared>>
      tpu.enqueue_indirect_dma source(%arg13 : memref<80x64xf32, #tpu.memory_space<vmem>>) target(%dma_start3A_129 : memref<10240x64xf32, #tpu.memory_space<vmem_shared>>) offsets(%dma_start3A_126 : memref<80xi32, #tpu.memory_space<vmem>>) semaphore(%run_scoped3A_123 : memref<!tpu.dma_semaphore, #tpu.memory_space<semaphore_mem>>) {add = true}
      %dma_wait3A_130 = arith.constant 0 : i32
      %dma_wait3A_131 = tpu.memref_slice %arg7[%run_scoped3A_117, %dma_wait3A_130] : memref<250x80xi32, #tpu.memory_space<vmem>> -> memref<1x80xi32, #tpu.memory_space<vmem>>
      %dma_wait3A_132 = tpu.memref_squeeze %dma_wait3A_131 : memref<1x80xi32, #tpu.memory_space<vmem>> -> memref<80xi32, #tpu.memory_space<vmem>>
      %dma_wait3A_133 = arith.constant 0 : i32
      %dma_wait3A_134 = arith.constant 0 : i32
      %dma_wait3A_135 = tpu.memref_slice %arg19[%dma_wait3A_133, %dma_wait3A_134] : memref<10240x64xf32, #tpu.memory_space<vmem_shared>> -> memref<10240x64xf32, #tpu.memory_space<vmem_shared>>
      tpu.wait_indirect_dma semaphore(%run_scoped3A_123 : memref<!tpu.dma_semaphore, #tpu.memory_space<semaphore_mem>>) src(%arg13 : memref<80x64xf32, #tpu.memory_space<vmem>>) dst(%dma_wait3A_135 : memref<10240x64xf32, #tpu.memory_space<vmem_shared>>)
      tpu.yield
    }) : () -> ()
    %barrier3A_118 = arith.constant 0 : index
    tpu.barrier barrier_id(%barrier3A_118)
    %mul3A_119 = arith.constant 640 : i32
    %mul3A_120 = arith.muli %arg1, %mul3A_119 : i32
    %mul3A_121 = arith.constant 640 : i32
    %mul3A_122 = arith.muli %arg1, %mul3A_121 : i32
    "tpu.region"() ({
      %run_scoped3A_123 = tpu.sem_alloc : memref<!tpu.dma_semaphore, #tpu.memory_space<semaphore_mem>>
      %dma_start3A_124 = arith.constant 0 : i32
      %dma_start3A_125 = tpu.memref_slice %arg6[%arg0, %mul3A_122, %dma_start3A_124] : memref<2x10240x64xf32, #tpu.memory_space<hbm>> -> memref<1x640x64xf32, #tpu.memory_space<hbm>>
      %dma_start3A_126 = tpu.memref_squeeze %dma_start3A_125 : memref<1x640x64xf32, #tpu.memory_space<hbm>> -> memref<640x64xf32, #tpu.memory_space<hbm>>
      %dma_start3A_127 = arith.constant 0 : i32
      %dma_start3A_128 = tpu.memref_slice %arg19[%mul3A_120, %dma_start3A_127] : memref<10240x64xf32, #tpu.memory_space<vmem_shared>> -> memref<640x64xf32, #tpu.memory_space<vmem_shared>>
      tpu.enqueue_dma source(%dma_start3A_128 : memref<640x64xf32, #tpu.memory_space<vmem_shared>>) target(%dma_start3A_126 : memref<640x64xf32, #tpu.memory_space<hbm>>) target_semaphore(%run_scoped3A_123 : memref<!tpu.dma_semaphore, #tpu.memory_space<semaphore_mem>>)
      %dma_wait3A_129 = arith.constant 0 : i32
      %dma_wait3A_130 = tpu.memref_slice %arg6[%arg0, %mul3A_122, %dma_wait3A_129] : memref<2x10240x64xf32, #tpu.memory_space<hbm>> -> memref<1x640x64xf32, #tpu.memory_space<hbm>>
      %dma_wait3A_131 = tpu.memref_squeeze %dma_wait3A_130 : memref<1x640x64xf32, #tpu.memory_space<hbm>> -> memref<640x64xf32, #tpu.memory_space<hbm>>
      %dma_wait3A_132 = arith.constant 0 : i32
      %dma_wait3A_133 = tpu.memref_slice %arg19[%mul3A_120, %dma_wait3A_132] : memref<10240x64xf32, #tpu.memory_space<vmem_shared>> -> memref<640x64xf32, #tpu.memory_space<vmem_shared>>
      tpu.wait_dma2 semaphore(%run_scoped3A_123 : memref<!tpu.dma_semaphore, #tpu.memory_space<semaphore_mem>>) src(%dma_wait3A_133 : memref<640x64xf32, #tpu.memory_space<vmem_shared>>) dst(%dma_wait3A_131 : memref<640x64xf32, #tpu.memory_space<hbm>>)
      tpu.yield
    }) : () -> ()
    return
  }
}

#map = affine_map<(d0, d1) -> (0, 0, 0)>
#map1 = affine_map<(d0, d1) -> (0, 0)>
module attributes {stable_mosaic.version = 14 : i64} {
  func.func @sc_agg(%arg0: i32, %arg1: i32, %arg2: memref<2x10000x64xf32, #tpu.memory_space<hbm>>, %arg3: memref<16x250x80xi32, #tpu.memory_space<hbm>>, %arg4: memref<16x250x80xi32, #tpu.memory_space<hbm>>, %arg5: memref<640x64xf32, #tpu.memory_space<hbm>>, %arg6: memref<2x10240x64xf32, #tpu.memory_space<hbm>>, %arg7: memref<250x80xi32, #tpu.memory_space<vmem>>, %arg8: memref<250x80xi32, #tpu.memory_space<vmem>>, %arg9: memref<80x64xf32, #tpu.memory_space<vmem>>, %arg10: memref<80x64xf32, #tpu.memory_space<vmem>>, %arg11: memref<80x64xf32, #tpu.memory_space<vmem>>, %arg12: memref<80x64xf32, #tpu.memory_space<vmem>>, %arg13: memref<80x64xf32, #tpu.memory_space<vmem>>, %arg14: memref<!tpu.dma_semaphore, #tpu.memory_space<semaphore_mem>>, %arg15: memref<!tpu.dma_semaphore, #tpu.memory_space<semaphore_mem>>, %arg16: memref<!tpu.dma_semaphore, #tpu.memory_space<semaphore_mem>>, %arg17: memref<!tpu.dma_semaphore, #tpu.memory_space<semaphore_mem>>, %arg18: memref<!tpu.dma_semaphore, #tpu.memory_space<semaphore_mem>>, %arg19: memref<10240x64xf32, #tpu.memory_space<vmem_shared>>) attributes {dimension_semantics = [#tpu.dimension_semantics<core_parallel>, #tpu.dimension_semantics<subcore_parallel>], iteration_bounds = array<i64: 2, 16>, scalar_prefetch = 0 : i64, scratch_operands = 13 : i64, tpu.core_type = #tpu.core_type<sc_vector_subcore>, window_params = [{transform_indices = #map}, {transform_indices = #map}, {transform_indices = #map}, {transform_indices = #map1}, {transform_indices = #map}]} {
    "tpu.region"() ({
      %run_scoped3A_123 = tpu.sem_alloc : memref<!tpu.dma_semaphore, #tpu.memory_space<semaphore_mem>>
      %dma_start3A_124 = arith.constant 0 : i32
      %dma_start3A_125 = arith.constant 0 : i32
      %dma_start3A_126 = tpu.memref_slice %arg3[%arg1, %dma_start3A_124, %dma_start3A_125] : memref<16x250x80xi32, #tpu.memory_space<hbm>> -> memref<1x250x80xi32, #tpu.memory_space<hbm>>
      %dma_start3A_127 = tpu.memref_squeeze %dma_start3A_126 : memref<1x250x80xi32, #tpu.memory_space<hbm>> -> memref<250x80xi32, #tpu.memory_space<hbm>>
      %dma_start3A_128 = arith.constant 0 : i32
      %dma_start3A_129 = arith.constant 0 : i32
      %dma_start3A_130 = tpu.memref_slice %arg3[%arg1, %dma_start3A_128, %dma_start3A_129] : memref<16x250x80xi32, #tpu.memory_space<hbm>> -> memref<1x250x80xi32, #tpu.memory_space<hbm>>
      %dma_start3A_131 = tpu.memref_squeeze %dma_start3A_130 : memref<1x250x80xi32, #tpu.memory_space<hbm>> -> memref<250x80xi32, #tpu.memory_space<hbm>>
      tpu.enqueue_dma source(%dma_start3A_131 : memref<250x80xi32, #tpu.memory_space<hbm>>) target(%arg7 : memref<250x80xi32, #tpu.memory_space<vmem>>) target_semaphore(%run_scoped3A_123 : memref<!tpu.dma_semaphore, #tpu.memory_space<semaphore_mem>>)
      %dma_wait3A_132 = arith.constant 0 : i32
      %dma_wait3A_133 = arith.constant 0 : i32
      %dma_wait3A_134 = tpu.memref_slice %arg3[%arg1, %dma_wait3A_132, %dma_wait3A_133] : memref<16x250x80xi32, #tpu.memory_space<hbm>> -> memref<1x250x80xi32, #tpu.memory_space<hbm>>
      %dma_wait3A_135 = tpu.memref_squeeze %dma_wait3A_134 : memref<1x250x80xi32, #tpu.memory_space<hbm>> -> memref<250x80xi32, #tpu.memory_space<hbm>>
      %dma_wait3A_136 = arith.constant 0 : i32
      %dma_wait3A_137 = arith.constant 0 : i32
      %dma_wait3A_138 = tpu.memref_slice %arg3[%arg1, %dma_wait3A_136, %dma_wait3A_137] : memref<16x250x80xi32, #tpu.memory_space<hbm>> -> memref<1x250x80xi32, #tpu.memory_space<hbm>>
      %dma_wait3A_139 = tpu.memref_squeeze %dma_wait3A_138 : memref<1x250x80xi32, #tpu.memory_space<hbm>> -> memref<250x80xi32, #tpu.memory_space<hbm>>
      tpu.wait_dma2 semaphore(%run_scoped3A_123 : memref<!tpu.dma_semaphore, #tpu.memory_space<semaphore_mem>>) src(%dma_wait3A_139 : memref<250x80xi32, #tpu.memory_space<hbm>>) dst(%arg7 : memref<250x80xi32, #tpu.memory_space<vmem>>)
      tpu.yield
    }) : () -> ()
    "tpu.region"() ({
      %run_scoped3A_123 = tpu.sem_alloc : memref<!tpu.dma_semaphore, #tpu.memory_space<semaphore_mem>>
      %dma_start3A_124 = arith.constant 0 : i32
      %dma_start3A_125 = arith.constant 0 : i32
      %dma_start3A_126 = tpu.memref_slice %arg4[%arg1, %dma_start3A_124, %dma_start3A_125] : memref<16x250x80xi32, #tpu.memory_space<hbm>> -> memref<1x250x80xi32, #tpu.memory_space<hbm>>
      %dma_start3A_127 = tpu.memref_squeeze %dma_start3A_126 : memref<1x250x80xi32, #tpu.memory_space<hbm>> -> memref<250x80xi32, #tpu.memory_space<hbm>>
      %dma_start3A_128 = arith.constant 0 : i32
      %dma_start3A_129 = arith.constant 0 : i32
      %dma_start3A_130 = tpu.memref_slice %arg4[%arg1, %dma_start3A_128, %dma_start3A_129] : memref<16x250x80xi32, #tpu.memory_space<hbm>> -> memref<1x250x80xi32, #tpu.memory_space<hbm>>
      %dma_start3A_131 = tpu.memref_squeeze %dma_start3A_130 : memref<1x250x80xi32, #tpu.memory_space<hbm>> -> memref<250x80xi32, #tpu.memory_space<hbm>>
      tpu.enqueue_dma source(%dma_start3A_131 : memref<250x80xi32, #tpu.memory_space<hbm>>) target(%arg8 : memref<250x80xi32, #tpu.memory_space<vmem>>) target_semaphore(%run_scoped3A_123 : memref<!tpu.dma_semaphore, #tpu.memory_space<semaphore_mem>>)
      %dma_wait3A_132 = arith.constant 0 : i32
      %dma_wait3A_133 = arith.constant 0 : i32
      %dma_wait3A_134 = tpu.memref_slice %arg4[%arg1, %dma_wait3A_132, %dma_wait3A_133] : memref<16x250x80xi32, #tpu.memory_space<hbm>> -> memref<1x250x80xi32, #tpu.memory_space<hbm>>
      %dma_wait3A_135 = tpu.memref_squeeze %dma_wait3A_134 : memref<1x250x80xi32, #tpu.memory_space<hbm>> -> memref<250x80xi32, #tpu.memory_space<hbm>>
      %dma_wait3A_136 = arith.constant 0 : i32
      %dma_wait3A_137 = arith.constant 0 : i32
      %dma_wait3A_138 = tpu.memref_slice %arg4[%arg1, %dma_wait3A_136, %dma_wait3A_137] : memref<16x250x80xi32, #tpu.memory_space<hbm>> -> memref<1x250x80xi32, #tpu.memory_space<hbm>>
      %dma_wait3A_139 = tpu.memref_squeeze %dma_wait3A_138 : memref<1x250x80xi32, #tpu.memory_space<hbm>> -> memref<250x80xi32, #tpu.memory_space<hbm>>
      tpu.wait_dma2 semaphore(%run_scoped3A_123 : memref<!tpu.dma_semaphore, #tpu.memory_space<semaphore_mem>>) src(%dma_wait3A_139 : memref<250x80xi32, #tpu.memory_space<hbm>>) dst(%arg8 : memref<250x80xi32, #tpu.memory_space<vmem>>)
      tpu.yield
    }) : () -> ()
    %dma_start3A = arith.constant 0 : i32
    %dma_start3A_0 = arith.constant 0 : i32
    %dma_start3A_1 = tpu.memref_slice %arg8[%dma_start3A, %dma_start3A_0] : memref<250x80xi32, #tpu.memory_space<vmem>> -> memref<1x80xi32, #tpu.memory_space<vmem>>
    %dma_start3A_2 = tpu.memref_squeeze %dma_start3A_1 : memref<1x80xi32, #tpu.memory_space<vmem>> -> memref<80xi32, #tpu.memory_space<vmem>>
    %dma_start3A_3 = arith.constant 0 : i32
    %dma_start3A_4 = arith.constant 0 : i32
    %dma_start3A_5 = tpu.memref_slice %arg2[%arg0, %dma_start3A_3, %dma_start3A_4] : memref<2x10000x64xf32, #tpu.memory_space<hbm>> -> memref<1x10000x64xf32, #tpu.memory_space<hbm>>
    %dma_start3A_6 = tpu.memref_squeeze %dma_start3A_5 : memref<1x10000x64xf32, #tpu.memory_space<hbm>> -> memref<10000x64xf32, #tpu.memory_space<hbm>>
    %dma_start3A_7 = arith.constant 0 : i32
    %dma_start3A_8 = arith.constant 0 : i32
    %dma_start3A_9 = tpu.memref_slice %dma_start3A_6[%dma_start3A_7, %dma_start3A_8] : memref<10000x64xf32, #tpu.memory_space<hbm>> -> memref<10000x64xf32, #tpu.memory_space<hbm>>
    tpu.enqueue_indirect_dma source(%dma_start3A_9 : memref<10000x64xf32, #tpu.memory_space<hbm>>) target(%arg9 : memref<80x64xf32, #tpu.memory_space<vmem>>) offsets(%dma_start3A_2 : memref<80xi32, #tpu.memory_space<vmem>>) semaphore(%arg14 : memref<!tpu.dma_semaphore, #tpu.memory_space<semaphore_mem>>)
    %dma_start3A_10 = arith.constant 1 : i32
    %dma_start3A_11 = arith.constant 0 : i32
    %dma_start3A_12 = tpu.memref_slice %arg8[%dma_start3A_10, %dma_start3A_11] : memref<250x80xi32, #tpu.memory_space<vmem>> -> memref<1x80xi32, #tpu.memory_space<vmem>>
    %dma_start3A_13 = tpu.memref_squeeze %dma_start3A_12 : memref<1x80xi32, #tpu.memory_space<vmem>> -> memref<80xi32, #tpu.memory_space<vmem>>
    %dma_start3A_14 = arith.constant 0 : i32
    %dma_start3A_15 = arith.constant 0 : i32
    %dma_start3A_16 = tpu.memref_slice %arg2[%arg0, %dma_start3A_14, %dma_start3A_15] : memref<2x10000x64xf32, #tpu.memory_space<hbm>> -> memref<1x10000x64xf32, #tpu.memory_space<hbm>>
    %dma_start3A_17 = tpu.memref_squeeze %dma_start3A_16 : memref<1x10000x64xf32, #tpu.memory_space<hbm>> -> memref<10000x64xf32, #tpu.memory_space<hbm>>
    %dma_start3A_18 = arith.constant 0 : i32
    %dma_start3A_19 = arith.constant 0 : i32
    %dma_start3A_20 = tpu.memref_slice %dma_start3A_17[%dma_start3A_18, %dma_start3A_19] : memref<10000x64xf32, #tpu.memory_space<hbm>> -> memref<10000x64xf32, #tpu.memory_space<hbm>>
    tpu.enqueue_indirect_dma source(%dma_start3A_20 : memref<10000x64xf32, #tpu.memory_space<hbm>>) target(%arg10 : memref<80x64xf32, #tpu.memory_space<vmem>>) offsets(%dma_start3A_13 : memref<80xi32, #tpu.memory_space<vmem>>) semaphore(%arg15 : memref<!tpu.dma_semaphore, #tpu.memory_space<semaphore_mem>>)
    %dma_start3A_21 = arith.constant 2 : i32
    %dma_start3A_22 = arith.constant 0 : i32
    %dma_start3A_23 = tpu.memref_slice %arg8[%dma_start3A_21, %dma_start3A_22] : memref<250x80xi32, #tpu.memory_space<vmem>> -> memref<1x80xi32, #tpu.memory_space<vmem>>
    %dma_start3A_24 = tpu.memref_squeeze %dma_start3A_23 : memref<1x80xi32, #tpu.memory_space<vmem>> -> memref<80xi32, #tpu.memory_space<vmem>>
    %dma_start3A_25 = arith.constant 0 : i32
    %dma_start3A_26 = arith.constant 0 : i32
    %dma_start3A_27 = tpu.memref_slice %arg2[%arg0, %dma_start3A_25, %dma_start3A_26] : memref<2x10000x64xf32, #tpu.memory_space<hbm>> -> memref<1x10000x64xf32, #tpu.memory_space<hbm>>
    %dma_start3A_28 = tpu.memref_squeeze %dma_start3A_27 : memref<1x10000x64xf32, #tpu.memory_space<hbm>> -> memref<10000x64xf32, #tpu.memory_space<hbm>>
    %dma_start3A_29 = arith.constant 0 : i32
    %dma_start3A_30 = arith.constant 0 : i32
    %dma_start3A_31 = tpu.memref_slice %dma_start3A_28[%dma_start3A_29, %dma_start3A_30] : memref<10000x64xf32, #tpu.memory_space<hbm>> -> memref<10000x64xf32, #tpu.memory_space<hbm>>
    tpu.enqueue_indirect_dma source(%dma_start3A_31 : memref<10000x64xf32, #tpu.memory_space<hbm>>) target(%arg11 : memref<80x64xf32, #tpu.memory_space<vmem>>) offsets(%dma_start3A_24 : memref<80xi32, #tpu.memory_space<vmem>>) semaphore(%arg16 : memref<!tpu.dma_semaphore, #tpu.memory_space<semaphore_mem>>)
    %dma_start3A_32 = arith.constant 3 : i32
    %dma_start3A_33 = arith.constant 0 : i32
    %dma_start3A_34 = tpu.memref_slice %arg8[%dma_start3A_32, %dma_start3A_33] : memref<250x80xi32, #tpu.memory_space<vmem>> -> memref<1x80xi32, #tpu.memory_space<vmem>>
    %dma_start3A_35 = tpu.memref_squeeze %dma_start3A_34 : memref<1x80xi32, #tpu.memory_space<vmem>> -> memref<80xi32, #tpu.memory_space<vmem>>
    %dma_start3A_36 = arith.constant 0 : i32
    %dma_start3A_37 = arith.constant 0 : i32
    %dma_start3A_38 = tpu.memref_slice %arg2[%arg0, %dma_start3A_36, %dma_start3A_37] : memref<2x10000x64xf32, #tpu.memory_space<hbm>> -> memref<1x10000x64xf32, #tpu.memory_space<hbm>>
    %dma_start3A_39 = tpu.memref_squeeze %dma_start3A_38 : memref<1x10000x64xf32, #tpu.memory_space<hbm>> -> memref<10000x64xf32, #tpu.memory_space<hbm>>
    %dma_start3A_40 = arith.constant 0 : i32
    %dma_start3A_41 = arith.constant 0 : i32
    %dma_start3A_42 = tpu.memref_slice %dma_start3A_39[%dma_start3A_40, %dma_start3A_41] : memref<10000x64xf32, #tpu.memory_space<hbm>> -> memref<10000x64xf32, #tpu.memory_space<hbm>>
    tpu.enqueue_indirect_dma source(%dma_start3A_42 : memref<10000x64xf32, #tpu.memory_space<hbm>>) target(%arg12 : memref<80x64xf32, #tpu.memory_space<vmem>>) offsets(%dma_start3A_35 : memref<80xi32, #tpu.memory_space<vmem>>) semaphore(%arg17 : memref<!tpu.dma_semaphore, #tpu.memory_space<semaphore_mem>>)
    %dma_start3A_43 = arith.constant 4 : i32
    %dma_start3A_44 = arith.constant 0 : i32
    %dma_start3A_45 = tpu.memref_slice %arg8[%dma_start3A_43, %dma_start3A_44] : memref<250x80xi32, #tpu.memory_space<vmem>> -> memref<1x80xi32, #tpu.memory_space<vmem>>
    %dma_start3A_46 = tpu.memref_squeeze %dma_start3A_45 : memref<1x80xi32, #tpu.memory_space<vmem>> -> memref<80xi32, #tpu.memory_space<vmem>>
    %dma_start3A_47 = arith.constant 0 : i32
    %dma_start3A_48 = arith.constant 0 : i32
    %dma_start3A_49 = tpu.memref_slice %arg2[%arg0, %dma_start3A_47, %dma_start3A_48] : memref<2x10000x64xf32, #tpu.memory_space<hbm>> -> memref<1x10000x64xf32, #tpu.memory_space<hbm>>
    %dma_start3A_50 = tpu.memref_squeeze %dma_start3A_49 : memref<1x10000x64xf32, #tpu.memory_space<hbm>> -> memref<10000x64xf32, #tpu.memory_space<hbm>>
    %dma_start3A_51 = arith.constant 0 : i32
    %dma_start3A_52 = arith.constant 0 : i32
    %dma_start3A_53 = tpu.memref_slice %dma_start3A_50[%dma_start3A_51, %dma_start3A_52] : memref<10000x64xf32, #tpu.memory_space<hbm>> -> memref<10000x64xf32, #tpu.memory_space<hbm>>
    tpu.enqueue_indirect_dma source(%dma_start3A_53 : memref<10000x64xf32, #tpu.memory_space<hbm>>) target(%arg13 : memref<80x64xf32, #tpu.memory_space<vmem>>) offsets(%dma_start3A_46 : memref<80xi32, #tpu.memory_space<vmem>>) semaphore(%arg18 : memref<!tpu.dma_semaphore, #tpu.memory_space<semaphore_mem>>)
    %mul3A = arith.constant 640 : i32
    %mul3A_54 = arith.muli %arg1, %mul3A : i32
    "tpu.region"() ({
      %run_scoped3A_123 = tpu.sem_alloc : memref<!tpu.dma_semaphore, #tpu.memory_space<semaphore_mem>>
      %dma_start3A_124 = arith.constant 0 : i32
      %dma_start3A_125 = tpu.memref_slice %arg19[%mul3A_54, %dma_start3A_124] : memref<10240x64xf32, #tpu.memory_space<vmem_shared>> -> memref<640x64xf32, #tpu.memory_space<vmem_shared>>
      tpu.enqueue_dma source(%arg5 : memref<640x64xf32, #tpu.memory_space<hbm>>) target(%dma_start3A_125 : memref<640x64xf32, #tpu.memory_space<vmem_shared>>) target_semaphore(%run_scoped3A_123 : memref<!tpu.dma_semaphore, #tpu.memory_space<semaphore_mem>>)
      %dma_wait3A_126 = arith.constant 0 : i32
      %dma_wait3A_127 = tpu.memref_slice %arg19[%mul3A_54, %dma_wait3A_126] : memref<10240x64xf32, #tpu.memory_space<vmem_shared>> -> memref<640x64xf32, #tpu.memory_space<vmem_shared>>
      tpu.wait_dma2 semaphore(%run_scoped3A_123 : memref<!tpu.dma_semaphore, #tpu.memory_space<semaphore_mem>>) src(%arg5 : memref<640x64xf32, #tpu.memory_space<hbm>>) dst(%dma_wait3A_127 : memref<640x64xf32, #tpu.memory_space<vmem_shared>>)
      tpu.yield
    }) : () -> ()
    %barrier3A = arith.constant 0 : index
    tpu.barrier barrier_id(%barrier3A)
    %scan3A = arith.constant 0 : i32
    %scan3A_55 = arith.constant 0 : i32
    %scan3A_56 = arith.constant 49 : i32
    %scan3A_57 = arith.addi %scan3A_55, %scan3A_56 : i32
    %scan3A_58 = arith.constant 1 : i32
    scf.for %scan3A_123 = %scan3A_55 to %scan3A_57 step %scan3A_58  : i32 {
      %mul3A_124 = arith.constant 5 : i32
      %mul3A_125 = arith.muli %scan3A_123, %mul3A_124 : i32
      %add3A = arith.constant 0 : i32
      %add3A_126 = arith.addi %mul3A_125, %add3A : i32
      %dma_wait3A_127 = arith.constant 0 : i32
      %dma_wait3A_128 = tpu.memref_slice %arg8[%add3A_126, %dma_wait3A_127] : memref<250x80xi32, #tpu.memory_space<vmem>> -> memref<1x80xi32, #tpu.memory_space<vmem>>
      %dma_wait3A_129 = tpu.memref_squeeze %dma_wait3A_128 : memref<1x80xi32, #tpu.memory_space<vmem>> -> memref<80xi32, #tpu.memory_space<vmem>>
      %dma_wait3A_130 = arith.constant 0 : i32
      %dma_wait3A_131 = arith.constant 0 : i32
      %dma_wait3A_132 = tpu.memref_slice %arg2[%arg0, %dma_wait3A_130, %dma_wait3A_131] : memref<2x10000x64xf32, #tpu.memory_space<hbm>> -> memref<1x10000x64xf32, #tpu.memory_space<hbm>>
      %dma_wait3A_133 = tpu.memref_squeeze %dma_wait3A_132 : memref<1x10000x64xf32, #tpu.memory_space<hbm>> -> memref<10000x64xf32, #tpu.memory_space<hbm>>
      %dma_wait3A_134 = arith.constant 0 : i32
      %dma_wait3A_135 = arith.constant 0 : i32
      %dma_wait3A_136 = tpu.memref_slice %dma_wait3A_133[%dma_wait3A_134, %dma_wait3A_135] : memref<10000x64xf32, #tpu.memory_space<hbm>> -> memref<10000x64xf32, #tpu.memory_space<hbm>>
      tpu.wait_indirect_dma semaphore(%arg14 : memref<!tpu.dma_semaphore, #tpu.memory_space<semaphore_mem>>) src(%dma_wait3A_136 : memref<10000x64xf32, #tpu.memory_space<hbm>>) dst(%arg9 : memref<80x64xf32, #tpu.memory_space<vmem>>)
      "tpu.region"() ({
        %run_scoped3A_253 = tpu.sem_alloc : memref<!tpu.dma_semaphore, #tpu.memory_space<semaphore_mem>>
        %dma_start3A_254 = arith.constant 0 : i32
        %dma_start3A_255 = tpu.memref_slice %arg7[%add3A_126, %dma_start3A_254] : memref<250x80xi32, #tpu.memory_space<vmem>> -> memref<1x80xi32, #tpu.memory_space<vmem>>
        %dma_start3A_256 = tpu.memref_squeeze %dma_start3A_255 : memref<1x80xi32, #tpu.memory_space<vmem>> -> memref<80xi32, #tpu.memory_space<vmem>>
        %dma_start3A_257 = arith.constant 0 : i32
        %dma_start3A_258 = arith.constant 0 : i32
        %dma_start3A_259 = tpu.memref_slice %arg19[%dma_start3A_257, %dma_start3A_258] : memref<10240x64xf32, #tpu.memory_space<vmem_shared>> -> memref<10240x64xf32, #tpu.memory_space<vmem_shared>>
        tpu.enqueue_indirect_dma source(%arg9 : memref<80x64xf32, #tpu.memory_space<vmem>>) target(%dma_start3A_259 : memref<10240x64xf32, #tpu.memory_space<vmem_shared>>) offsets(%dma_start3A_256 : memref<80xi32, #tpu.memory_space<vmem>>) semaphore(%run_scoped3A_253 : memref<!tpu.dma_semaphore, #tpu.memory_space<semaphore_mem>>) {add = true}
        %dma_wait3A_260 = arith.constant 0 : i32
        %dma_wait3A_261 = tpu.memref_slice %arg7[%add3A_126, %dma_wait3A_260] : memref<250x80xi32, #tpu.memory_space<vmem>> -> memref<1x80xi32, #tpu.memory_space<vmem>>
        %dma_wait3A_262 = tpu.memref_squeeze %dma_wait3A_261 : memref<1x80xi32, #tpu.memory_space<vmem>> -> memref<80xi32, #tpu.memory_space<vmem>>
        %dma_wait3A_263 = arith.constant 0 : i32
        %dma_wait3A_264 = arith.constant 0 : i32
        %dma_wait3A_265 = tpu.memref_slice %arg19[%dma_wait3A_263, %dma_wait3A_264] : memref<10240x64xf32, #tpu.memory_space<vmem_shared>> -> memref<10240x64xf32, #tpu.memory_space<vmem_shared>>
        tpu.wait_indirect_dma semaphore(%run_scoped3A_253 : memref<!tpu.dma_semaphore, #tpu.memory_space<semaphore_mem>>) src(%arg9 : memref<80x64xf32, #tpu.memory_space<vmem>>) dst(%dma_wait3A_265 : memref<10240x64xf32, #tpu.memory_space<vmem_shared>>)
        tpu.yield
      }) : () -> ()
      %add3A_137 = arith.constant 5 : i32
      %add3A_138 = arith.addi %add3A_126, %add3A_137 : i32
      %dma_start3A_139 = arith.constant 0 : i32
      %dma_start3A_140 = tpu.memref_slice %arg8[%add3A_138, %dma_start3A_139] : memref<250x80xi32, #tpu.memory_space<vmem>> -> memref<1x80xi32, #tpu.memory_space<vmem>>
      %dma_start3A_141 = tpu.memref_squeeze %dma_start3A_140 : memref<1x80xi32, #tpu.memory_space<vmem>> -> memref<80xi32, #tpu.memory_space<vmem>>
      %dma_start3A_142 = arith.constant 0 : i32
      %dma_start3A_143 = arith.constant 0 : i32
      %dma_start3A_144 = tpu.memref_slice %arg2[%arg0, %dma_start3A_142, %dma_start3A_143] : memref<2x10000x64xf32, #tpu.memory_space<hbm>> -> memref<1x10000x64xf32, #tpu.memory_space<hbm>>
      %dma_start3A_145 = tpu.memref_squeeze %dma_start3A_144 : memref<1x10000x64xf32, #tpu.memory_space<hbm>> -> memref<10000x64xf32, #tpu.memory_space<hbm>>
      %dma_start3A_146 = arith.constant 0 : i32
      %dma_start3A_147 = arith.constant 0 : i32
      %dma_start3A_148 = tpu.memref_slice %dma_start3A_145[%dma_start3A_146, %dma_start3A_147] : memref<10000x64xf32, #tpu.memory_space<hbm>> -> memref<10000x64xf32, #tpu.memory_space<hbm>>
      tpu.enqueue_indirect_dma source(%dma_start3A_148 : memref<10000x64xf32, #tpu.memory_space<hbm>>) target(%arg9 : memref<80x64xf32, #tpu.memory_space<vmem>>) offsets(%dma_start3A_141 : memref<80xi32, #tpu.memory_space<vmem>>) semaphore(%arg14 : memref<!tpu.dma_semaphore, #tpu.memory_space<semaphore_mem>>)
      %mul3A_149 = arith.constant 5 : i32
      %mul3A_150 = arith.muli %scan3A_123, %mul3A_149 : i32
      %add3A_151 = arith.constant 1 : i32
      %add3A_152 = arith.addi %mul3A_150, %add3A_151 : i32
      %dma_wait3A_153 = arith.constant 0 : i32
      %dma_wait3A_154 = tpu.memref_slice %arg8[%add3A_152, %dma_wait3A_153] : memref<250x80xi32, #tpu.memory_space<vmem>> -> memref<1x80xi32, #tpu.memory_space<vmem>>
      %dma_wait3A_155 = tpu.memref_squeeze %dma_wait3A_154 : memref<1x80xi32, #tpu.memory_space<vmem>> -> memref<80xi32, #tpu.memory_space<vmem>>
      %dma_wait3A_156 = arith.constant 0 : i32
      %dma_wait3A_157 = arith.constant 0 : i32
      %dma_wait3A_158 = tpu.memref_slice %arg2[%arg0, %dma_wait3A_156, %dma_wait3A_157] : memref<2x10000x64xf32, #tpu.memory_space<hbm>> -> memref<1x10000x64xf32, #tpu.memory_space<hbm>>
      %dma_wait3A_159 = tpu.memref_squeeze %dma_wait3A_158 : memref<1x10000x64xf32, #tpu.memory_space<hbm>> -> memref<10000x64xf32, #tpu.memory_space<hbm>>
      %dma_wait3A_160 = arith.constant 0 : i32
      %dma_wait3A_161 = arith.constant 0 : i32
      %dma_wait3A_162 = tpu.memref_slice %dma_wait3A_159[%dma_wait3A_160, %dma_wait3A_161] : memref<10000x64xf32, #tpu.memory_space<hbm>> -> memref<10000x64xf32, #tpu.memory_space<hbm>>
      tpu.wait_indirect_dma semaphore(%arg15 : memref<!tpu.dma_semaphore, #tpu.memory_space<semaphore_mem>>) src(%dma_wait3A_162 : memref<10000x64xf32, #tpu.memory_space<hbm>>) dst(%arg10 : memref<80x64xf32, #tpu.memory_space<vmem>>)
      "tpu.region"() ({
        %run_scoped3A_253 = tpu.sem_alloc : memref<!tpu.dma_semaphore, #tpu.memory_space<semaphore_mem>>
        %dma_start3A_254 = arith.constant 0 : i32
        %dma_start3A_255 = tpu.memref_slice %arg7[%add3A_152, %dma_start3A_254] : memref<250x80xi32, #tpu.memory_space<vmem>> -> memref<1x80xi32, #tpu.memory_space<vmem>>
        %dma_start3A_256 = tpu.memref_squeeze %dma_start3A_255 : memref<1x80xi32, #tpu.memory_space<vmem>> -> memref<80xi32, #tpu.memory_space<vmem>>
        %dma_start3A_257 = arith.constant 0 : i32
        %dma_start3A_258 = arith.constant 0 : i32
        %dma_start3A_259 = tpu.memref_slice %arg19[%dma_start3A_257, %dma_start3A_258] : memref<10240x64xf32, #tpu.memory_space<vmem_shared>> -> memref<10240x64xf32, #tpu.memory_space<vmem_shared>>
        tpu.enqueue_indirect_dma source(%arg10 : memref<80x64xf32, #tpu.memory_space<vmem>>) target(%dma_start3A_259 : memref<10240x64xf32, #tpu.memory_space<vmem_shared>>) offsets(%dma_start3A_256 : memref<80xi32, #tpu.memory_space<vmem>>) semaphore(%run_scoped3A_253 : memref<!tpu.dma_semaphore, #tpu.memory_space<semaphore_mem>>) {add = true}
        %dma_wait3A_260 = arith.constant 0 : i32
        %dma_wait3A_261 = tpu.memref_slice %arg7[%add3A_152, %dma_wait3A_260] : memref<250x80xi32, #tpu.memory_space<vmem>> -> memref<1x80xi32, #tpu.memory_space<vmem>>
        %dma_wait3A_262 = tpu.memref_squeeze %dma_wait3A_261 : memref<1x80xi32, #tpu.memory_space<vmem>> -> memref<80xi32, #tpu.memory_space<vmem>>
        %dma_wait3A_263 = arith.constant 0 : i32
        %dma_wait3A_264 = arith.constant 0 : i32
        %dma_wait3A_265 = tpu.memref_slice %arg19[%dma_wait3A_263, %dma_wait3A_264] : memref<10240x64xf32, #tpu.memory_space<vmem_shared>> -> memref<10240x64xf32, #tpu.memory_space<vmem_shared>>
        tpu.wait_indirect_dma semaphore(%run_scoped3A_253 : memref<!tpu.dma_semaphore, #tpu.memory_space<semaphore_mem>>) src(%arg10 : memref<80x64xf32, #tpu.memory_space<vmem>>) dst(%dma_wait3A_265 : memref<10240x64xf32, #tpu.memory_space<vmem_shared>>)
        tpu.yield
      }) : () -> ()
      %add3A_163 = arith.constant 5 : i32
      %add3A_164 = arith.addi %add3A_152, %add3A_163 : i32
      %dma_start3A_165 = arith.constant 0 : i32
      %dma_start3A_166 = tpu.memref_slice %arg8[%add3A_164, %dma_start3A_165] : memref<250x80xi32, #tpu.memory_space<vmem>> -> memref<1x80xi32, #tpu.memory_space<vmem>>
      %dma_start3A_167 = tpu.memref_squeeze %dma_start3A_166 : memref<1x80xi32, #tpu.memory_space<vmem>> -> memref<80xi32, #tpu.memory_space<vmem>>
      %dma_start3A_168 = arith.constant 0 : i32
      %dma_start3A_169 = arith.constant 0 : i32
      %dma_start3A_170 = tpu.memref_slice %arg2[%arg0, %dma_start3A_168, %dma_start3A_169] : memref<2x10000x64xf32, #tpu.memory_space<hbm>> -> memref<1x10000x64xf32, #tpu.memory_space<hbm>>
      %dma_start3A_171 = tpu.memref_squeeze %dma_start3A_170 : memref<1x10000x64xf32, #tpu.memory_space<hbm>> -> memref<10000x64xf32, #tpu.memory_space<hbm>>
      %dma_start3A_172 = arith.constant 0 : i32
      %dma_start3A_173 = arith.constant 0 : i32
      %dma_start3A_174 = tpu.memref_slice %dma_start3A_171[%dma_start3A_172, %dma_start3A_173] : memref<10000x64xf32, #tpu.memory_space<hbm>> -> memref<10000x64xf32, #tpu.memory_space<hbm>>
      tpu.enqueue_indirect_dma source(%dma_start3A_174 : memref<10000x64xf32, #tpu.memory_space<hbm>>) target(%arg10 : memref<80x64xf32, #tpu.memory_space<vmem>>) offsets(%dma_start3A_167 : memref<80xi32, #tpu.memory_space<vmem>>) semaphore(%arg15 : memref<!tpu.dma_semaphore, #tpu.memory_space<semaphore_mem>>)
      %mul3A_175 = arith.constant 5 : i32
      %mul3A_176 = arith.muli %scan3A_123, %mul3A_175 : i32
      %add3A_177 = arith.constant 2 : i32
      %add3A_178 = arith.addi %mul3A_176, %add3A_177 : i32
      %dma_wait3A_179 = arith.constant 0 : i32
      %dma_wait3A_180 = tpu.memref_slice %arg8[%add3A_178, %dma_wait3A_179] : memref<250x80xi32, #tpu.memory_space<vmem>> -> memref<1x80xi32, #tpu.memory_space<vmem>>
      %dma_wait3A_181 = tpu.memref_squeeze %dma_wait3A_180 : memref<1x80xi32, #tpu.memory_space<vmem>> -> memref<80xi32, #tpu.memory_space<vmem>>
      %dma_wait3A_182 = arith.constant 0 : i32
      %dma_wait3A_183 = arith.constant 0 : i32
      %dma_wait3A_184 = tpu.memref_slice %arg2[%arg0, %dma_wait3A_182, %dma_wait3A_183] : memref<2x10000x64xf32, #tpu.memory_space<hbm>> -> memref<1x10000x64xf32, #tpu.memory_space<hbm>>
      %dma_wait3A_185 = tpu.memref_squeeze %dma_wait3A_184 : memref<1x10000x64xf32, #tpu.memory_space<hbm>> -> memref<10000x64xf32, #tpu.memory_space<hbm>>
      %dma_wait3A_186 = arith.constant 0 : i32
      %dma_wait3A_187 = arith.constant 0 : i32
      %dma_wait3A_188 = tpu.memref_slice %dma_wait3A_185[%dma_wait3A_186, %dma_wait3A_187] : memref<10000x64xf32, #tpu.memory_space<hbm>> -> memref<10000x64xf32, #tpu.memory_space<hbm>>
      tpu.wait_indirect_dma semaphore(%arg16 : memref<!tpu.dma_semaphore, #tpu.memory_space<semaphore_mem>>) src(%dma_wait3A_188 : memref<10000x64xf32, #tpu.memory_space<hbm>>) dst(%arg11 : memref<80x64xf32, #tpu.memory_space<vmem>>)
      "tpu.region"() ({
        %run_scoped3A_253 = tpu.sem_alloc : memref<!tpu.dma_semaphore, #tpu.memory_space<semaphore_mem>>
        %dma_start3A_254 = arith.constant 0 : i32
        %dma_start3A_255 = tpu.memref_slice %arg7[%add3A_178, %dma_start3A_254] : memref<250x80xi32, #tpu.memory_space<vmem>> -> memref<1x80xi32, #tpu.memory_space<vmem>>
        %dma_start3A_256 = tpu.memref_squeeze %dma_start3A_255 : memref<1x80xi32, #tpu.memory_space<vmem>> -> memref<80xi32, #tpu.memory_space<vmem>>
        %dma_start3A_257 = arith.constant 0 : i32
        %dma_start3A_258 = arith.constant 0 : i32
        %dma_start3A_259 = tpu.memref_slice %arg19[%dma_start3A_257, %dma_start3A_258] : memref<10240x64xf32, #tpu.memory_space<vmem_shared>> -> memref<10240x64xf32, #tpu.memory_space<vmem_shared>>
        tpu.enqueue_indirect_dma source(%arg11 : memref<80x64xf32, #tpu.memory_space<vmem>>) target(%dma_start3A_259 : memref<10240x64xf32, #tpu.memory_space<vmem_shared>>) offsets(%dma_start3A_256 : memref<80xi32, #tpu.memory_space<vmem>>) semaphore(%run_scoped3A_253 : memref<!tpu.dma_semaphore, #tpu.memory_space<semaphore_mem>>) {add = true}
        %dma_wait3A_260 = arith.constant 0 : i32
        %dma_wait3A_261 = tpu.memref_slice %arg7[%add3A_178, %dma_wait3A_260] : memref<250x80xi32, #tpu.memory_space<vmem>> -> memref<1x80xi32, #tpu.memory_space<vmem>>
        %dma_wait3A_262 = tpu.memref_squeeze %dma_wait3A_261 : memref<1x80xi32, #tpu.memory_space<vmem>> -> memref<80xi32, #tpu.memory_space<vmem>>
        %dma_wait3A_263 = arith.constant 0 : i32
        %dma_wait3A_264 = arith.constant 0 : i32
        %dma_wait3A_265 = tpu.memref_slice %arg19[%dma_wait3A_263, %dma_wait3A_264] : memref<10240x64xf32, #tpu.memory_space<vmem_shared>> -> memref<10240x64xf32, #tpu.memory_space<vmem_shared>>
        tpu.wait_indirect_dma semaphore(%run_scoped3A_253 : memref<!tpu.dma_semaphore, #tpu.memory_space<semaphore_mem>>) src(%arg11 : memref<80x64xf32, #tpu.memory_space<vmem>>) dst(%dma_wait3A_265 : memref<10240x64xf32, #tpu.memory_space<vmem_shared>>)
        tpu.yield
      }) : () -> ()
      %add3A_189 = arith.constant 5 : i32
      %add3A_190 = arith.addi %add3A_178, %add3A_189 : i32
      %dma_start3A_191 = arith.constant 0 : i32
      %dma_start3A_192 = tpu.memref_slice %arg8[%add3A_190, %dma_start3A_191] : memref<250x80xi32, #tpu.memory_space<vmem>> -> memref<1x80xi32, #tpu.memory_space<vmem>>
      %dma_start3A_193 = tpu.memref_squeeze %dma_start3A_192 : memref<1x80xi32, #tpu.memory_space<vmem>> -> memref<80xi32, #tpu.memory_space<vmem>>
      %dma_start3A_194 = arith.constant 0 : i32
      %dma_start3A_195 = arith.constant 0 : i32
      %dma_start3A_196 = tpu.memref_slice %arg2[%arg0, %dma_start3A_194, %dma_start3A_195] : memref<2x10000x64xf32, #tpu.memory_space<hbm>> -> memref<1x10000x64xf32, #tpu.memory_space<hbm>>
      %dma_start3A_197 = tpu.memref_squeeze %dma_start3A_196 : memref<1x10000x64xf32, #tpu.memory_space<hbm>> -> memref<10000x64xf32, #tpu.memory_space<hbm>>
      %dma_start3A_198 = arith.constant 0 : i32
      %dma_start3A_199 = arith.constant 0 : i32
      %dma_start3A_200 = tpu.memref_slice %dma_start3A_197[%dma_start3A_198, %dma_start3A_199] : memref<10000x64xf32, #tpu.memory_space<hbm>> -> memref<10000x64xf32, #tpu.memory_space<hbm>>
      tpu.enqueue_indirect_dma source(%dma_start3A_200 : memref<10000x64xf32, #tpu.memory_space<hbm>>) target(%arg11 : memref<80x64xf32, #tpu.memory_space<vmem>>) offsets(%dma_start3A_193 : memref<80xi32, #tpu.memory_space<vmem>>) semaphore(%arg16 : memref<!tpu.dma_semaphore, #tpu.memory_space<semaphore_mem>>)
      %mul3A_201 = arith.constant 5 : i32
      %mul3A_202 = arith.muli %scan3A_123, %mul3A_201 : i32
      %add3A_203 = arith.constant 3 : i32
      %add3A_204 = arith.addi %mul3A_202, %add3A_203 : i32
      %dma_wait3A_205 = arith.constant 0 : i32
      %dma_wait3A_206 = tpu.memref_slice %arg8[%add3A_204, %dma_wait3A_205] : memref<250x80xi32, #tpu.memory_space<vmem>> -> memref<1x80xi32, #tpu.memory_space<vmem>>
      %dma_wait3A_207 = tpu.memref_squeeze %dma_wait3A_206 : memref<1x80xi32, #tpu.memory_space<vmem>> -> memref<80xi32, #tpu.memory_space<vmem>>
      %dma_wait3A_208 = arith.constant 0 : i32
      %dma_wait3A_209 = arith.constant 0 : i32
      %dma_wait3A_210 = tpu.memref_slice %arg2[%arg0, %dma_wait3A_208, %dma_wait3A_209] : memref<2x10000x64xf32, #tpu.memory_space<hbm>> -> memref<1x10000x64xf32, #tpu.memory_space<hbm>>
      %dma_wait3A_211 = tpu.memref_squeeze %dma_wait3A_210 : memref<1x10000x64xf32, #tpu.memory_space<hbm>> -> memref<10000x64xf32, #tpu.memory_space<hbm>>
      %dma_wait3A_212 = arith.constant 0 : i32
      %dma_wait3A_213 = arith.constant 0 : i32
      %dma_wait3A_214 = tpu.memref_slice %dma_wait3A_211[%dma_wait3A_212, %dma_wait3A_213] : memref<10000x64xf32, #tpu.memory_space<hbm>> -> memref<10000x64xf32, #tpu.memory_space<hbm>>
      tpu.wait_indirect_dma semaphore(%arg17 : memref<!tpu.dma_semaphore, #tpu.memory_space<semaphore_mem>>) src(%dma_wait3A_214 : memref<10000x64xf32, #tpu.memory_space<hbm>>) dst(%arg12 : memref<80x64xf32, #tpu.memory_space<vmem>>)
      "tpu.region"() ({
        %run_scoped3A_253 = tpu.sem_alloc : memref<!tpu.dma_semaphore, #tpu.memory_space<semaphore_mem>>
        %dma_start3A_254 = arith.constant 0 : i32
        %dma_start3A_255 = tpu.memref_slice %arg7[%add3A_204, %dma_start3A_254] : memref<250x80xi32, #tpu.memory_space<vmem>> -> memref<1x80xi32, #tpu.memory_space<vmem>>
        %dma_start3A_256 = tpu.memref_squeeze %dma_start3A_255 : memref<1x80xi32, #tpu.memory_space<vmem>> -> memref<80xi32, #tpu.memory_space<vmem>>
        %dma_start3A_257 = arith.constant 0 : i32
        %dma_start3A_258 = arith.constant 0 : i32
        %dma_start3A_259 = tpu.memref_slice %arg19[%dma_start3A_257, %dma_start3A_258] : memref<10240x64xf32, #tpu.memory_space<vmem_shared>> -> memref<10240x64xf32, #tpu.memory_space<vmem_shared>>
        tpu.enqueue_indirect_dma source(%arg12 : memref<80x64xf32, #tpu.memory_space<vmem>>) target(%dma_start3A_259 : memref<10240x64xf32, #tpu.memory_space<vmem_shared>>) offsets(%dma_start3A_256 : memref<80xi32, #tpu.memory_space<vmem>>) semaphore(%run_scoped3A_253 : memref<!tpu.dma_semaphore, #tpu.memory_space<semaphore_mem>>) {add = true}
        %dma_wait3A_260 = arith.constant 0 : i32
        %dma_wait3A_261 = tpu.memref_slice %arg7[%add3A_204, %dma_wait3A_260] : memref<250x80xi32, #tpu.memory_space<vmem>> -> memref<1x80xi32, #tpu.memory_space<vmem>>
        %dma_wait3A_262 = tpu.memref_squeeze %dma_wait3A_261 : memref<1x80xi32, #tpu.memory_space<vmem>> -> memref<80xi32, #tpu.memory_space<vmem>>
        %dma_wait3A_263 = arith.constant 0 : i32
        %dma_wait3A_264 = arith.constant 0 : i32
        %dma_wait3A_265 = tpu.memref_slice %arg19[%dma_wait3A_263, %dma_wait3A_264] : memref<10240x64xf32, #tpu.memory_space<vmem_shared>> -> memref<10240x64xf32, #tpu.memory_space<vmem_shared>>
        tpu.wait_indirect_dma semaphore(%run_scoped3A_253 : memref<!tpu.dma_semaphore, #tpu.memory_space<semaphore_mem>>) src(%arg12 : memref<80x64xf32, #tpu.memory_space<vmem>>) dst(%dma_wait3A_265 : memref<10240x64xf32, #tpu.memory_space<vmem_shared>>)
        tpu.yield
      }) : () -> ()
      %add3A_215 = arith.constant 5 : i32
      %add3A_216 = arith.addi %add3A_204, %add3A_215 : i32
      %dma_start3A_217 = arith.constant 0 : i32
      %dma_start3A_218 = tpu.memref_slice %arg8[%add3A_216, %dma_start3A_217] : memref<250x80xi32, #tpu.memory_space<vmem>> -> memref<1x80xi32, #tpu.memory_space<vmem>>
      %dma_start3A_219 = tpu.memref_squeeze %dma_start3A_218 : memref<1x80xi32, #tpu.memory_space<vmem>> -> memref<80xi32, #tpu.memory_space<vmem>>
      %dma_start3A_220 = arith.constant 0 : i32
      %dma_start3A_221 = arith.constant 0 : i32
      %dma_start3A_222 = tpu.memref_slice %arg2[%arg0, %dma_start3A_220, %dma_start3A_221] : memref<2x10000x64xf32, #tpu.memory_space<hbm>> -> memref<1x10000x64xf32, #tpu.memory_space<hbm>>
      %dma_start3A_223 = tpu.memref_squeeze %dma_start3A_222 : memref<1x10000x64xf32, #tpu.memory_space<hbm>> -> memref<10000x64xf32, #tpu.memory_space<hbm>>
      %dma_start3A_224 = arith.constant 0 : i32
      %dma_start3A_225 = arith.constant 0 : i32
      %dma_start3A_226 = tpu.memref_slice %dma_start3A_223[%dma_start3A_224, %dma_start3A_225] : memref<10000x64xf32, #tpu.memory_space<hbm>> -> memref<10000x64xf32, #tpu.memory_space<hbm>>
      tpu.enqueue_indirect_dma source(%dma_start3A_226 : memref<10000x64xf32, #tpu.memory_space<hbm>>) target(%arg12 : memref<80x64xf32, #tpu.memory_space<vmem>>) offsets(%dma_start3A_219 : memref<80xi32, #tpu.memory_space<vmem>>) semaphore(%arg17 : memref<!tpu.dma_semaphore, #tpu.memory_space<semaphore_mem>>)
      %mul3A_227 = arith.constant 5 : i32
      %mul3A_228 = arith.muli %scan3A_123, %mul3A_227 : i32
      %add3A_229 = arith.constant 4 : i32
      %add3A_230 = arith.addi %mul3A_228, %add3A_229 : i32
      %dma_wait3A_231 = arith.constant 0 : i32
      %dma_wait3A_232 = tpu.memref_slice %arg8[%add3A_230, %dma_wait3A_231] : memref<250x80xi32, #tpu.memory_space<vmem>> -> memref<1x80xi32, #tpu.memory_space<vmem>>
      %dma_wait3A_233 = tpu.memref_squeeze %dma_wait3A_232 : memref<1x80xi32, #tpu.memory_space<vmem>> -> memref<80xi32, #tpu.memory_space<vmem>>
      %dma_wait3A_234 = arith.constant 0 : i32
      %dma_wait3A_235 = arith.constant 0 : i32
      %dma_wait3A_236 = tpu.memref_slice %arg2[%arg0, %dma_wait3A_234, %dma_wait3A_235] : memref<2x10000x64xf32, #tpu.memory_space<hbm>> -> memref<1x10000x64xf32, #tpu.memory_space<hbm>>
      %dma_wait3A_237 = tpu.memref_squeeze %dma_wait3A_236 : memref<1x10000x64xf32, #tpu.memory_space<hbm>> -> memref<10000x64xf32, #tpu.memory_space<hbm>>
      %dma_wait3A_238 = arith.constant 0 : i32
      %dma_wait3A_239 = arith.constant 0 : i32
      %dma_wait3A_240 = tpu.memref_slice %dma_wait3A_237[%dma_wait3A_238, %dma_wait3A_239] : memref<10000x64xf32, #tpu.memory_space<hbm>> -> memref<10000x64xf32, #tpu.memory_space<hbm>>
      tpu.wait_indirect_dma semaphore(%arg18 : memref<!tpu.dma_semaphore, #tpu.memory_space<semaphore_mem>>) src(%dma_wait3A_240 : memref<10000x64xf32, #tpu.memory_space<hbm>>) dst(%arg13 : memref<80x64xf32, #tpu.memory_space<vmem>>)
      "tpu.region"() ({
        %run_scoped3A_253 = tpu.sem_alloc : memref<!tpu.dma_semaphore, #tpu.memory_space<semaphore_mem>>
        %dma_start3A_254 = arith.constant 0 : i32
        %dma_start3A_255 = tpu.memref_slice %arg7[%add3A_230, %dma_start3A_254] : memref<250x80xi32, #tpu.memory_space<vmem>> -> memref<1x80xi32, #tpu.memory_space<vmem>>
        %dma_start3A_256 = tpu.memref_squeeze %dma_start3A_255 : memref<1x80xi32, #tpu.memory_space<vmem>> -> memref<80xi32, #tpu.memory_space<vmem>>
        %dma_start3A_257 = arith.constant 0 : i32
        %dma_start3A_258 = arith.constant 0 : i32
        %dma_start3A_259 = tpu.memref_slice %arg19[%dma_start3A_257, %dma_start3A_258] : memref<10240x64xf32, #tpu.memory_space<vmem_shared>> -> memref<10240x64xf32, #tpu.memory_space<vmem_shared>>
        tpu.enqueue_indirect_dma source(%arg13 : memref<80x64xf32, #tpu.memory_space<vmem>>) target(%dma_start3A_259 : memref<10240x64xf32, #tpu.memory_space<vmem_shared>>) offsets(%dma_start3A_256 : memref<80xi32, #tpu.memory_space<vmem>>) semaphore(%run_scoped3A_253 : memref<!tpu.dma_semaphore, #tpu.memory_space<semaphore_mem>>) {add = true}
        %dma_wait3A_260 = arith.constant 0 : i32
        %dma_wait3A_261 = tpu.memref_slice %arg7[%add3A_230, %dma_wait3A_260] : memref<250x80xi32, #tpu.memory_space<vmem>> -> memref<1x80xi32, #tpu.memory_space<vmem>>
        %dma_wait3A_262 = tpu.memref_squeeze %dma_wait3A_261 : memref<1x80xi32, #tpu.memory_space<vmem>> -> memref<80xi32, #tpu.memory_space<vmem>>
        %dma_wait3A_263 = arith.constant 0 : i32
        %dma_wait3A_264 = arith.constant 0 : i32
        %dma_wait3A_265 = tpu.memref_slice %arg19[%dma_wait3A_263, %dma_wait3A_264] : memref<10240x64xf32, #tpu.memory_space<vmem_shared>> -> memref<10240x64xf32, #tpu.memory_space<vmem_shared>>
        tpu.wait_indirect_dma semaphore(%run_scoped3A_253 : memref<!tpu.dma_semaphore, #tpu.memory_space<semaphore_mem>>) src(%arg13 : memref<80x64xf32, #tpu.memory_space<vmem>>) dst(%dma_wait3A_265 : memref<10240x64xf32, #tpu.memory_space<vmem_shared>>)
        tpu.yield
      }) : () -> ()
      %add3A_241 = arith.constant 5 : i32
      %add3A_242 = arith.addi %add3A_230, %add3A_241 : i32
      %dma_start3A_243 = arith.constant 0 : i32
      %dma_start3A_244 = tpu.memref_slice %arg8[%add3A_242, %dma_start3A_243] : memref<250x80xi32, #tpu.memory_space<vmem>> -> memref<1x80xi32, #tpu.memory_space<vmem>>
      %dma_start3A_245 = tpu.memref_squeeze %dma_start3A_244 : memref<1x80xi32, #tpu.memory_space<vmem>> -> memref<80xi32, #tpu.memory_space<vmem>>
      %dma_start3A_246 = arith.constant 0 : i32
      %dma_start3A_247 = arith.constant 0 : i32
      %dma_start3A_248 = tpu.memref_slice %arg2[%arg0, %dma_start3A_246, %dma_start3A_247] : memref<2x10000x64xf32, #tpu.memory_space<hbm>> -> memref<1x10000x64xf32, #tpu.memory_space<hbm>>
      %dma_start3A_249 = tpu.memref_squeeze %dma_start3A_248 : memref<1x10000x64xf32, #tpu.memory_space<hbm>> -> memref<10000x64xf32, #tpu.memory_space<hbm>>
      %dma_start3A_250 = arith.constant 0 : i32
      %dma_start3A_251 = arith.constant 0 : i32
      %dma_start3A_252 = tpu.memref_slice %dma_start3A_249[%dma_start3A_250, %dma_start3A_251] : memref<10000x64xf32, #tpu.memory_space<hbm>> -> memref<10000x64xf32, #tpu.memory_space<hbm>>
      tpu.enqueue_indirect_dma source(%dma_start3A_252 : memref<10000x64xf32, #tpu.memory_space<hbm>>) target(%arg13 : memref<80x64xf32, #tpu.memory_space<vmem>>) offsets(%dma_start3A_245 : memref<80xi32, #tpu.memory_space<vmem>>) semaphore(%arg18 : memref<!tpu.dma_semaphore, #tpu.memory_space<semaphore_mem>>)
    }
    %scan3A_59 = arith.constant 49 : i32
    %dma_wait3A = arith.constant 245 : i32
    %dma_wait3A_60 = arith.constant 0 : i32
    %dma_wait3A_61 = tpu.memref_slice %arg8[%dma_wait3A, %dma_wait3A_60] : memref<250x80xi32, #tpu.memory_space<vmem>> -> memref<1x80xi32, #tpu.memory_space<vmem>>
    %dma_wait3A_62 = tpu.memref_squeeze %dma_wait3A_61 : memref<1x80xi32, #tpu.memory_space<vmem>> -> memref<80xi32, #tpu.memory_space<vmem>>
    %dma_wait3A_63 = arith.constant 0 : i32
    %dma_wait3A_64 = arith.constant 0 : i32
    %dma_wait3A_65 = tpu.memref_slice %arg2[%arg0, %dma_wait3A_63, %dma_wait3A_64] : memref<2x10000x64xf32, #tpu.memory_space<hbm>> -> memref<1x10000x64xf32, #tpu.memory_space<hbm>>
    %dma_wait3A_66 = tpu.memref_squeeze %dma_wait3A_65 : memref<1x10000x64xf32, #tpu.memory_space<hbm>> -> memref<10000x64xf32, #tpu.memory_space<hbm>>
    %dma_wait3A_67 = arith.constant 0 : i32
    %dma_wait3A_68 = arith.constant 0 : i32
    %dma_wait3A_69 = tpu.memref_slice %dma_wait3A_66[%dma_wait3A_67, %dma_wait3A_68] : memref<10000x64xf32, #tpu.memory_space<hbm>> -> memref<10000x64xf32, #tpu.memory_space<hbm>>
    tpu.wait_indirect_dma semaphore(%arg14 : memref<!tpu.dma_semaphore, #tpu.memory_space<semaphore_mem>>) src(%dma_wait3A_69 : memref<10000x64xf32, #tpu.memory_space<hbm>>) dst(%arg9 : memref<80x64xf32, #tpu.memory_space<vmem>>)
    %run_scoped3A = arith.constant 245 : i32
    "tpu.region"() ({
      %run_scoped3A_123 = tpu.sem_alloc : memref<!tpu.dma_semaphore, #tpu.memory_space<semaphore_mem>>
      %dma_start3A_124 = arith.constant 0 : i32
      %dma_start3A_125 = tpu.memref_slice %arg7[%run_scoped3A, %dma_start3A_124] : memref<250x80xi32, #tpu.memory_space<vmem>> -> memref<1x80xi32, #tpu.memory_space<vmem>>
      %dma_start3A_126 = tpu.memref_squeeze %dma_start3A_125 : memref<1x80xi32, #tpu.memory_space<vmem>> -> memref<80xi32, #tpu.memory_space<vmem>>
      %dma_start3A_127 = arith.constant 0 : i32
      %dma_start3A_128 = arith.constant 0 : i32
      %dma_start3A_129 = tpu.memref_slice %arg19[%dma_start3A_127, %dma_start3A_128] : memref<10240x64xf32, #tpu.memory_space<vmem_shared>> -> memref<10240x64xf32, #tpu.memory_space<vmem_shared>>
      tpu.enqueue_indirect_dma source(%arg9 : memref<80x64xf32, #tpu.memory_space<vmem>>) target(%dma_start3A_129 : memref<10240x64xf32, #tpu.memory_space<vmem_shared>>) offsets(%dma_start3A_126 : memref<80xi32, #tpu.memory_space<vmem>>) semaphore(%run_scoped3A_123 : memref<!tpu.dma_semaphore, #tpu.memory_space<semaphore_mem>>) {add = true}
      %dma_wait3A_130 = arith.constant 0 : i32
      %dma_wait3A_131 = tpu.memref_slice %arg7[%run_scoped3A, %dma_wait3A_130] : memref<250x80xi32, #tpu.memory_space<vmem>> -> memref<1x80xi32, #tpu.memory_space<vmem>>
      %dma_wait3A_132 = tpu.memref_squeeze %dma_wait3A_131 : memref<1x80xi32, #tpu.memory_space<vmem>> -> memref<80xi32, #tpu.memory_space<vmem>>
      %dma_wait3A_133 = arith.constant 0 : i32
      %dma_wait3A_134 = arith.constant 0 : i32
      %dma_wait3A_135 = tpu.memref_slice %arg19[%dma_wait3A_133, %dma_wait3A_134] : memref<10240x64xf32, #tpu.memory_space<vmem_shared>> -> memref<10240x64xf32, #tpu.memory_space<vmem_shared>>
      tpu.wait_indirect_dma semaphore(%run_scoped3A_123 : memref<!tpu.dma_semaphore, #tpu.memory_space<semaphore_mem>>) src(%arg9 : memref<80x64xf32, #tpu.memory_space<vmem>>) dst(%dma_wait3A_135 : memref<10240x64xf32, #tpu.memory_space<vmem_shared>>)
      tpu.yield
    }) : () -> ()
    %dma_wait3A_70 = arith.constant 246 : i32
    %dma_wait3A_71 = arith.constant 0 : i32
    %dma_wait3A_72 = tpu.memref_slice %arg8[%dma_wait3A_70, %dma_wait3A_71] : memref<250x80xi32, #tpu.memory_space<vmem>> -> memref<1x80xi32, #tpu.memory_space<vmem>>
    %dma_wait3A_73 = tpu.memref_squeeze %dma_wait3A_72 : memref<1x80xi32, #tpu.memory_space<vmem>> -> memref<80xi32, #tpu.memory_space<vmem>>
    %dma_wait3A_74 = arith.constant 0 : i32
    %dma_wait3A_75 = arith.constant 0 : i32
    %dma_wait3A_76 = tpu.memref_slice %arg2[%arg0, %dma_wait3A_74, %dma_wait3A_75] : memref<2x10000x64xf32, #tpu.memory_space<hbm>> -> memref<1x10000x64xf32, #tpu.memory_space<hbm>>
    %dma_wait3A_77 = tpu.memref_squeeze %dma_wait3A_76 : memref<1x10000x64xf32, #tpu.memory_space<hbm>> -> memref<10000x64xf32, #tpu.memory_space<hbm>>
    %dma_wait3A_78 = arith.constant 0 : i32
    %dma_wait3A_79 = arith.constant 0 : i32
    %dma_wait3A_80 = tpu.memref_slice %dma_wait3A_77[%dma_wait3A_78, %dma_wait3A_79] : memref<10000x64xf32, #tpu.memory_space<hbm>> -> memref<10000x64xf32, #tpu.memory_space<hbm>>
    tpu.wait_indirect_dma semaphore(%arg15 : memref<!tpu.dma_semaphore, #tpu.memory_space<semaphore_mem>>) src(%dma_wait3A_80 : memref<10000x64xf32, #tpu.memory_space<hbm>>) dst(%arg10 : memref<80x64xf32, #tpu.memory_space<vmem>>)
    %run_scoped3A_81 = arith.constant 246 : i32
    "tpu.region"() ({
      %run_scoped3A_123 = tpu.sem_alloc : memref<!tpu.dma_semaphore, #tpu.memory_space<semaphore_mem>>
      %dma_start3A_124 = arith.constant 0 : i32
      %dma_start3A_125 = tpu.memref_slice %arg7[%run_scoped3A_81, %dma_start3A_124] : memref<250x80xi32, #tpu.memory_space<vmem>> -> memref<1x80xi32, #tpu.memory_space<vmem>>
      %dma_start3A_126 = tpu.memref_squeeze %dma_start3A_125 : memref<1x80xi32, #tpu.memory_space<vmem>> -> memref<80xi32, #tpu.memory_space<vmem>>
      %dma_start3A_127 = arith.constant 0 : i32
      %dma_start3A_128 = arith.constant 0 : i32
      %dma_start3A_129 = tpu.memref_slice %arg19[%dma_start3A_127, %dma_start3A_128] : memref<10240x64xf32, #tpu.memory_space<vmem_shared>> -> memref<10240x64xf32, #tpu.memory_space<vmem_shared>>
      tpu.enqueue_indirect_dma source(%arg10 : memref<80x64xf32, #tpu.memory_space<vmem>>) target(%dma_start3A_129 : memref<10240x64xf32, #tpu.memory_space<vmem_shared>>) offsets(%dma_start3A_126 : memref<80xi32, #tpu.memory_space<vmem>>) semaphore(%run_scoped3A_123 : memref<!tpu.dma_semaphore, #tpu.memory_space<semaphore_mem>>) {add = true}
      %dma_wait3A_130 = arith.constant 0 : i32
      %dma_wait3A_131 = tpu.memref_slice %arg7[%run_scoped3A_81, %dma_wait3A_130] : memref<250x80xi32, #tpu.memory_space<vmem>> -> memref<1x80xi32, #tpu.memory_space<vmem>>
      %dma_wait3A_132 = tpu.memref_squeeze %dma_wait3A_131 : memref<1x80xi32, #tpu.memory_space<vmem>> -> memref<80xi32, #tpu.memory_space<vmem>>
      %dma_wait3A_133 = arith.constant 0 : i32
      %dma_wait3A_134 = arith.constant 0 : i32
      %dma_wait3A_135 = tpu.memref_slice %arg19[%dma_wait3A_133, %dma_wait3A_134] : memref<10240x64xf32, #tpu.memory_space<vmem_shared>> -> memref<10240x64xf32, #tpu.memory_space<vmem_shared>>
      tpu.wait_indirect_dma semaphore(%run_scoped3A_123 : memref<!tpu.dma_semaphore, #tpu.memory_space<semaphore_mem>>) src(%arg10 : memref<80x64xf32, #tpu.memory_space<vmem>>) dst(%dma_wait3A_135 : memref<10240x64xf32, #tpu.memory_space<vmem_shared>>)
      tpu.yield
    }) : () -> ()
    %dma_wait3A_82 = arith.constant 247 : i32
    %dma_wait3A_83 = arith.constant 0 : i32
    %dma_wait3A_84 = tpu.memref_slice %arg8[%dma_wait3A_82, %dma_wait3A_83] : memref<250x80xi32, #tpu.memory_space<vmem>> -> memref<1x80xi32, #tpu.memory_space<vmem>>
    %dma_wait3A_85 = tpu.memref_squeeze %dma_wait3A_84 : memref<1x80xi32, #tpu.memory_space<vmem>> -> memref<80xi32, #tpu.memory_space<vmem>>
    %dma_wait3A_86 = arith.constant 0 : i32
    %dma_wait3A_87 = arith.constant 0 : i32
    %dma_wait3A_88 = tpu.memref_slice %arg2[%arg0, %dma_wait3A_86, %dma_wait3A_87] : memref<2x10000x64xf32, #tpu.memory_space<hbm>> -> memref<1x10000x64xf32, #tpu.memory_space<hbm>>
    %dma_wait3A_89 = tpu.memref_squeeze %dma_wait3A_88 : memref<1x10000x64xf32, #tpu.memory_space<hbm>> -> memref<10000x64xf32, #tpu.memory_space<hbm>>
    %dma_wait3A_90 = arith.constant 0 : i32
    %dma_wait3A_91 = arith.constant 0 : i32
    %dma_wait3A_92 = tpu.memref_slice %dma_wait3A_89[%dma_wait3A_90, %dma_wait3A_91] : memref<10000x64xf32, #tpu.memory_space<hbm>> -> memref<10000x64xf32, #tpu.memory_space<hbm>>
    tpu.wait_indirect_dma semaphore(%arg16 : memref<!tpu.dma_semaphore, #tpu.memory_space<semaphore_mem>>) src(%dma_wait3A_92 : memref<10000x64xf32, #tpu.memory_space<hbm>>) dst(%arg11 : memref<80x64xf32, #tpu.memory_space<vmem>>)
    %run_scoped3A_93 = arith.constant 247 : i32
    "tpu.region"() ({
      %run_scoped3A_123 = tpu.sem_alloc : memref<!tpu.dma_semaphore, #tpu.memory_space<semaphore_mem>>
      %dma_start3A_124 = arith.constant 0 : i32
      %dma_start3A_125 = tpu.memref_slice %arg7[%run_scoped3A_93, %dma_start3A_124] : memref<250x80xi32, #tpu.memory_space<vmem>> -> memref<1x80xi32, #tpu.memory_space<vmem>>
      %dma_start3A_126 = tpu.memref_squeeze %dma_start3A_125 : memref<1x80xi32, #tpu.memory_space<vmem>> -> memref<80xi32, #tpu.memory_space<vmem>>
      %dma_start3A_127 = arith.constant 0 : i32
      %dma_start3A_128 = arith.constant 0 : i32
      %dma_start3A_129 = tpu.memref_slice %arg19[%dma_start3A_127, %dma_start3A_128] : memref<10240x64xf32, #tpu.memory_space<vmem_shared>> -> memref<10240x64xf32, #tpu.memory_space<vmem_shared>>
      tpu.enqueue_indirect_dma source(%arg11 : memref<80x64xf32, #tpu.memory_space<vmem>>) target(%dma_start3A_129 : memref<10240x64xf32, #tpu.memory_space<vmem_shared>>) offsets(%dma_start3A_126 : memref<80xi32, #tpu.memory_space<vmem>>) semaphore(%run_scoped3A_123 : memref<!tpu.dma_semaphore, #tpu.memory_space<semaphore_mem>>) {add = true}
      %dma_wait3A_130 = arith.constant 0 : i32
      %dma_wait3A_131 = tpu.memref_slice %arg7[%run_scoped3A_93, %dma_wait3A_130] : memref<250x80xi32, #tpu.memory_space<vmem>> -> memref<1x80xi32, #tpu.memory_space<vmem>>
      %dma_wait3A_132 = tpu.memref_squeeze %dma_wait3A_131 : memref<1x80xi32, #tpu.memory_space<vmem>> -> memref<80xi32, #tpu.memory_space<vmem>>
      %dma_wait3A_133 = arith.constant 0 : i32
      %dma_wait3A_134 = arith.constant 0 : i32
      %dma_wait3A_135 = tpu.memref_slice %arg19[%dma_wait3A_133, %dma_wait3A_134] : memref<10240x64xf32, #tpu.memory_space<vmem_shared>> -> memref<10240x64xf32, #tpu.memory_space<vmem_shared>>
      tpu.wait_indirect_dma semaphore(%run_scoped3A_123 : memref<!tpu.dma_semaphore, #tpu.memory_space<semaphore_mem>>) src(%arg11 : memref<80x64xf32, #tpu.memory_space<vmem>>) dst(%dma_wait3A_135 : memref<10240x64xf32, #tpu.memory_space<vmem_shared>>)
      tpu.yield
    }) : () -> ()
    %dma_wait3A_94 = arith.constant 248 : i32
    %dma_wait3A_95 = arith.constant 0 : i32
    %dma_wait3A_96 = tpu.memref_slice %arg8[%dma_wait3A_94, %dma_wait3A_95] : memref<250x80xi32, #tpu.memory_space<vmem>> -> memref<1x80xi32, #tpu.memory_space<vmem>>
    %dma_wait3A_97 = tpu.memref_squeeze %dma_wait3A_96 : memref<1x80xi32, #tpu.memory_space<vmem>> -> memref<80xi32, #tpu.memory_space<vmem>>
    %dma_wait3A_98 = arith.constant 0 : i32
    %dma_wait3A_99 = arith.constant 0 : i32
    %dma_wait3A_100 = tpu.memref_slice %arg2[%arg0, %dma_wait3A_98, %dma_wait3A_99] : memref<2x10000x64xf32, #tpu.memory_space<hbm>> -> memref<1x10000x64xf32, #tpu.memory_space<hbm>>
    %dma_wait3A_101 = tpu.memref_squeeze %dma_wait3A_100 : memref<1x10000x64xf32, #tpu.memory_space<hbm>> -> memref<10000x64xf32, #tpu.memory_space<hbm>>
    %dma_wait3A_102 = arith.constant 0 : i32
    %dma_wait3A_103 = arith.constant 0 : i32
    %dma_wait3A_104 = tpu.memref_slice %dma_wait3A_101[%dma_wait3A_102, %dma_wait3A_103] : memref<10000x64xf32, #tpu.memory_space<hbm>> -> memref<10000x64xf32, #tpu.memory_space<hbm>>
    tpu.wait_indirect_dma semaphore(%arg17 : memref<!tpu.dma_semaphore, #tpu.memory_space<semaphore_mem>>) src(%dma_wait3A_104 : memref<10000x64xf32, #tpu.memory_space<hbm>>) dst(%arg12 : memref<80x64xf32, #tpu.memory_space<vmem>>)
    %run_scoped3A_105 = arith.constant 248 : i32
    "tpu.region"() ({
      %run_scoped3A_123 = tpu.sem_alloc : memref<!tpu.dma_semaphore, #tpu.memory_space<semaphore_mem>>
      %dma_start3A_124 = arith.constant 0 : i32
      %dma_start3A_125 = tpu.memref_slice %arg7[%run_scoped3A_105, %dma_start3A_124] : memref<250x80xi32, #tpu.memory_space<vmem>> -> memref<1x80xi32, #tpu.memory_space<vmem>>
      %dma_start3A_126 = tpu.memref_squeeze %dma_start3A_125 : memref<1x80xi32, #tpu.memory_space<vmem>> -> memref<80xi32, #tpu.memory_space<vmem>>
      %dma_start3A_127 = arith.constant 0 : i32
      %dma_start3A_128 = arith.constant 0 : i32
      %dma_start3A_129 = tpu.memref_slice %arg19[%dma_start3A_127, %dma_start3A_128] : memref<10240x64xf32, #tpu.memory_space<vmem_shared>> -> memref<10240x64xf32, #tpu.memory_space<vmem_shared>>
      tpu.enqueue_indirect_dma source(%arg12 : memref<80x64xf32, #tpu.memory_space<vmem>>) target(%dma_start3A_129 : memref<10240x64xf32, #tpu.memory_space<vmem_shared>>) offsets(%dma_start3A_126 : memref<80xi32, #tpu.memory_space<vmem>>) semaphore(%run_scoped3A_123 : memref<!tpu.dma_semaphore, #tpu.memory_space<semaphore_mem>>) {add = true}
      %dma_wait3A_130 = arith.constant 0 : i32
      %dma_wait3A_131 = tpu.memref_slice %arg7[%run_scoped3A_105, %dma_wait3A_130] : memref<250x80xi32, #tpu.memory_space<vmem>> -> memref<1x80xi32, #tpu.memory_space<vmem>>
      %dma_wait3A_132 = tpu.memref_squeeze %dma_wait3A_131 : memref<1x80xi32, #tpu.memory_space<vmem>> -> memref<80xi32, #tpu.memory_space<vmem>>
      %dma_wait3A_133 = arith.constant 0 : i32
      %dma_wait3A_134 = arith.constant 0 : i32
      %dma_wait3A_135 = tpu.memref_slice %arg19[%dma_wait3A_133, %dma_wait3A_134] : memref<10240x64xf32, #tpu.memory_space<vmem_shared>> -> memref<10240x64xf32, #tpu.memory_space<vmem_shared>>
      tpu.wait_indirect_dma semaphore(%run_scoped3A_123 : memref<!tpu.dma_semaphore, #tpu.memory_space<semaphore_mem>>) src(%arg12 : memref<80x64xf32, #tpu.memory_space<vmem>>) dst(%dma_wait3A_135 : memref<10240x64xf32, #tpu.memory_space<vmem_shared>>)
      tpu.yield
    }) : () -> ()
    %dma_wait3A_106 = arith.constant 249 : i32
    %dma_wait3A_107 = arith.constant 0 : i32
    %dma_wait3A_108 = tpu.memref_slice %arg8[%dma_wait3A_106, %dma_wait3A_107] : memref<250x80xi32, #tpu.memory_space<vmem>> -> memref<1x80xi32, #tpu.memory_space<vmem>>
    %dma_wait3A_109 = tpu.memref_squeeze %dma_wait3A_108 : memref<1x80xi32, #tpu.memory_space<vmem>> -> memref<80xi32, #tpu.memory_space<vmem>>
    %dma_wait3A_110 = arith.constant 0 : i32
    %dma_wait3A_111 = arith.constant 0 : i32
    %dma_wait3A_112 = tpu.memref_slice %arg2[%arg0, %dma_wait3A_110, %dma_wait3A_111] : memref<2x10000x64xf32, #tpu.memory_space<hbm>> -> memref<1x10000x64xf32, #tpu.memory_space<hbm>>
    %dma_wait3A_113 = tpu.memref_squeeze %dma_wait3A_112 : memref<1x10000x64xf32, #tpu.memory_space<hbm>> -> memref<10000x64xf32, #tpu.memory_space<hbm>>
    %dma_wait3A_114 = arith.constant 0 : i32
    %dma_wait3A_115 = arith.constant 0 : i32
    %dma_wait3A_116 = tpu.memref_slice %dma_wait3A_113[%dma_wait3A_114, %dma_wait3A_115] : memref<10000x64xf32, #tpu.memory_space<hbm>> -> memref<10000x64xf32, #tpu.memory_space<hbm>>
    tpu.wait_indirect_dma semaphore(%arg18 : memref<!tpu.dma_semaphore, #tpu.memory_space<semaphore_mem>>) src(%dma_wait3A_116 : memref<10000x64xf32, #tpu.memory_space<hbm>>) dst(%arg13 : memref<80x64xf32, #tpu.memory_space<vmem>>)
    %run_scoped3A_117 = arith.constant 249 : i32
    "tpu.region"() ({
      %run_scoped3A_123 = tpu.sem_alloc : memref<!tpu.dma_semaphore, #tpu.memory_space<semaphore_mem>>
      %dma_start3A_124 = arith.constant 0 : i32
      %dma_start3A_125 = tpu.memref_slice %arg7[%run_scoped3A_117, %dma_start3A_124] : memref<250x80xi32, #tpu.memory_space<vmem>> -> memref<1x80xi32, #tpu.memory_space<vmem>>
      %dma_start3A_126 = tpu.memref_squeeze %dma_start3A_125 : memref<1x80xi32, #tpu.memory_space<vmem>> -> memref<80xi32, #tpu.memory_space<vmem>>
      %dma_start3A_127 = arith.constant 0 : i32
      %dma_start3A_128 = arith.constant 0 : i32
      %dma_start3A_129 = tpu.memref_slice %arg19[%dma_start3A_127, %dma_start3A_128] : memref<10240x64xf32, #tpu.memory_space<vmem_shared>> -> memref<10240x64xf32, #tpu.memory_space<vmem_shared>>
      tpu.enqueue_indirect_dma source(%arg13 : memref<80x64xf32, #tpu.memory_space<vmem>>) target(%dma_start3A_129 : memref<10240x64xf32, #tpu.memory_space<vmem_shared>>) offsets(%dma_start3A_126 : memref<80xi32, #tpu.memory_space<vmem>>) semaphore(%run_scoped3A_123 : memref<!tpu.dma_semaphore, #tpu.memory_space<semaphore_mem>>) {add = true}
      %dma_wait3A_130 = arith.constant 0 : i32
      %dma_wait3A_131 = tpu.memref_slice %arg7[%run_scoped3A_117, %dma_wait3A_130] : memref<250x80xi32, #tpu.memory_space<vmem>> -> memref<1x80xi32, #tpu.memory_space<vmem>>
      %dma_wait3A_132 = tpu.memref_squeeze %dma_wait3A_131 : memref<1x80xi32, #tpu.memory_space<vmem>> -> memref<80xi32, #tpu.memory_space<vmem>>
      %dma_wait3A_133 = arith.constant 0 : i32
      %dma_wait3A_134 = arith.constant 0 : i32
      %dma_wait3A_135 = tpu.memref_slice %arg19[%dma_wait3A_133, %dma_wait3A_134] : memref<10240x64xf32, #tpu.memory_space<vmem_shared>> -> memref<10240x64xf32, #tpu.memory_space<vmem_shared>>
      tpu.wait_indirect_dma semaphore(%run_scoped3A_123 : memref<!tpu.dma_semaphore, #tpu.memory_space<semaphore_mem>>) src(%arg13 : memref<80x64xf32, #tpu.memory_space<vmem>>) dst(%dma_wait3A_135 : memref<10240x64xf32, #tpu.memory_space<vmem_shared>>)
      tpu.yield
    }) : () -> ()
    %barrier3A_118 = arith.constant 0 : index
    tpu.barrier barrier_id(%barrier3A_118)
    %mul3A_119 = arith.constant 640 : i32
    %mul3A_120 = arith.muli %arg1, %mul3A_119 : i32
    %mul3A_121 = arith.constant 640 : i32
    %mul3A_122 = arith.muli %arg1, %mul3A_121 : i32
    "tpu.region"() ({
      %run_scoped3A_123 = tpu.sem_alloc : memref<!tpu.dma_semaphore, #tpu.memory_space<semaphore_mem>>
      %dma_start3A_124 = arith.constant 0 : i32
      %dma_start3A_125 = tpu.memref_slice %arg6[%arg0, %mul3A_122, %dma_start3A_124] : memref<2x10240x64xf32, #tpu.memory_space<hbm>> -> memref<1x640x64xf32, #tpu.memory_space<hbm>>
      %dma_start3A_126 = tpu.memref_squeeze %dma_start3A_125 : memref<1x640x64xf32, #tpu.memory_space<hbm>> -> memref<640x64xf32, #tpu.memory_space<hbm>>
      %dma_start3A_127 = arith.constant 0 : i32
      %dma_start3A_128 = tpu.memref_slice %arg19[%mul3A_120, %dma_start3A_127] : memref<10240x64xf32, #tpu.memory_space<vmem_shared>> -> memref<640x64xf32, #tpu.memory_space<vmem_shared>>
      tpu.enqueue_dma source(%dma_start3A_128 : memref<640x64xf32, #tpu.memory_space<vmem_shared>>) target(%dma_start3A_126 : memref<640x64xf32, #tpu.memory_space<hbm>>) target_semaphore(%run_scoped3A_123 : memref<!tpu.dma_semaphore, #tpu.memory_space<semaphore_mem>>)
      %dma_wait3A_129 = arith.constant 0 : i32
      %dma_wait3A_130 = tpu.memref_slice %arg6[%arg0, %mul3A_122, %dma_wait3A_129] : memref<2x10240x64xf32, #tpu.memory_space<hbm>> -> memref<1x640x64xf32, #tpu.memory_space<hbm>>
      %dma_wait3A_131 = tpu.memref_squeeze %dma_wait3A_130 : memref<1x640x64xf32, #tpu.memory_space<hbm>> -> memref<640x64xf32, #tpu.memory_space<hbm>>
      %dma_wait3A_132 = arith.constant 0 : i32
      %dma_wait3A_133 = tpu.memref_slice %arg19[%mul3A_120, %dma_wait3A_132] : memref<10240x64xf32, #tpu.memory_space<vmem_shared>> -> memref<640x64xf32, #tpu.memory_space<vmem_shared>>
      tpu.wait_dma2 semaphore(%run_scoped3A_123 : memref<!tpu.dma_semaphore, #tpu.memory_space<semaphore_mem>>) src(%dma_wait3A_133 : memref<640x64xf32, #tpu.memory_space<vmem_shared>>) dst(%dma_wait3A_131 : memref<640x64xf32, #tpu.memory_space<hbm>>)
      tpu.yield
    }) : () -> ()
    return
  }
}

#map = affine_map<(d0, d1) -> (0, 0, 0)>
#map1 = affine_map<(d0, d1) -> (0, 0)>
module attributes {stable_mosaic.version = 14 : i64} {
  func.func @sc_agg(%arg0: i32, %arg1: i32, %arg2: memref<2x10000x64xf32, #tpu.memory_space<hbm>>, %arg3: memref<16x250x80xi32, #tpu.memory_space<hbm>>, %arg4: memref<16x250x80xi32, #tpu.memory_space<hbm>>, %arg5: memref<640x64xf32, #tpu.memory_space<hbm>>, %arg6: memref<2x10240x64xf32, #tpu.memory_space<hbm>>, %arg7: memref<250x80xi32, #tpu.memory_space<vmem>>, %arg8: memref<250x80xi32, #tpu.memory_space<vmem>>, %arg9: memref<80x64xf32, #tpu.memory_space<vmem>>, %arg10: memref<80x64xf32, #tpu.memory_space<vmem>>, %arg11: memref<80x64xf32, #tpu.memory_space<vmem>>, %arg12: memref<80x64xf32, #tpu.memory_space<vmem>>, %arg13: memref<80x64xf32, #tpu.memory_space<vmem>>, %arg14: memref<!tpu.dma_semaphore, #tpu.memory_space<semaphore_mem>>, %arg15: memref<!tpu.dma_semaphore, #tpu.memory_space<semaphore_mem>>, %arg16: memref<!tpu.dma_semaphore, #tpu.memory_space<semaphore_mem>>, %arg17: memref<!tpu.dma_semaphore, #tpu.memory_space<semaphore_mem>>, %arg18: memref<!tpu.dma_semaphore, #tpu.memory_space<semaphore_mem>>, %arg19: memref<10240x64xf32, #tpu.memory_space<vmem_shared>>) attributes {dimension_semantics = [#tpu.dimension_semantics<core_parallel>, #tpu.dimension_semantics<subcore_parallel>], iteration_bounds = array<i64: 2, 16>, scalar_prefetch = 0 : i64, scratch_operands = 13 : i64, tpu.core_type = #tpu.core_type<sc_vector_subcore>, window_params = [{transform_indices = #map}, {transform_indices = #map}, {transform_indices = #map}, {transform_indices = #map1}, {transform_indices = #map}]} {
    "tpu.region"() ({
      %run_scoped3A_123 = tpu.sem_alloc : memref<!tpu.dma_semaphore, #tpu.memory_space<semaphore_mem>>
      %dma_start3A_124 = arith.constant 0 : i32
      %dma_start3A_125 = arith.constant 0 : i32
      %dma_start3A_126 = tpu.memref_slice %arg3[%arg1, %dma_start3A_124, %dma_start3A_125] : memref<16x250x80xi32, #tpu.memory_space<hbm>> -> memref<1x250x80xi32, #tpu.memory_space<hbm>>
      %dma_start3A_127 = tpu.memref_squeeze %dma_start3A_126 : memref<1x250x80xi32, #tpu.memory_space<hbm>> -> memref<250x80xi32, #tpu.memory_space<hbm>>
      %dma_start3A_128 = arith.constant 0 : i32
      %dma_start3A_129 = arith.constant 0 : i32
      %dma_start3A_130 = tpu.memref_slice %arg3[%arg1, %dma_start3A_128, %dma_start3A_129] : memref<16x250x80xi32, #tpu.memory_space<hbm>> -> memref<1x250x80xi32, #tpu.memory_space<hbm>>
      %dma_start3A_131 = tpu.memref_squeeze %dma_start3A_130 : memref<1x250x80xi32, #tpu.memory_space<hbm>> -> memref<250x80xi32, #tpu.memory_space<hbm>>
      tpu.enqueue_dma source(%dma_start3A_131 : memref<250x80xi32, #tpu.memory_space<hbm>>) target(%arg7 : memref<250x80xi32, #tpu.memory_space<vmem>>) target_semaphore(%run_scoped3A_123 : memref<!tpu.dma_semaphore, #tpu.memory_space<semaphore_mem>>)
      %dma_wait3A_132 = arith.constant 0 : i32
      %dma_wait3A_133 = arith.constant 0 : i32
      %dma_wait3A_134 = tpu.memref_slice %arg3[%arg1, %dma_wait3A_132, %dma_wait3A_133] : memref<16x250x80xi32, #tpu.memory_space<hbm>> -> memref<1x250x80xi32, #tpu.memory_space<hbm>>
      %dma_wait3A_135 = tpu.memref_squeeze %dma_wait3A_134 : memref<1x250x80xi32, #tpu.memory_space<hbm>> -> memref<250x80xi32, #tpu.memory_space<hbm>>
      %dma_wait3A_136 = arith.constant 0 : i32
      %dma_wait3A_137 = arith.constant 0 : i32
      %dma_wait3A_138 = tpu.memref_slice %arg3[%arg1, %dma_wait3A_136, %dma_wait3A_137] : memref<16x250x80xi32, #tpu.memory_space<hbm>> -> memref<1x250x80xi32, #tpu.memory_space<hbm>>
      %dma_wait3A_139 = tpu.memref_squeeze %dma_wait3A_138 : memref<1x250x80xi32, #tpu.memory_space<hbm>> -> memref<250x80xi32, #tpu.memory_space<hbm>>
      tpu.wait_dma2 semaphore(%run_scoped3A_123 : memref<!tpu.dma_semaphore, #tpu.memory_space<semaphore_mem>>) src(%dma_wait3A_139 : memref<250x80xi32, #tpu.memory_space<hbm>>) dst(%arg7 : memref<250x80xi32, #tpu.memory_space<vmem>>)
      tpu.yield
    }) : () -> ()
    "tpu.region"() ({
      %run_scoped3A_123 = tpu.sem_alloc : memref<!tpu.dma_semaphore, #tpu.memory_space<semaphore_mem>>
      %dma_start3A_124 = arith.constant 0 : i32
      %dma_start3A_125 = arith.constant 0 : i32
      %dma_start3A_126 = tpu.memref_slice %arg4[%arg1, %dma_start3A_124, %dma_start3A_125] : memref<16x250x80xi32, #tpu.memory_space<hbm>> -> memref<1x250x80xi32, #tpu.memory_space<hbm>>
      %dma_start3A_127 = tpu.memref_squeeze %dma_start3A_126 : memref<1x250x80xi32, #tpu.memory_space<hbm>> -> memref<250x80xi32, #tpu.memory_space<hbm>>
      %dma_start3A_128 = arith.constant 0 : i32
      %dma_start3A_129 = arith.constant 0 : i32
      %dma_start3A_130 = tpu.memref_slice %arg4[%arg1, %dma_start3A_128, %dma_start3A_129] : memref<16x250x80xi32, #tpu.memory_space<hbm>> -> memref<1x250x80xi32, #tpu.memory_space<hbm>>
      %dma_start3A_131 = tpu.memref_squeeze %dma_start3A_130 : memref<1x250x80xi32, #tpu.memory_space<hbm>> -> memref<250x80xi32, #tpu.memory_space<hbm>>
      tpu.enqueue_dma source(%dma_start3A_131 : memref<250x80xi32, #tpu.memory_space<hbm>>) target(%arg8 : memref<250x80xi32, #tpu.memory_space<vmem>>) target_semaphore(%run_scoped3A_123 : memref<!tpu.dma_semaphore, #tpu.memory_space<semaphore_mem>>)
      %dma_wait3A_132 = arith.constant 0 : i32
      %dma_wait3A_133 = arith.constant 0 : i32
      %dma_wait3A_134 = tpu.memref_slice %arg4[%arg1, %dma_wait3A_132, %dma_wait3A_133] : memref<16x250x80xi32, #tpu.memory_space<hbm>> -> memref<1x250x80xi32, #tpu.memory_space<hbm>>
      %dma_wait3A_135 = tpu.memref_squeeze %dma_wait3A_134 : memref<1x250x80xi32, #tpu.memory_space<hbm>> -> memref<250x80xi32, #tpu.memory_space<hbm>>
      %dma_wait3A_136 = arith.constant 0 : i32
      %dma_wait3A_137 = arith.constant 0 : i32
      %dma_wait3A_138 = tpu.memref_slice %arg4[%arg1, %dma_wait3A_136, %dma_wait3A_137] : memref<16x250x80xi32, #tpu.memory_space<hbm>> -> memref<1x250x80xi32, #tpu.memory_space<hbm>>
      %dma_wait3A_139 = tpu.memref_squeeze %dma_wait3A_138 : memref<1x250x80xi32, #tpu.memory_space<hbm>> -> memref<250x80xi32, #tpu.memory_space<hbm>>
      tpu.wait_dma2 semaphore(%run_scoped3A_123 : memref<!tpu.dma_semaphore, #tpu.memory_space<semaphore_mem>>) src(%dma_wait3A_139 : memref<250x80xi32, #tpu.memory_space<hbm>>) dst(%arg8 : memref<250x80xi32, #tpu.memory_space<vmem>>)
      tpu.yield
    }) : () -> ()
    %dma_start3A = arith.constant 0 : i32
    %dma_start3A_0 = arith.constant 0 : i32
    %dma_start3A_1 = tpu.memref_slice %arg8[%dma_start3A, %dma_start3A_0] : memref<250x80xi32, #tpu.memory_space<vmem>> -> memref<1x80xi32, #tpu.memory_space<vmem>>
    %dma_start3A_2 = tpu.memref_squeeze %dma_start3A_1 : memref<1x80xi32, #tpu.memory_space<vmem>> -> memref<80xi32, #tpu.memory_space<vmem>>
    %dma_start3A_3 = arith.constant 0 : i32
    %dma_start3A_4 = arith.constant 0 : i32
    %dma_start3A_5 = tpu.memref_slice %arg2[%arg0, %dma_start3A_3, %dma_start3A_4] : memref<2x10000x64xf32, #tpu.memory_space<hbm>> -> memref<1x10000x64xf32, #tpu.memory_space<hbm>>
    %dma_start3A_6 = tpu.memref_squeeze %dma_start3A_5 : memref<1x10000x64xf32, #tpu.memory_space<hbm>> -> memref<10000x64xf32, #tpu.memory_space<hbm>>
    %dma_start3A_7 = arith.constant 0 : i32
    %dma_start3A_8 = arith.constant 0 : i32
    %dma_start3A_9 = tpu.memref_slice %dma_start3A_6[%dma_start3A_7, %dma_start3A_8] : memref<10000x64xf32, #tpu.memory_space<hbm>> -> memref<10000x64xf32, #tpu.memory_space<hbm>>
    tpu.enqueue_indirect_dma source(%dma_start3A_9 : memref<10000x64xf32, #tpu.memory_space<hbm>>) target(%arg9 : memref<80x64xf32, #tpu.memory_space<vmem>>) offsets(%dma_start3A_2 : memref<80xi32, #tpu.memory_space<vmem>>) semaphore(%arg14 : memref<!tpu.dma_semaphore, #tpu.memory_space<semaphore_mem>>)
    %dma_start3A_10 = arith.constant 1 : i32
    %dma_start3A_11 = arith.constant 0 : i32
    %dma_start3A_12 = tpu.memref_slice %arg8[%dma_start3A_10, %dma_start3A_11] : memref<250x80xi32, #tpu.memory_space<vmem>> -> memref<1x80xi32, #tpu.memory_space<vmem>>
    %dma_start3A_13 = tpu.memref_squeeze %dma_start3A_12 : memref<1x80xi32, #tpu.memory_space<vmem>> -> memref<80xi32, #tpu.memory_space<vmem>>
    %dma_start3A_14 = arith.constant 0 : i32
    %dma_start3A_15 = arith.constant 0 : i32
    %dma_start3A_16 = tpu.memref_slice %arg2[%arg0, %dma_start3A_14, %dma_start3A_15] : memref<2x10000x64xf32, #tpu.memory_space<hbm>> -> memref<1x10000x64xf32, #tpu.memory_space<hbm>>
    %dma_start3A_17 = tpu.memref_squeeze %dma_start3A_16 : memref<1x10000x64xf32, #tpu.memory_space<hbm>> -> memref<10000x64xf32, #tpu.memory_space<hbm>>
    %dma_start3A_18 = arith.constant 0 : i32
    %dma_start3A_19 = arith.constant 0 : i32
    %dma_start3A_20 = tpu.memref_slice %dma_start3A_17[%dma_start3A_18, %dma_start3A_19] : memref<10000x64xf32, #tpu.memory_space<hbm>> -> memref<10000x64xf32, #tpu.memory_space<hbm>>
    tpu.enqueue_indirect_dma source(%dma_start3A_20 : memref<10000x64xf32, #tpu.memory_space<hbm>>) target(%arg10 : memref<80x64xf32, #tpu.memory_space<vmem>>) offsets(%dma_start3A_13 : memref<80xi32, #tpu.memory_space<vmem>>) semaphore(%arg15 : memref<!tpu.dma_semaphore, #tpu.memory_space<semaphore_mem>>)
    %dma_start3A_21 = arith.constant 2 : i32
    %dma_start3A_22 = arith.constant 0 : i32
    %dma_start3A_23 = tpu.memref_slice %arg8[%dma_start3A_21, %dma_start3A_22] : memref<250x80xi32, #tpu.memory_space<vmem>> -> memref<1x80xi32, #tpu.memory_space<vmem>>
    %dma_start3A_24 = tpu.memref_squeeze %dma_start3A_23 : memref<1x80xi32, #tpu.memory_space<vmem>> -> memref<80xi32, #tpu.memory_space<vmem>>
    %dma_start3A_25 = arith.constant 0 : i32
    %dma_start3A_26 = arith.constant 0 : i32
    %dma_start3A_27 = tpu.memref_slice %arg2[%arg0, %dma_start3A_25, %dma_start3A_26] : memref<2x10000x64xf32, #tpu.memory_space<hbm>> -> memref<1x10000x64xf32, #tpu.memory_space<hbm>>
    %dma_start3A_28 = tpu.memref_squeeze %dma_start3A_27 : memref<1x10000x64xf32, #tpu.memory_space<hbm>> -> memref<10000x64xf32, #tpu.memory_space<hbm>>
    %dma_start3A_29 = arith.constant 0 : i32
    %dma_start3A_30 = arith.constant 0 : i32
    %dma_start3A_31 = tpu.memref_slice %dma_start3A_28[%dma_start3A_29, %dma_start3A_30] : memref<10000x64xf32, #tpu.memory_space<hbm>> -> memref<10000x64xf32, #tpu.memory_space<hbm>>
    tpu.enqueue_indirect_dma source(%dma_start3A_31 : memref<10000x64xf32, #tpu.memory_space<hbm>>) target(%arg11 : memref<80x64xf32, #tpu.memory_space<vmem>>) offsets(%dma_start3A_24 : memref<80xi32, #tpu.memory_space<vmem>>) semaphore(%arg16 : memref<!tpu.dma_semaphore, #tpu.memory_space<semaphore_mem>>)
    %dma_start3A_32 = arith.constant 3 : i32
    %dma_start3A_33 = arith.constant 0 : i32
    %dma_start3A_34 = tpu.memref_slice %arg8[%dma_start3A_32, %dma_start3A_33] : memref<250x80xi32, #tpu.memory_space<vmem>> -> memref<1x80xi32, #tpu.memory_space<vmem>>
    %dma_start3A_35 = tpu.memref_squeeze %dma_start3A_34 : memref<1x80xi32, #tpu.memory_space<vmem>> -> memref<80xi32, #tpu.memory_space<vmem>>
    %dma_start3A_36 = arith.constant 0 : i32
    %dma_start3A_37 = arith.constant 0 : i32
    %dma_start3A_38 = tpu.memref_slice %arg2[%arg0, %dma_start3A_36, %dma_start3A_37] : memref<2x10000x64xf32, #tpu.memory_space<hbm>> -> memref<1x10000x64xf32, #tpu.memory_space<hbm>>
    %dma_start3A_39 = tpu.memref_squeeze %dma_start3A_38 : memref<1x10000x64xf32, #tpu.memory_space<hbm>> -> memref<10000x64xf32, #tpu.memory_space<hbm>>
    %dma_start3A_40 = arith.constant 0 : i32
    %dma_start3A_41 = arith.constant 0 : i32
    %dma_start3A_42 = tpu.memref_slice %dma_start3A_39[%dma_start3A_40, %dma_start3A_41] : memref<10000x64xf32, #tpu.memory_space<hbm>> -> memref<10000x64xf32, #tpu.memory_space<hbm>>
    tpu.enqueue_indirect_dma source(%dma_start3A_42 : memref<10000x64xf32, #tpu.memory_space<hbm>>) target(%arg12 : memref<80x64xf32, #tpu.memory_space<vmem>>) offsets(%dma_start3A_35 : memref<80xi32, #tpu.memory_space<vmem>>) semaphore(%arg17 : memref<!tpu.dma_semaphore, #tpu.memory_space<semaphore_mem>>)
    %dma_start3A_43 = arith.constant 4 : i32
    %dma_start3A_44 = arith.constant 0 : i32
    %dma_start3A_45 = tpu.memref_slice %arg8[%dma_start3A_43, %dma_start3A_44] : memref<250x80xi32, #tpu.memory_space<vmem>> -> memref<1x80xi32, #tpu.memory_space<vmem>>
    %dma_start3A_46 = tpu.memref_squeeze %dma_start3A_45 : memref<1x80xi32, #tpu.memory_space<vmem>> -> memref<80xi32, #tpu.memory_space<vmem>>
    %dma_start3A_47 = arith.constant 0 : i32
    %dma_start3A_48 = arith.constant 0 : i32
    %dma_start3A_49 = tpu.memref_slice %arg2[%arg0, %dma_start3A_47, %dma_start3A_48] : memref<2x10000x64xf32, #tpu.memory_space<hbm>> -> memref<1x10000x64xf32, #tpu.memory_space<hbm>>
    %dma_start3A_50 = tpu.memref_squeeze %dma_start3A_49 : memref<1x10000x64xf32, #tpu.memory_space<hbm>> -> memref<10000x64xf32, #tpu.memory_space<hbm>>
    %dma_start3A_51 = arith.constant 0 : i32
    %dma_start3A_52 = arith.constant 0 : i32
    %dma_start3A_53 = tpu.memref_slice %dma_start3A_50[%dma_start3A_51, %dma_start3A_52] : memref<10000x64xf32, #tpu.memory_space<hbm>> -> memref<10000x64xf32, #tpu.memory_space<hbm>>
    tpu.enqueue_indirect_dma source(%dma_start3A_53 : memref<10000x64xf32, #tpu.memory_space<hbm>>) target(%arg13 : memref<80x64xf32, #tpu.memory_space<vmem>>) offsets(%dma_start3A_46 : memref<80xi32, #tpu.memory_space<vmem>>) semaphore(%arg18 : memref<!tpu.dma_semaphore, #tpu.memory_space<semaphore_mem>>)
    %mul3A = arith.constant 640 : i32
    %mul3A_54 = arith.muli %arg1, %mul3A : i32
    "tpu.region"() ({
      %run_scoped3A_123 = tpu.sem_alloc : memref<!tpu.dma_semaphore, #tpu.memory_space<semaphore_mem>>
      %dma_start3A_124 = arith.constant 0 : i32
      %dma_start3A_125 = tpu.memref_slice %arg19[%mul3A_54, %dma_start3A_124] : memref<10240x64xf32, #tpu.memory_space<vmem_shared>> -> memref<640x64xf32, #tpu.memory_space<vmem_shared>>
      tpu.enqueue_dma source(%arg5 : memref<640x64xf32, #tpu.memory_space<hbm>>) target(%dma_start3A_125 : memref<640x64xf32, #tpu.memory_space<vmem_shared>>) target_semaphore(%run_scoped3A_123 : memref<!tpu.dma_semaphore, #tpu.memory_space<semaphore_mem>>)
      %dma_wait3A_126 = arith.constant 0 : i32
      %dma_wait3A_127 = tpu.memref_slice %arg19[%mul3A_54, %dma_wait3A_126] : memref<10240x64xf32, #tpu.memory_space<vmem_shared>> -> memref<640x64xf32, #tpu.memory_space<vmem_shared>>
      tpu.wait_dma2 semaphore(%run_scoped3A_123 : memref<!tpu.dma_semaphore, #tpu.memory_space<semaphore_mem>>) src(%arg5 : memref<640x64xf32, #tpu.memory_space<hbm>>) dst(%dma_wait3A_127 : memref<640x64xf32, #tpu.memory_space<vmem_shared>>)
      tpu.yield
    }) : () -> ()
    %barrier3A = arith.constant 0 : index
    tpu.barrier barrier_id(%barrier3A)
    %scan3A = arith.constant 0 : i32
    %scan3A_55 = arith.constant 0 : i32
    %scan3A_56 = arith.constant 49 : i32
    %scan3A_57 = arith.addi %scan3A_55, %scan3A_56 : i32
    %scan3A_58 = arith.constant 1 : i32
    scf.for %scan3A_123 = %scan3A_55 to %scan3A_57 step %scan3A_58  : i32 {
      %mul3A_124 = arith.constant 5 : i32
      %mul3A_125 = arith.muli %scan3A_123, %mul3A_124 : i32
      %add3A = arith.constant 0 : i32
      %add3A_126 = arith.addi %mul3A_125, %add3A : i32
      %dma_wait3A_127 = arith.constant 0 : i32
      %dma_wait3A_128 = tpu.memref_slice %arg8[%add3A_126, %dma_wait3A_127] : memref<250x80xi32, #tpu.memory_space<vmem>> -> memref<1x80xi32, #tpu.memory_space<vmem>>
      %dma_wait3A_129 = tpu.memref_squeeze %dma_wait3A_128 : memref<1x80xi32, #tpu.memory_space<vmem>> -> memref<80xi32, #tpu.memory_space<vmem>>
      %dma_wait3A_130 = arith.constant 0 : i32
      %dma_wait3A_131 = arith.constant 0 : i32
      %dma_wait3A_132 = tpu.memref_slice %arg2[%arg0, %dma_wait3A_130, %dma_wait3A_131] : memref<2x10000x64xf32, #tpu.memory_space<hbm>> -> memref<1x10000x64xf32, #tpu.memory_space<hbm>>
      %dma_wait3A_133 = tpu.memref_squeeze %dma_wait3A_132 : memref<1x10000x64xf32, #tpu.memory_space<hbm>> -> memref<10000x64xf32, #tpu.memory_space<hbm>>
      %dma_wait3A_134 = arith.constant 0 : i32
      %dma_wait3A_135 = arith.constant 0 : i32
      %dma_wait3A_136 = tpu.memref_slice %dma_wait3A_133[%dma_wait3A_134, %dma_wait3A_135] : memref<10000x64xf32, #tpu.memory_space<hbm>> -> memref<10000x64xf32, #tpu.memory_space<hbm>>
      tpu.wait_indirect_dma semaphore(%arg14 : memref<!tpu.dma_semaphore, #tpu.memory_space<semaphore_mem>>) src(%dma_wait3A_136 : memref<10000x64xf32, #tpu.memory_space<hbm>>) dst(%arg9 : memref<80x64xf32, #tpu.memory_space<vmem>>)
      "tpu.region"() ({
        %run_scoped3A_253 = tpu.sem_alloc : memref<!tpu.dma_semaphore, #tpu.memory_space<semaphore_mem>>
        %dma_start3A_254 = arith.constant 0 : i32
        %dma_start3A_255 = tpu.memref_slice %arg7[%add3A_126, %dma_start3A_254] : memref<250x80xi32, #tpu.memory_space<vmem>> -> memref<1x80xi32, #tpu.memory_space<vmem>>
        %dma_start3A_256 = tpu.memref_squeeze %dma_start3A_255 : memref<1x80xi32, #tpu.memory_space<vmem>> -> memref<80xi32, #tpu.memory_space<vmem>>
        %dma_start3A_257 = arith.constant 0 : i32
        %dma_start3A_258 = arith.constant 0 : i32
        %dma_start3A_259 = tpu.memref_slice %arg19[%dma_start3A_257, %dma_start3A_258] : memref<10240x64xf32, #tpu.memory_space<vmem_shared>> -> memref<10240x64xf32, #tpu.memory_space<vmem_shared>>
        tpu.enqueue_indirect_dma source(%arg9 : memref<80x64xf32, #tpu.memory_space<vmem>>) target(%dma_start3A_259 : memref<10240x64xf32, #tpu.memory_space<vmem_shared>>) offsets(%dma_start3A_256 : memref<80xi32, #tpu.memory_space<vmem>>) semaphore(%run_scoped3A_253 : memref<!tpu.dma_semaphore, #tpu.memory_space<semaphore_mem>>) {add = true}
        %dma_wait3A_260 = arith.constant 0 : i32
        %dma_wait3A_261 = tpu.memref_slice %arg7[%add3A_126, %dma_wait3A_260] : memref<250x80xi32, #tpu.memory_space<vmem>> -> memref<1x80xi32, #tpu.memory_space<vmem>>
        %dma_wait3A_262 = tpu.memref_squeeze %dma_wait3A_261 : memref<1x80xi32, #tpu.memory_space<vmem>> -> memref<80xi32, #tpu.memory_space<vmem>>
        %dma_wait3A_263 = arith.constant 0 : i32
        %dma_wait3A_264 = arith.constant 0 : i32
        %dma_wait3A_265 = tpu.memref_slice %arg19[%dma_wait3A_263, %dma_wait3A_264] : memref<10240x64xf32, #tpu.memory_space<vmem_shared>> -> memref<10240x64xf32, #tpu.memory_space<vmem_shared>>
        tpu.wait_indirect_dma semaphore(%run_scoped3A_253 : memref<!tpu.dma_semaphore, #tpu.memory_space<semaphore_mem>>) src(%arg9 : memref<80x64xf32, #tpu.memory_space<vmem>>) dst(%dma_wait3A_265 : memref<10240x64xf32, #tpu.memory_space<vmem_shared>>)
        tpu.yield
      }) : () -> ()
      %add3A_137 = arith.constant 5 : i32
      %add3A_138 = arith.addi %add3A_126, %add3A_137 : i32
      %dma_start3A_139 = arith.constant 0 : i32
      %dma_start3A_140 = tpu.memref_slice %arg8[%add3A_138, %dma_start3A_139] : memref<250x80xi32, #tpu.memory_space<vmem>> -> memref<1x80xi32, #tpu.memory_space<vmem>>
      %dma_start3A_141 = tpu.memref_squeeze %dma_start3A_140 : memref<1x80xi32, #tpu.memory_space<vmem>> -> memref<80xi32, #tpu.memory_space<vmem>>
      %dma_start3A_142 = arith.constant 0 : i32
      %dma_start3A_143 = arith.constant 0 : i32
      %dma_start3A_144 = tpu.memref_slice %arg2[%arg0, %dma_start3A_142, %dma_start3A_143] : memref<2x10000x64xf32, #tpu.memory_space<hbm>> -> memref<1x10000x64xf32, #tpu.memory_space<hbm>>
      %dma_start3A_145 = tpu.memref_squeeze %dma_start3A_144 : memref<1x10000x64xf32, #tpu.memory_space<hbm>> -> memref<10000x64xf32, #tpu.memory_space<hbm>>
      %dma_start3A_146 = arith.constant 0 : i32
      %dma_start3A_147 = arith.constant 0 : i32
      %dma_start3A_148 = tpu.memref_slice %dma_start3A_145[%dma_start3A_146, %dma_start3A_147] : memref<10000x64xf32, #tpu.memory_space<hbm>> -> memref<10000x64xf32, #tpu.memory_space<hbm>>
      tpu.enqueue_indirect_dma source(%dma_start3A_148 : memref<10000x64xf32, #tpu.memory_space<hbm>>) target(%arg9 : memref<80x64xf32, #tpu.memory_space<vmem>>) offsets(%dma_start3A_141 : memref<80xi32, #tpu.memory_space<vmem>>) semaphore(%arg14 : memref<!tpu.dma_semaphore, #tpu.memory_space<semaphore_mem>>)
      %mul3A_149 = arith.constant 5 : i32
      %mul3A_150 = arith.muli %scan3A_123, %mul3A_149 : i32
      %add3A_151 = arith.constant 1 : i32
      %add3A_152 = arith.addi %mul3A_150, %add3A_151 : i32
      %dma_wait3A_153 = arith.constant 0 : i32
      %dma_wait3A_154 = tpu.memref_slice %arg8[%add3A_152, %dma_wait3A_153] : memref<250x80xi32, #tpu.memory_space<vmem>> -> memref<1x80xi32, #tpu.memory_space<vmem>>
      %dma_wait3A_155 = tpu.memref_squeeze %dma_wait3A_154 : memref<1x80xi32, #tpu.memory_space<vmem>> -> memref<80xi32, #tpu.memory_space<vmem>>
      %dma_wait3A_156 = arith.constant 0 : i32
      %dma_wait3A_157 = arith.constant 0 : i32
      %dma_wait3A_158 = tpu.memref_slice %arg2[%arg0, %dma_wait3A_156, %dma_wait3A_157] : memref<2x10000x64xf32, #tpu.memory_space<hbm>> -> memref<1x10000x64xf32, #tpu.memory_space<hbm>>
      %dma_wait3A_159 = tpu.memref_squeeze %dma_wait3A_158 : memref<1x10000x64xf32, #tpu.memory_space<hbm>> -> memref<10000x64xf32, #tpu.memory_space<hbm>>
      %dma_wait3A_160 = arith.constant 0 : i32
      %dma_wait3A_161 = arith.constant 0 : i32
      %dma_wait3A_162 = tpu.memref_slice %dma_wait3A_159[%dma_wait3A_160, %dma_wait3A_161] : memref<10000x64xf32, #tpu.memory_space<hbm>> -> memref<10000x64xf32, #tpu.memory_space<hbm>>
      tpu.wait_indirect_dma semaphore(%arg15 : memref<!tpu.dma_semaphore, #tpu.memory_space<semaphore_mem>>) src(%dma_wait3A_162 : memref<10000x64xf32, #tpu.memory_space<hbm>>) dst(%arg10 : memref<80x64xf32, #tpu.memory_space<vmem>>)
      "tpu.region"() ({
        %run_scoped3A_253 = tpu.sem_alloc : memref<!tpu.dma_semaphore, #tpu.memory_space<semaphore_mem>>
        %dma_start3A_254 = arith.constant 0 : i32
        %dma_start3A_255 = tpu.memref_slice %arg7[%add3A_152, %dma_start3A_254] : memref<250x80xi32, #tpu.memory_space<vmem>> -> memref<1x80xi32, #tpu.memory_space<vmem>>
        %dma_start3A_256 = tpu.memref_squeeze %dma_start3A_255 : memref<1x80xi32, #tpu.memory_space<vmem>> -> memref<80xi32, #tpu.memory_space<vmem>>
        %dma_start3A_257 = arith.constant 0 : i32
        %dma_start3A_258 = arith.constant 0 : i32
        %dma_start3A_259 = tpu.memref_slice %arg19[%dma_start3A_257, %dma_start3A_258] : memref<10240x64xf32, #tpu.memory_space<vmem_shared>> -> memref<10240x64xf32, #tpu.memory_space<vmem_shared>>
        tpu.enqueue_indirect_dma source(%arg10 : memref<80x64xf32, #tpu.memory_space<vmem>>) target(%dma_start3A_259 : memref<10240x64xf32, #tpu.memory_space<vmem_shared>>) offsets(%dma_start3A_256 : memref<80xi32, #tpu.memory_space<vmem>>) semaphore(%run_scoped3A_253 : memref<!tpu.dma_semaphore, #tpu.memory_space<semaphore_mem>>) {add = true}
        %dma_wait3A_260 = arith.constant 0 : i32
        %dma_wait3A_261 = tpu.memref_slice %arg7[%add3A_152, %dma_wait3A_260] : memref<250x80xi32, #tpu.memory_space<vmem>> -> memref<1x80xi32, #tpu.memory_space<vmem>>
        %dma_wait3A_262 = tpu.memref_squeeze %dma_wait3A_261 : memref<1x80xi32, #tpu.memory_space<vmem>> -> memref<80xi32, #tpu.memory_space<vmem>>
        %dma_wait3A_263 = arith.constant 0 : i32
        %dma_wait3A_264 = arith.constant 0 : i32
        %dma_wait3A_265 = tpu.memref_slice %arg19[%dma_wait3A_263, %dma_wait3A_264] : memref<10240x64xf32, #tpu.memory_space<vmem_shared>> -> memref<10240x64xf32, #tpu.memory_space<vmem_shared>>
        tpu.wait_indirect_dma semaphore(%run_scoped3A_253 : memref<!tpu.dma_semaphore, #tpu.memory_space<semaphore_mem>>) src(%arg10 : memref<80x64xf32, #tpu.memory_space<vmem>>) dst(%dma_wait3A_265 : memref<10240x64xf32, #tpu.memory_space<vmem_shared>>)
        tpu.yield
      }) : () -> ()
      %add3A_163 = arith.constant 5 : i32
      %add3A_164 = arith.addi %add3A_152, %add3A_163 : i32
      %dma_start3A_165 = arith.constant 0 : i32
      %dma_start3A_166 = tpu.memref_slice %arg8[%add3A_164, %dma_start3A_165] : memref<250x80xi32, #tpu.memory_space<vmem>> -> memref<1x80xi32, #tpu.memory_space<vmem>>
      %dma_start3A_167 = tpu.memref_squeeze %dma_start3A_166 : memref<1x80xi32, #tpu.memory_space<vmem>> -> memref<80xi32, #tpu.memory_space<vmem>>
      %dma_start3A_168 = arith.constant 0 : i32
      %dma_start3A_169 = arith.constant 0 : i32
      %dma_start3A_170 = tpu.memref_slice %arg2[%arg0, %dma_start3A_168, %dma_start3A_169] : memref<2x10000x64xf32, #tpu.memory_space<hbm>> -> memref<1x10000x64xf32, #tpu.memory_space<hbm>>
      %dma_start3A_171 = tpu.memref_squeeze %dma_start3A_170 : memref<1x10000x64xf32, #tpu.memory_space<hbm>> -> memref<10000x64xf32, #tpu.memory_space<hbm>>
      %dma_start3A_172 = arith.constant 0 : i32
      %dma_start3A_173 = arith.constant 0 : i32
      %dma_start3A_174 = tpu.memref_slice %dma_start3A_171[%dma_start3A_172, %dma_start3A_173] : memref<10000x64xf32, #tpu.memory_space<hbm>> -> memref<10000x64xf32, #tpu.memory_space<hbm>>
      tpu.enqueue_indirect_dma source(%dma_start3A_174 : memref<10000x64xf32, #tpu.memory_space<hbm>>) target(%arg10 : memref<80x64xf32, #tpu.memory_space<vmem>>) offsets(%dma_start3A_167 : memref<80xi32, #tpu.memory_space<vmem>>) semaphore(%arg15 : memref<!tpu.dma_semaphore, #tpu.memory_space<semaphore_mem>>)
      %mul3A_175 = arith.constant 5 : i32
      %mul3A_176 = arith.muli %scan3A_123, %mul3A_175 : i32
      %add3A_177 = arith.constant 2 : i32
      %add3A_178 = arith.addi %mul3A_176, %add3A_177 : i32
      %dma_wait3A_179 = arith.constant 0 : i32
      %dma_wait3A_180 = tpu.memref_slice %arg8[%add3A_178, %dma_wait3A_179] : memref<250x80xi32, #tpu.memory_space<vmem>> -> memref<1x80xi32, #tpu.memory_space<vmem>>
      %dma_wait3A_181 = tpu.memref_squeeze %dma_wait3A_180 : memref<1x80xi32, #tpu.memory_space<vmem>> -> memref<80xi32, #tpu.memory_space<vmem>>
      %dma_wait3A_182 = arith.constant 0 : i32
      %dma_wait3A_183 = arith.constant 0 : i32
      %dma_wait3A_184 = tpu.memref_slice %arg2[%arg0, %dma_wait3A_182, %dma_wait3A_183] : memref<2x10000x64xf32, #tpu.memory_space<hbm>> -> memref<1x10000x64xf32, #tpu.memory_space<hbm>>
      %dma_wait3A_185 = tpu.memref_squeeze %dma_wait3A_184 : memref<1x10000x64xf32, #tpu.memory_space<hbm>> -> memref<10000x64xf32, #tpu.memory_space<hbm>>
      %dma_wait3A_186 = arith.constant 0 : i32
      %dma_wait3A_187 = arith.constant 0 : i32
      %dma_wait3A_188 = tpu.memref_slice %dma_wait3A_185[%dma_wait3A_186, %dma_wait3A_187] : memref<10000x64xf32, #tpu.memory_space<hbm>> -> memref<10000x64xf32, #tpu.memory_space<hbm>>
      tpu.wait_indirect_dma semaphore(%arg16 : memref<!tpu.dma_semaphore, #tpu.memory_space<semaphore_mem>>) src(%dma_wait3A_188 : memref<10000x64xf32, #tpu.memory_space<hbm>>) dst(%arg11 : memref<80x64xf32, #tpu.memory_space<vmem>>)
      "tpu.region"() ({
        %run_scoped3A_253 = tpu.sem_alloc : memref<!tpu.dma_semaphore, #tpu.memory_space<semaphore_mem>>
        %dma_start3A_254 = arith.constant 0 : i32
        %dma_start3A_255 = tpu.memref_slice %arg7[%add3A_178, %dma_start3A_254] : memref<250x80xi32, #tpu.memory_space<vmem>> -> memref<1x80xi32, #tpu.memory_space<vmem>>
        %dma_start3A_256 = tpu.memref_squeeze %dma_start3A_255 : memref<1x80xi32, #tpu.memory_space<vmem>> -> memref<80xi32, #tpu.memory_space<vmem>>
        %dma_start3A_257 = arith.constant 0 : i32
        %dma_start3A_258 = arith.constant 0 : i32
        %dma_start3A_259 = tpu.memref_slice %arg19[%dma_start3A_257, %dma_start3A_258] : memref<10240x64xf32, #tpu.memory_space<vmem_shared>> -> memref<10240x64xf32, #tpu.memory_space<vmem_shared>>
        tpu.enqueue_indirect_dma source(%arg11 : memref<80x64xf32, #tpu.memory_space<vmem>>) target(%dma_start3A_259 : memref<10240x64xf32, #tpu.memory_space<vmem_shared>>) offsets(%dma_start3A_256 : memref<80xi32, #tpu.memory_space<vmem>>) semaphore(%run_scoped3A_253 : memref<!tpu.dma_semaphore, #tpu.memory_space<semaphore_mem>>) {add = true}
        %dma_wait3A_260 = arith.constant 0 : i32
        %dma_wait3A_261 = tpu.memref_slice %arg7[%add3A_178, %dma_wait3A_260] : memref<250x80xi32, #tpu.memory_space<vmem>> -> memref<1x80xi32, #tpu.memory_space<vmem>>
        %dma_wait3A_262 = tpu.memref_squeeze %dma_wait3A_261 : memref<1x80xi32, #tpu.memory_space<vmem>> -> memref<80xi32, #tpu.memory_space<vmem>>
        %dma_wait3A_263 = arith.constant 0 : i32
        %dma_wait3A_264 = arith.constant 0 : i32
        %dma_wait3A_265 = tpu.memref_slice %arg19[%dma_wait3A_263, %dma_wait3A_264] : memref<10240x64xf32, #tpu.memory_space<vmem_shared>> -> memref<10240x64xf32, #tpu.memory_space<vmem_shared>>
        tpu.wait_indirect_dma semaphore(%run_scoped3A_253 : memref<!tpu.dma_semaphore, #tpu.memory_space<semaphore_mem>>) src(%arg11 : memref<80x64xf32, #tpu.memory_space<vmem>>) dst(%dma_wait3A_265 : memref<10240x64xf32, #tpu.memory_space<vmem_shared>>)
        tpu.yield
      }) : () -> ()
      %add3A_189 = arith.constant 5 : i32
      %add3A_190 = arith.addi %add3A_178, %add3A_189 : i32
      %dma_start3A_191 = arith.constant 0 : i32
      %dma_start3A_192 = tpu.memref_slice %arg8[%add3A_190, %dma_start3A_191] : memref<250x80xi32, #tpu.memory_space<vmem>> -> memref<1x80xi32, #tpu.memory_space<vmem>>
      %dma_start3A_193 = tpu.memref_squeeze %dma_start3A_192 : memref<1x80xi32, #tpu.memory_space<vmem>> -> memref<80xi32, #tpu.memory_space<vmem>>
      %dma_start3A_194 = arith.constant 0 : i32
      %dma_start3A_195 = arith.constant 0 : i32
      %dma_start3A_196 = tpu.memref_slice %arg2[%arg0, %dma_start3A_194, %dma_start3A_195] : memref<2x10000x64xf32, #tpu.memory_space<hbm>> -> memref<1x10000x64xf32, #tpu.memory_space<hbm>>
      %dma_start3A_197 = tpu.memref_squeeze %dma_start3A_196 : memref<1x10000x64xf32, #tpu.memory_space<hbm>> -> memref<10000x64xf32, #tpu.memory_space<hbm>>
      %dma_start3A_198 = arith.constant 0 : i32
      %dma_start3A_199 = arith.constant 0 : i32
      %dma_start3A_200 = tpu.memref_slice %dma_start3A_197[%dma_start3A_198, %dma_start3A_199] : memref<10000x64xf32, #tpu.memory_space<hbm>> -> memref<10000x64xf32, #tpu.memory_space<hbm>>
      tpu.enqueue_indirect_dma source(%dma_start3A_200 : memref<10000x64xf32, #tpu.memory_space<hbm>>) target(%arg11 : memref<80x64xf32, #tpu.memory_space<vmem>>) offsets(%dma_start3A_193 : memref<80xi32, #tpu.memory_space<vmem>>) semaphore(%arg16 : memref<!tpu.dma_semaphore, #tpu.memory_space<semaphore_mem>>)
      %mul3A_201 = arith.constant 5 : i32
      %mul3A_202 = arith.muli %scan3A_123, %mul3A_201 : i32
      %add3A_203 = arith.constant 3 : i32
      %add3A_204 = arith.addi %mul3A_202, %add3A_203 : i32
      %dma_wait3A_205 = arith.constant 0 : i32
      %dma_wait3A_206 = tpu.memref_slice %arg8[%add3A_204, %dma_wait3A_205] : memref<250x80xi32, #tpu.memory_space<vmem>> -> memref<1x80xi32, #tpu.memory_space<vmem>>
      %dma_wait3A_207 = tpu.memref_squeeze %dma_wait3A_206 : memref<1x80xi32, #tpu.memory_space<vmem>> -> memref<80xi32, #tpu.memory_space<vmem>>
      %dma_wait3A_208 = arith.constant 0 : i32
      %dma_wait3A_209 = arith.constant 0 : i32
      %dma_wait3A_210 = tpu.memref_slice %arg2[%arg0, %dma_wait3A_208, %dma_wait3A_209] : memref<2x10000x64xf32, #tpu.memory_space<hbm>> -> memref<1x10000x64xf32, #tpu.memory_space<hbm>>
      %dma_wait3A_211 = tpu.memref_squeeze %dma_wait3A_210 : memref<1x10000x64xf32, #tpu.memory_space<hbm>> -> memref<10000x64xf32, #tpu.memory_space<hbm>>
      %dma_wait3A_212 = arith.constant 0 : i32
      %dma_wait3A_213 = arith.constant 0 : i32
      %dma_wait3A_214 = tpu.memref_slice %dma_wait3A_211[%dma_wait3A_212, %dma_wait3A_213] : memref<10000x64xf32, #tpu.memory_space<hbm>> -> memref<10000x64xf32, #tpu.memory_space<hbm>>
      tpu.wait_indirect_dma semaphore(%arg17 : memref<!tpu.dma_semaphore, #tpu.memory_space<semaphore_mem>>) src(%dma_wait3A_214 : memref<10000x64xf32, #tpu.memory_space<hbm>>) dst(%arg12 : memref<80x64xf32, #tpu.memory_space<vmem>>)
      "tpu.region"() ({
        %run_scoped3A_253 = tpu.sem_alloc : memref<!tpu.dma_semaphore, #tpu.memory_space<semaphore_mem>>
        %dma_start3A_254 = arith.constant 0 : i32
        %dma_start3A_255 = tpu.memref_slice %arg7[%add3A_204, %dma_start3A_254] : memref<250x80xi32, #tpu.memory_space<vmem>> -> memref<1x80xi32, #tpu.memory_space<vmem>>
        %dma_start3A_256 = tpu.memref_squeeze %dma_start3A_255 : memref<1x80xi32, #tpu.memory_space<vmem>> -> memref<80xi32, #tpu.memory_space<vmem>>
        %dma_start3A_257 = arith.constant 0 : i32
        %dma_start3A_258 = arith.constant 0 : i32
        %dma_start3A_259 = tpu.memref_slice %arg19[%dma_start3A_257, %dma_start3A_258] : memref<10240x64xf32, #tpu.memory_space<vmem_shared>> -> memref<10240x64xf32, #tpu.memory_space<vmem_shared>>
        tpu.enqueue_indirect_dma source(%arg12 : memref<80x64xf32, #tpu.memory_space<vmem>>) target(%dma_start3A_259 : memref<10240x64xf32, #tpu.memory_space<vmem_shared>>) offsets(%dma_start3A_256 : memref<80xi32, #tpu.memory_space<vmem>>) semaphore(%run_scoped3A_253 : memref<!tpu.dma_semaphore, #tpu.memory_space<semaphore_mem>>) {add = true}
        %dma_wait3A_260 = arith.constant 0 : i32
        %dma_wait3A_261 = tpu.memref_slice %arg7[%add3A_204, %dma_wait3A_260] : memref<250x80xi32, #tpu.memory_space<vmem>> -> memref<1x80xi32, #tpu.memory_space<vmem>>
        %dma_wait3A_262 = tpu.memref_squeeze %dma_wait3A_261 : memref<1x80xi32, #tpu.memory_space<vmem>> -> memref<80xi32, #tpu.memory_space<vmem>>
        %dma_wait3A_263 = arith.constant 0 : i32
        %dma_wait3A_264 = arith.constant 0 : i32
        %dma_wait3A_265 = tpu.memref_slice %arg19[%dma_wait3A_263, %dma_wait3A_264] : memref<10240x64xf32, #tpu.memory_space<vmem_shared>> -> memref<10240x64xf32, #tpu.memory_space<vmem_shared>>
        tpu.wait_indirect_dma semaphore(%run_scoped3A_253 : memref<!tpu.dma_semaphore, #tpu.memory_space<semaphore_mem>>) src(%arg12 : memref<80x64xf32, #tpu.memory_space<vmem>>) dst(%dma_wait3A_265 : memref<10240x64xf32, #tpu.memory_space<vmem_shared>>)
        tpu.yield
      }) : () -> ()
      %add3A_215 = arith.constant 5 : i32
      %add3A_216 = arith.addi %add3A_204, %add3A_215 : i32
      %dma_start3A_217 = arith.constant 0 : i32
      %dma_start3A_218 = tpu.memref_slice %arg8[%add3A_216, %dma_start3A_217] : memref<250x80xi32, #tpu.memory_space<vmem>> -> memref<1x80xi32, #tpu.memory_space<vmem>>
      %dma_start3A_219 = tpu.memref_squeeze %dma_start3A_218 : memref<1x80xi32, #tpu.memory_space<vmem>> -> memref<80xi32, #tpu.memory_space<vmem>>
      %dma_start3A_220 = arith.constant 0 : i32
      %dma_start3A_221 = arith.constant 0 : i32
      %dma_start3A_222 = tpu.memref_slice %arg2[%arg0, %dma_start3A_220, %dma_start3A_221] : memref<2x10000x64xf32, #tpu.memory_space<hbm>> -> memref<1x10000x64xf32, #tpu.memory_space<hbm>>
      %dma_start3A_223 = tpu.memref_squeeze %dma_start3A_222 : memref<1x10000x64xf32, #tpu.memory_space<hbm>> -> memref<10000x64xf32, #tpu.memory_space<hbm>>
      %dma_start3A_224 = arith.constant 0 : i32
      %dma_start3A_225 = arith.constant 0 : i32
      %dma_start3A_226 = tpu.memref_slice %dma_start3A_223[%dma_start3A_224, %dma_start3A_225] : memref<10000x64xf32, #tpu.memory_space<hbm>> -> memref<10000x64xf32, #tpu.memory_space<hbm>>
      tpu.enqueue_indirect_dma source(%dma_start3A_226 : memref<10000x64xf32, #tpu.memory_space<hbm>>) target(%arg12 : memref<80x64xf32, #tpu.memory_space<vmem>>) offsets(%dma_start3A_219 : memref<80xi32, #tpu.memory_space<vmem>>) semaphore(%arg17 : memref<!tpu.dma_semaphore, #tpu.memory_space<semaphore_mem>>)
      %mul3A_227 = arith.constant 5 : i32
      %mul3A_228 = arith.muli %scan3A_123, %mul3A_227 : i32
      %add3A_229 = arith.constant 4 : i32
      %add3A_230 = arith.addi %mul3A_228, %add3A_229 : i32
      %dma_wait3A_231 = arith.constant 0 : i32
      %dma_wait3A_232 = tpu.memref_slice %arg8[%add3A_230, %dma_wait3A_231] : memref<250x80xi32, #tpu.memory_space<vmem>> -> memref<1x80xi32, #tpu.memory_space<vmem>>
      %dma_wait3A_233 = tpu.memref_squeeze %dma_wait3A_232 : memref<1x80xi32, #tpu.memory_space<vmem>> -> memref<80xi32, #tpu.memory_space<vmem>>
      %dma_wait3A_234 = arith.constant 0 : i32
      %dma_wait3A_235 = arith.constant 0 : i32
      %dma_wait3A_236 = tpu.memref_slice %arg2[%arg0, %dma_wait3A_234, %dma_wait3A_235] : memref<2x10000x64xf32, #tpu.memory_space<hbm>> -> memref<1x10000x64xf32, #tpu.memory_space<hbm>>
      %dma_wait3A_237 = tpu.memref_squeeze %dma_wait3A_236 : memref<1x10000x64xf32, #tpu.memory_space<hbm>> -> memref<10000x64xf32, #tpu.memory_space<hbm>>
      %dma_wait3A_238 = arith.constant 0 : i32
      %dma_wait3A_239 = arith.constant 0 : i32
      %dma_wait3A_240 = tpu.memref_slice %dma_wait3A_237[%dma_wait3A_238, %dma_wait3A_239] : memref<10000x64xf32, #tpu.memory_space<hbm>> -> memref<10000x64xf32, #tpu.memory_space<hbm>>
      tpu.wait_indirect_dma semaphore(%arg18 : memref<!tpu.dma_semaphore, #tpu.memory_space<semaphore_mem>>) src(%dma_wait3A_240 : memref<10000x64xf32, #tpu.memory_space<hbm>>) dst(%arg13 : memref<80x64xf32, #tpu.memory_space<vmem>>)
      "tpu.region"() ({
        %run_scoped3A_253 = tpu.sem_alloc : memref<!tpu.dma_semaphore, #tpu.memory_space<semaphore_mem>>
        %dma_start3A_254 = arith.constant 0 : i32
        %dma_start3A_255 = tpu.memref_slice %arg7[%add3A_230, %dma_start3A_254] : memref<250x80xi32, #tpu.memory_space<vmem>> -> memref<1x80xi32, #tpu.memory_space<vmem>>
        %dma_start3A_256 = tpu.memref_squeeze %dma_start3A_255 : memref<1x80xi32, #tpu.memory_space<vmem>> -> memref<80xi32, #tpu.memory_space<vmem>>
        %dma_start3A_257 = arith.constant 0 : i32
        %dma_start3A_258 = arith.constant 0 : i32
        %dma_start3A_259 = tpu.memref_slice %arg19[%dma_start3A_257, %dma_start3A_258] : memref<10240x64xf32, #tpu.memory_space<vmem_shared>> -> memref<10240x64xf32, #tpu.memory_space<vmem_shared>>
        tpu.enqueue_indirect_dma source(%arg13 : memref<80x64xf32, #tpu.memory_space<vmem>>) target(%dma_start3A_259 : memref<10240x64xf32, #tpu.memory_space<vmem_shared>>) offsets(%dma_start3A_256 : memref<80xi32, #tpu.memory_space<vmem>>) semaphore(%run_scoped3A_253 : memref<!tpu.dma_semaphore, #tpu.memory_space<semaphore_mem>>) {add = true}
        %dma_wait3A_260 = arith.constant 0 : i32
        %dma_wait3A_261 = tpu.memref_slice %arg7[%add3A_230, %dma_wait3A_260] : memref<250x80xi32, #tpu.memory_space<vmem>> -> memref<1x80xi32, #tpu.memory_space<vmem>>
        %dma_wait3A_262 = tpu.memref_squeeze %dma_wait3A_261 : memref<1x80xi32, #tpu.memory_space<vmem>> -> memref<80xi32, #tpu.memory_space<vmem>>
        %dma_wait3A_263 = arith.constant 0 : i32
        %dma_wait3A_264 = arith.constant 0 : i32
        %dma_wait3A_265 = tpu.memref_slice %arg19[%dma_wait3A_263, %dma_wait3A_264] : memref<10240x64xf32, #tpu.memory_space<vmem_shared>> -> memref<10240x64xf32, #tpu.memory_space<vmem_shared>>
        tpu.wait_indirect_dma semaphore(%run_scoped3A_253 : memref<!tpu.dma_semaphore, #tpu.memory_space<semaphore_mem>>) src(%arg13 : memref<80x64xf32, #tpu.memory_space<vmem>>) dst(%dma_wait3A_265 : memref<10240x64xf32, #tpu.memory_space<vmem_shared>>)
        tpu.yield
      }) : () -> ()
      %add3A_241 = arith.constant 5 : i32
      %add3A_242 = arith.addi %add3A_230, %add3A_241 : i32
      %dma_start3A_243 = arith.constant 0 : i32
      %dma_start3A_244 = tpu.memref_slice %arg8[%add3A_242, %dma_start3A_243] : memref<250x80xi32, #tpu.memory_space<vmem>> -> memref<1x80xi32, #tpu.memory_space<vmem>>
      %dma_start3A_245 = tpu.memref_squeeze %dma_start3A_244 : memref<1x80xi32, #tpu.memory_space<vmem>> -> memref<80xi32, #tpu.memory_space<vmem>>
      %dma_start3A_246 = arith.constant 0 : i32
      %dma_start3A_247 = arith.constant 0 : i32
      %dma_start3A_248 = tpu.memref_slice %arg2[%arg0, %dma_start3A_246, %dma_start3A_247] : memref<2x10000x64xf32, #tpu.memory_space<hbm>> -> memref<1x10000x64xf32, #tpu.memory_space<hbm>>
      %dma_start3A_249 = tpu.memref_squeeze %dma_start3A_248 : memref<1x10000x64xf32, #tpu.memory_space<hbm>> -> memref<10000x64xf32, #tpu.memory_space<hbm>>
      %dma_start3A_250 = arith.constant 0 : i32
      %dma_start3A_251 = arith.constant 0 : i32
      %dma_start3A_252 = tpu.memref_slice %dma_start3A_249[%dma_start3A_250, %dma_start3A_251] : memref<10000x64xf32, #tpu.memory_space<hbm>> -> memref<10000x64xf32, #tpu.memory_space<hbm>>
      tpu.enqueue_indirect_dma source(%dma_start3A_252 : memref<10000x64xf32, #tpu.memory_space<hbm>>) target(%arg13 : memref<80x64xf32, #tpu.memory_space<vmem>>) offsets(%dma_start3A_245 : memref<80xi32, #tpu.memory_space<vmem>>) semaphore(%arg18 : memref<!tpu.dma_semaphore, #tpu.memory_space<semaphore_mem>>)
    }
    %scan3A_59 = arith.constant 49 : i32
    %dma_wait3A = arith.constant 245 : i32
    %dma_wait3A_60 = arith.constant 0 : i32
    %dma_wait3A_61 = tpu.memref_slice %arg8[%dma_wait3A, %dma_wait3A_60] : memref<250x80xi32, #tpu.memory_space<vmem>> -> memref<1x80xi32, #tpu.memory_space<vmem>>
    %dma_wait3A_62 = tpu.memref_squeeze %dma_wait3A_61 : memref<1x80xi32, #tpu.memory_space<vmem>> -> memref<80xi32, #tpu.memory_space<vmem>>
    %dma_wait3A_63 = arith.constant 0 : i32
    %dma_wait3A_64 = arith.constant 0 : i32
    %dma_wait3A_65 = tpu.memref_slice %arg2[%arg0, %dma_wait3A_63, %dma_wait3A_64] : memref<2x10000x64xf32, #tpu.memory_space<hbm>> -> memref<1x10000x64xf32, #tpu.memory_space<hbm>>
    %dma_wait3A_66 = tpu.memref_squeeze %dma_wait3A_65 : memref<1x10000x64xf32, #tpu.memory_space<hbm>> -> memref<10000x64xf32, #tpu.memory_space<hbm>>
    %dma_wait3A_67 = arith.constant 0 : i32
    %dma_wait3A_68 = arith.constant 0 : i32
    %dma_wait3A_69 = tpu.memref_slice %dma_wait3A_66[%dma_wait3A_67, %dma_wait3A_68] : memref<10000x64xf32, #tpu.memory_space<hbm>> -> memref<10000x64xf32, #tpu.memory_space<hbm>>
    tpu.wait_indirect_dma semaphore(%arg14 : memref<!tpu.dma_semaphore, #tpu.memory_space<semaphore_mem>>) src(%dma_wait3A_69 : memref<10000x64xf32, #tpu.memory_space<hbm>>) dst(%arg9 : memref<80x64xf32, #tpu.memory_space<vmem>>)
    %run_scoped3A = arith.constant 245 : i32
    "tpu.region"() ({
      %run_scoped3A_123 = tpu.sem_alloc : memref<!tpu.dma_semaphore, #tpu.memory_space<semaphore_mem>>
      %dma_start3A_124 = arith.constant 0 : i32
      %dma_start3A_125 = tpu.memref_slice %arg7[%run_scoped3A, %dma_start3A_124] : memref<250x80xi32, #tpu.memory_space<vmem>> -> memref<1x80xi32, #tpu.memory_space<vmem>>
      %dma_start3A_126 = tpu.memref_squeeze %dma_start3A_125 : memref<1x80xi32, #tpu.memory_space<vmem>> -> memref<80xi32, #tpu.memory_space<vmem>>
      %dma_start3A_127 = arith.constant 0 : i32
      %dma_start3A_128 = arith.constant 0 : i32
      %dma_start3A_129 = tpu.memref_slice %arg19[%dma_start3A_127, %dma_start3A_128] : memref<10240x64xf32, #tpu.memory_space<vmem_shared>> -> memref<10240x64xf32, #tpu.memory_space<vmem_shared>>
      tpu.enqueue_indirect_dma source(%arg9 : memref<80x64xf32, #tpu.memory_space<vmem>>) target(%dma_start3A_129 : memref<10240x64xf32, #tpu.memory_space<vmem_shared>>) offsets(%dma_start3A_126 : memref<80xi32, #tpu.memory_space<vmem>>) semaphore(%run_scoped3A_123 : memref<!tpu.dma_semaphore, #tpu.memory_space<semaphore_mem>>) {add = true}
      %dma_wait3A_130 = arith.constant 0 : i32
      %dma_wait3A_131 = tpu.memref_slice %arg7[%run_scoped3A, %dma_wait3A_130] : memref<250x80xi32, #tpu.memory_space<vmem>> -> memref<1x80xi32, #tpu.memory_space<vmem>>
      %dma_wait3A_132 = tpu.memref_squeeze %dma_wait3A_131 : memref<1x80xi32, #tpu.memory_space<vmem>> -> memref<80xi32, #tpu.memory_space<vmem>>
      %dma_wait3A_133 = arith.constant 0 : i32
      %dma_wait3A_134 = arith.constant 0 : i32
      %dma_wait3A_135 = tpu.memref_slice %arg19[%dma_wait3A_133, %dma_wait3A_134] : memref<10240x64xf32, #tpu.memory_space<vmem_shared>> -> memref<10240x64xf32, #tpu.memory_space<vmem_shared>>
      tpu.wait_indirect_dma semaphore(%run_scoped3A_123 : memref<!tpu.dma_semaphore, #tpu.memory_space<semaphore_mem>>) src(%arg9 : memref<80x64xf32, #tpu.memory_space<vmem>>) dst(%dma_wait3A_135 : memref<10240x64xf32, #tpu.memory_space<vmem_shared>>)
      tpu.yield
    }) : () -> ()
    %dma_wait3A_70 = arith.constant 246 : i32
    %dma_wait3A_71 = arith.constant 0 : i32
    %dma_wait3A_72 = tpu.memref_slice %arg8[%dma_wait3A_70, %dma_wait3A_71] : memref<250x80xi32, #tpu.memory_space<vmem>> -> memref<1x80xi32, #tpu.memory_space<vmem>>
    %dma_wait3A_73 = tpu.memref_squeeze %dma_wait3A_72 : memref<1x80xi32, #tpu.memory_space<vmem>> -> memref<80xi32, #tpu.memory_space<vmem>>
    %dma_wait3A_74 = arith.constant 0 : i32
    %dma_wait3A_75 = arith.constant 0 : i32
    %dma_wait3A_76 = tpu.memref_slice %arg2[%arg0, %dma_wait3A_74, %dma_wait3A_75] : memref<2x10000x64xf32, #tpu.memory_space<hbm>> -> memref<1x10000x64xf32, #tpu.memory_space<hbm>>
    %dma_wait3A_77 = tpu.memref_squeeze %dma_wait3A_76 : memref<1x10000x64xf32, #tpu.memory_space<hbm>> -> memref<10000x64xf32, #tpu.memory_space<hbm>>
    %dma_wait3A_78 = arith.constant 0 : i32
    %dma_wait3A_79 = arith.constant 0 : i32
    %dma_wait3A_80 = tpu.memref_slice %dma_wait3A_77[%dma_wait3A_78, %dma_wait3A_79] : memref<10000x64xf32, #tpu.memory_space<hbm>> -> memref<10000x64xf32, #tpu.memory_space<hbm>>
    tpu.wait_indirect_dma semaphore(%arg15 : memref<!tpu.dma_semaphore, #tpu.memory_space<semaphore_mem>>) src(%dma_wait3A_80 : memref<10000x64xf32, #tpu.memory_space<hbm>>) dst(%arg10 : memref<80x64xf32, #tpu.memory_space<vmem>>)
    %run_scoped3A_81 = arith.constant 246 : i32
    "tpu.region"() ({
      %run_scoped3A_123 = tpu.sem_alloc : memref<!tpu.dma_semaphore, #tpu.memory_space<semaphore_mem>>
      %dma_start3A_124 = arith.constant 0 : i32
      %dma_start3A_125 = tpu.memref_slice %arg7[%run_scoped3A_81, %dma_start3A_124] : memref<250x80xi32, #tpu.memory_space<vmem>> -> memref<1x80xi32, #tpu.memory_space<vmem>>
      %dma_start3A_126 = tpu.memref_squeeze %dma_start3A_125 : memref<1x80xi32, #tpu.memory_space<vmem>> -> memref<80xi32, #tpu.memory_space<vmem>>
      %dma_start3A_127 = arith.constant 0 : i32
      %dma_start3A_128 = arith.constant 0 : i32
      %dma_start3A_129 = tpu.memref_slice %arg19[%dma_start3A_127, %dma_start3A_128] : memref<10240x64xf32, #tpu.memory_space<vmem_shared>> -> memref<10240x64xf32, #tpu.memory_space<vmem_shared>>
      tpu.enqueue_indirect_dma source(%arg10 : memref<80x64xf32, #tpu.memory_space<vmem>>) target(%dma_start3A_129 : memref<10240x64xf32, #tpu.memory_space<vmem_shared>>) offsets(%dma_start3A_126 : memref<80xi32, #tpu.memory_space<vmem>>) semaphore(%run_scoped3A_123 : memref<!tpu.dma_semaphore, #tpu.memory_space<semaphore_mem>>) {add = true}
      %dma_wait3A_130 = arith.constant 0 : i32
      %dma_wait3A_131 = tpu.memref_slice %arg7[%run_scoped3A_81, %dma_wait3A_130] : memref<250x80xi32, #tpu.memory_space<vmem>> -> memref<1x80xi32, #tpu.memory_space<vmem>>
      %dma_wait3A_132 = tpu.memref_squeeze %dma_wait3A_131 : memref<1x80xi32, #tpu.memory_space<vmem>> -> memref<80xi32, #tpu.memory_space<vmem>>
      %dma_wait3A_133 = arith.constant 0 : i32
      %dma_wait3A_134 = arith.constant 0 : i32
      %dma_wait3A_135 = tpu.memref_slice %arg19[%dma_wait3A_133, %dma_wait3A_134] : memref<10240x64xf32, #tpu.memory_space<vmem_shared>> -> memref<10240x64xf32, #tpu.memory_space<vmem_shared>>
      tpu.wait_indirect_dma semaphore(%run_scoped3A_123 : memref<!tpu.dma_semaphore, #tpu.memory_space<semaphore_mem>>) src(%arg10 : memref<80x64xf32, #tpu.memory_space<vmem>>) dst(%dma_wait3A_135 : memref<10240x64xf32, #tpu.memory_space<vmem_shared>>)
      tpu.yield
    }) : () -> ()
    %dma_wait3A_82 = arith.constant 247 : i32
    %dma_wait3A_83 = arith.constant 0 : i32
    %dma_wait3A_84 = tpu.memref_slice %arg8[%dma_wait3A_82, %dma_wait3A_83] : memref<250x80xi32, #tpu.memory_space<vmem>> -> memref<1x80xi32, #tpu.memory_space<vmem>>
    %dma_wait3A_85 = tpu.memref_squeeze %dma_wait3A_84 : memref<1x80xi32, #tpu.memory_space<vmem>> -> memref<80xi32, #tpu.memory_space<vmem>>
    %dma_wait3A_86 = arith.constant 0 : i32
    %dma_wait3A_87 = arith.constant 0 : i32
    %dma_wait3A_88 = tpu.memref_slice %arg2[%arg0, %dma_wait3A_86, %dma_wait3A_87] : memref<2x10000x64xf32, #tpu.memory_space<hbm>> -> memref<1x10000x64xf32, #tpu.memory_space<hbm>>
    %dma_wait3A_89 = tpu.memref_squeeze %dma_wait3A_88 : memref<1x10000x64xf32, #tpu.memory_space<hbm>> -> memref<10000x64xf32, #tpu.memory_space<hbm>>
    %dma_wait3A_90 = arith.constant 0 : i32
    %dma_wait3A_91 = arith.constant 0 : i32
    %dma_wait3A_92 = tpu.memref_slice %dma_wait3A_89[%dma_wait3A_90, %dma_wait3A_91] : memref<10000x64xf32, #tpu.memory_space<hbm>> -> memref<10000x64xf32, #tpu.memory_space<hbm>>
    tpu.wait_indirect_dma semaphore(%arg16 : memref<!tpu.dma_semaphore, #tpu.memory_space<semaphore_mem>>) src(%dma_wait3A_92 : memref<10000x64xf32, #tpu.memory_space<hbm>>) dst(%arg11 : memref<80x64xf32, #tpu.memory_space<vmem>>)
    %run_scoped3A_93 = arith.constant 247 : i32
    "tpu.region"() ({
      %run_scoped3A_123 = tpu.sem_alloc : memref<!tpu.dma_semaphore, #tpu.memory_space<semaphore_mem>>
      %dma_start3A_124 = arith.constant 0 : i32
      %dma_start3A_125 = tpu.memref_slice %arg7[%run_scoped3A_93, %dma_start3A_124] : memref<250x80xi32, #tpu.memory_space<vmem>> -> memref<1x80xi32, #tpu.memory_space<vmem>>
      %dma_start3A_126 = tpu.memref_squeeze %dma_start3A_125 : memref<1x80xi32, #tpu.memory_space<vmem>> -> memref<80xi32, #tpu.memory_space<vmem>>
      %dma_start3A_127 = arith.constant 0 : i32
      %dma_start3A_128 = arith.constant 0 : i32
      %dma_start3A_129 = tpu.memref_slice %arg19[%dma_start3A_127, %dma_start3A_128] : memref<10240x64xf32, #tpu.memory_space<vmem_shared>> -> memref<10240x64xf32, #tpu.memory_space<vmem_shared>>
      tpu.enqueue_indirect_dma source(%arg11 : memref<80x64xf32, #tpu.memory_space<vmem>>) target(%dma_start3A_129 : memref<10240x64xf32, #tpu.memory_space<vmem_shared>>) offsets(%dma_start3A_126 : memref<80xi32, #tpu.memory_space<vmem>>) semaphore(%run_scoped3A_123 : memref<!tpu.dma_semaphore, #tpu.memory_space<semaphore_mem>>) {add = true}
      %dma_wait3A_130 = arith.constant 0 : i32
      %dma_wait3A_131 = tpu.memref_slice %arg7[%run_scoped3A_93, %dma_wait3A_130] : memref<250x80xi32, #tpu.memory_space<vmem>> -> memref<1x80xi32, #tpu.memory_space<vmem>>
      %dma_wait3A_132 = tpu.memref_squeeze %dma_wait3A_131 : memref<1x80xi32, #tpu.memory_space<vmem>> -> memref<80xi32, #tpu.memory_space<vmem>>
      %dma_wait3A_133 = arith.constant 0 : i32
      %dma_wait3A_134 = arith.constant 0 : i32
      %dma_wait3A_135 = tpu.memref_slice %arg19[%dma_wait3A_133, %dma_wait3A_134] : memref<10240x64xf32, #tpu.memory_space<vmem_shared>> -> memref<10240x64xf32, #tpu.memory_space<vmem_shared>>
      tpu.wait_indirect_dma semaphore(%run_scoped3A_123 : memref<!tpu.dma_semaphore, #tpu.memory_space<semaphore_mem>>) src(%arg11 : memref<80x64xf32, #tpu.memory_space<vmem>>) dst(%dma_wait3A_135 : memref<10240x64xf32, #tpu.memory_space<vmem_shared>>)
      tpu.yield
    }) : () -> ()
    %dma_wait3A_94 = arith.constant 248 : i32
    %dma_wait3A_95 = arith.constant 0 : i32
    %dma_wait3A_96 = tpu.memref_slice %arg8[%dma_wait3A_94, %dma_wait3A_95] : memref<250x80xi32, #tpu.memory_space<vmem>> -> memref<1x80xi32, #tpu.memory_space<vmem>>
    %dma_wait3A_97 = tpu.memref_squeeze %dma_wait3A_96 : memref<1x80xi32, #tpu.memory_space<vmem>> -> memref<80xi32, #tpu.memory_space<vmem>>
    %dma_wait3A_98 = arith.constant 0 : i32
    %dma_wait3A_99 = arith.constant 0 : i32
    %dma_wait3A_100 = tpu.memref_slice %arg2[%arg0, %dma_wait3A_98, %dma_wait3A_99] : memref<2x10000x64xf32, #tpu.memory_space<hbm>> -> memref<1x10000x64xf32, #tpu.memory_space<hbm>>
    %dma_wait3A_101 = tpu.memref_squeeze %dma_wait3A_100 : memref<1x10000x64xf32, #tpu.memory_space<hbm>> -> memref<10000x64xf32, #tpu.memory_space<hbm>>
    %dma_wait3A_102 = arith.constant 0 : i32
    %dma_wait3A_103 = arith.constant 0 : i32
    %dma_wait3A_104 = tpu.memref_slice %dma_wait3A_101[%dma_wait3A_102, %dma_wait3A_103] : memref<10000x64xf32, #tpu.memory_space<hbm>> -> memref<10000x64xf32, #tpu.memory_space<hbm>>
    tpu.wait_indirect_dma semaphore(%arg17 : memref<!tpu.dma_semaphore, #tpu.memory_space<semaphore_mem>>) src(%dma_wait3A_104 : memref<10000x64xf32, #tpu.memory_space<hbm>>) dst(%arg12 : memref<80x64xf32, #tpu.memory_space<vmem>>)
    %run_scoped3A_105 = arith.constant 248 : i32
    "tpu.region"() ({
      %run_scoped3A_123 = tpu.sem_alloc : memref<!tpu.dma_semaphore, #tpu.memory_space<semaphore_mem>>
      %dma_start3A_124 = arith.constant 0 : i32
      %dma_start3A_125 = tpu.memref_slice %arg7[%run_scoped3A_105, %dma_start3A_124] : memref<250x80xi32, #tpu.memory_space<vmem>> -> memref<1x80xi32, #tpu.memory_space<vmem>>
      %dma_start3A_126 = tpu.memref_squeeze %dma_start3A_125 : memref<1x80xi32, #tpu.memory_space<vmem>> -> memref<80xi32, #tpu.memory_space<vmem>>
      %dma_start3A_127 = arith.constant 0 : i32
      %dma_start3A_128 = arith.constant 0 : i32
      %dma_start3A_129 = tpu.memref_slice %arg19[%dma_start3A_127, %dma_start3A_128] : memref<10240x64xf32, #tpu.memory_space<vmem_shared>> -> memref<10240x64xf32, #tpu.memory_space<vmem_shared>>
      tpu.enqueue_indirect_dma source(%arg12 : memref<80x64xf32, #tpu.memory_space<vmem>>) target(%dma_start3A_129 : memref<10240x64xf32, #tpu.memory_space<vmem_shared>>) offsets(%dma_start3A_126 : memref<80xi32, #tpu.memory_space<vmem>>) semaphore(%run_scoped3A_123 : memref<!tpu.dma_semaphore, #tpu.memory_space<semaphore_mem>>) {add = true}
      %dma_wait3A_130 = arith.constant 0 : i32
      %dma_wait3A_131 = tpu.memref_slice %arg7[%run_scoped3A_105, %dma_wait3A_130] : memref<250x80xi32, #tpu.memory_space<vmem>> -> memref<1x80xi32, #tpu.memory_space<vmem>>
      %dma_wait3A_132 = tpu.memref_squeeze %dma_wait3A_131 : memref<1x80xi32, #tpu.memory_space<vmem>> -> memref<80xi32, #tpu.memory_space<vmem>>
      %dma_wait3A_133 = arith.constant 0 : i32
      %dma_wait3A_134 = arith.constant 0 : i32
      %dma_wait3A_135 = tpu.memref_slice %arg19[%dma_wait3A_133, %dma_wait3A_134] : memref<10240x64xf32, #tpu.memory_space<vmem_shared>> -> memref<10240x64xf32, #tpu.memory_space<vmem_shared>>
      tpu.wait_indirect_dma semaphore(%run_scoped3A_123 : memref<!tpu.dma_semaphore, #tpu.memory_space<semaphore_mem>>) src(%arg12 : memref<80x64xf32, #tpu.memory_space<vmem>>) dst(%dma_wait3A_135 : memref<10240x64xf32, #tpu.memory_space<vmem_shared>>)
      tpu.yield
    }) : () -> ()
    %dma_wait3A_106 = arith.constant 249 : i32
    %dma_wait3A_107 = arith.constant 0 : i32
    %dma_wait3A_108 = tpu.memref_slice %arg8[%dma_wait3A_106, %dma_wait3A_107] : memref<250x80xi32, #tpu.memory_space<vmem>> -> memref<1x80xi32, #tpu.memory_space<vmem>>
    %dma_wait3A_109 = tpu.memref_squeeze %dma_wait3A_108 : memref<1x80xi32, #tpu.memory_space<vmem>> -> memref<80xi32, #tpu.memory_space<vmem>>
    %dma_wait3A_110 = arith.constant 0 : i32
    %dma_wait3A_111 = arith.constant 0 : i32
    %dma_wait3A_112 = tpu.memref_slice %arg2[%arg0, %dma_wait3A_110, %dma_wait3A_111] : memref<2x10000x64xf32, #tpu.memory_space<hbm>> -> memref<1x10000x64xf32, #tpu.memory_space<hbm>>
    %dma_wait3A_113 = tpu.memref_squeeze %dma_wait3A_112 : memref<1x10000x64xf32, #tpu.memory_space<hbm>> -> memref<10000x64xf32, #tpu.memory_space<hbm>>
    %dma_wait3A_114 = arith.constant 0 : i32
    %dma_wait3A_115 = arith.constant 0 : i32
    %dma_wait3A_116 = tpu.memref_slice %dma_wait3A_113[%dma_wait3A_114, %dma_wait3A_115] : memref<10000x64xf32, #tpu.memory_space<hbm>> -> memref<10000x64xf32, #tpu.memory_space<hbm>>
    tpu.wait_indirect_dma semaphore(%arg18 : memref<!tpu.dma_semaphore, #tpu.memory_space<semaphore_mem>>) src(%dma_wait3A_116 : memref<10000x64xf32, #tpu.memory_space<hbm>>) dst(%arg13 : memref<80x64xf32, #tpu.memory_space<vmem>>)
    %run_scoped3A_117 = arith.constant 249 : i32
    "tpu.region"() ({
      %run_scoped3A_123 = tpu.sem_alloc : memref<!tpu.dma_semaphore, #tpu.memory_space<semaphore_mem>>
      %dma_start3A_124 = arith.constant 0 : i32
      %dma_start3A_125 = tpu.memref_slice %arg7[%run_scoped3A_117, %dma_start3A_124] : memref<250x80xi32, #tpu.memory_space<vmem>> -> memref<1x80xi32, #tpu.memory_space<vmem>>
      %dma_start3A_126 = tpu.memref_squeeze %dma_start3A_125 : memref<1x80xi32, #tpu.memory_space<vmem>> -> memref<80xi32, #tpu.memory_space<vmem>>
      %dma_start3A_127 = arith.constant 0 : i32
      %dma_start3A_128 = arith.constant 0 : i32
      %dma_start3A_129 = tpu.memref_slice %arg19[%dma_start3A_127, %dma_start3A_128] : memref<10240x64xf32, #tpu.memory_space<vmem_shared>> -> memref<10240x64xf32, #tpu.memory_space<vmem_shared>>
      tpu.enqueue_indirect_dma source(%arg13 : memref<80x64xf32, #tpu.memory_space<vmem>>) target(%dma_start3A_129 : memref<10240x64xf32, #tpu.memory_space<vmem_shared>>) offsets(%dma_start3A_126 : memref<80xi32, #tpu.memory_space<vmem>>) semaphore(%run_scoped3A_123 : memref<!tpu.dma_semaphore, #tpu.memory_space<semaphore_mem>>) {add = true}
      %dma_wait3A_130 = arith.constant 0 : i32
      %dma_wait3A_131 = tpu.memref_slice %arg7[%run_scoped3A_117, %dma_wait3A_130] : memref<250x80xi32, #tpu.memory_space<vmem>> -> memref<1x80xi32, #tpu.memory_space<vmem>>
      %dma_wait3A_132 = tpu.memref_squeeze %dma_wait3A_131 : memref<1x80xi32, #tpu.memory_space<vmem>> -> memref<80xi32, #tpu.memory_space<vmem>>
      %dma_wait3A_133 = arith.constant 0 : i32
      %dma_wait3A_134 = arith.constant 0 : i32
      %dma_wait3A_135 = tpu.memref_slice %arg19[%dma_wait3A_133, %dma_wait3A_134] : memref<10240x64xf32, #tpu.memory_space<vmem_shared>> -> memref<10240x64xf32, #tpu.memory_space<vmem_shared>>
      tpu.wait_indirect_dma semaphore(%run_scoped3A_123 : memref<!tpu.dma_semaphore, #tpu.memory_space<semaphore_mem>>) src(%arg13 : memref<80x64xf32, #tpu.memory_space<vmem>>) dst(%dma_wait3A_135 : memref<10240x64xf32, #tpu.memory_space<vmem_shared>>)
      tpu.yield
    }) : () -> ()
    %barrier3A_118 = arith.constant 0 : index
    tpu.barrier barrier_id(%barrier3A_118)
    %mul3A_119 = arith.constant 640 : i32
    %mul3A_120 = arith.muli %arg1, %mul3A_119 : i32
    %mul3A_121 = arith.constant 640 : i32
    %mul3A_122 = arith.muli %arg1, %mul3A_121 : i32
    "tpu.region"() ({
      %run_scoped3A_123 = tpu.sem_alloc : memref<!tpu.dma_semaphore, #tpu.memory_space<semaphore_mem>>
      %dma_start3A_124 = arith.constant 0 : i32
      %dma_start3A_125 = tpu.memref_slice %arg6[%arg0, %mul3A_122, %dma_start3A_124] : memref<2x10240x64xf32, #tpu.memory_space<hbm>> -> memref<1x640x64xf32, #tpu.memory_space<hbm>>
      %dma_start3A_126 = tpu.memref_squeeze %dma_start3A_125 : memref<1x640x64xf32, #tpu.memory_space<hbm>> -> memref<640x64xf32, #tpu.memory_space<hbm>>
      %dma_start3A_127 = arith.constant 0 : i32
      %dma_start3A_128 = tpu.memref_slice %arg19[%mul3A_120, %dma_start3A_127] : memref<10240x64xf32, #tpu.memory_space<vmem_shared>> -> memref<640x64xf32, #tpu.memory_space<vmem_shared>>
      tpu.enqueue_dma source(%dma_start3A_128 : memref<640x64xf32, #tpu.memory_space<vmem_shared>>) target(%dma_start3A_126 : memref<640x64xf32, #tpu.memory_space<hbm>>) target_semaphore(%run_scoped3A_123 : memref<!tpu.dma_semaphore, #tpu.memory_space<semaphore_mem>>)
      %dma_wait3A_129 = arith.constant 0 : i32
      %dma_wait3A_130 = tpu.memref_slice %arg6[%arg0, %mul3A_122, %dma_wait3A_129] : memref<2x10240x64xf32, #tpu.memory_space<hbm>> -> memref<1x640x64xf32, #tpu.memory_space<hbm>>
      %dma_wait3A_131 = tpu.memref_squeeze %dma_wait3A_130 : memref<1x640x64xf32, #tpu.memory_space<hbm>> -> memref<640x64xf32, #tpu.memory_space<hbm>>
      %dma_wait3A_132 = arith.constant 0 : i32
      %dma_wait3A_133 = tpu.memref_slice %arg19[%mul3A_120, %dma_wait3A_132] : memref<10240x64xf32, #tpu.memory_space<vmem_shared>> -> memref<640x64xf32, #tpu.memory_space<vmem_shared>>
      tpu.wait_dma2 semaphore(%run_scoped3A_123 : memref<!tpu.dma_semaphore, #tpu.memory_space<semaphore_mem>>) src(%dma_wait3A_133 : memref<640x64xf32, #tpu.memory_space<vmem_shared>>) dst(%dma_wait3A_131 : memref<640x64xf32, #tpu.memory_space<hbm>>)
      tpu.yield
    }) : () -> ()
    return
  }
}

module attributes {stable_mosaic.version = 14 : i64} {
  func.func @_mm0_body(%arg0: i32, %arg1: memref<2000x128xf32, #tpu.memory_space<vmem>>, %arg2: memref<128x256xf32, #tpu.memory_space<vmem>>, %arg3: memref<2000x128xf32, #tpu.memory_space<vmem>>, %arg4: memref<2x2000x64xf32, #tpu.memory_space<vmem>>) attributes {dimension_semantics = [#tpu.dimension_semantics<arbitrary>], iteration_bounds = array<i64: 5>, scalar_prefetch = 0 : i64, scratch_operands = 0 : i64, tpu.core_type = #tpu.core_type<tc>, window_params = [{transform_indices = @transform_0, window_bounds = array<i64: 2000, 128>}, {pipeline_mode = #tpu.pipeline_mode<synchronous>, transform_indices = @transform_1, window_bounds = array<i64: 128, 256>}, {transform_indices = @transform_2, window_bounds = array<i64: 2000, 128>}, {transform_indices = @transform_3, window_bounds = array<i64: 2, 2000, 64>}]} {
    %get3A = arith.constant 0 : index
    %get3A_0 = arith.constant 0 : index
    %get3A_1 = vector.load %arg1[%get3A, %get3A_0] : memref<2000x128xf32, #tpu.memory_space<vmem>>, vector<2000x128xf32>
    %get3A_2 = arith.constant 0 : index
    %get3A_3 = arith.constant 0 : index
    %get3A_4 = vector.load %arg2[%get3A_2, %get3A_3] : memref<128x256xf32, #tpu.memory_space<vmem>>, vector<128x256xf32>
    %dot_general3A = arith.constant dense<0.000000e+00> : vector<2000x256xf32>
    %dot_general3A_5 = tpu.matmul %get3A_1, %get3A_4, %dot_general3A {dimension_numbers = #tpu.dot_dimension_numbers<[1], [0], [0], [1], [0, 0, 1, 1], [], []>, transpose_lhs_hint = false} : vector<2000x128xf32>, vector<128x256xf32>, vector<2000x256xf32> -> vector<2000x256xf32>
    %slice3A = vector.extract_strided_slice %dot_general3A_5 {offsets = [0, 0], sizes = [2000, 128], strides = [1, 1]} : vector<2000x256xf32> to vector<2000x128xf32>
    %swap3A = arith.constant 0 : index
    %swap3A_6 = arith.constant 0 : index
    %swap3A_7 = vector.load %arg3[%swap3A, %swap3A_6] : memref<2000x128xf32, #tpu.memory_space<vmem>>, vector<2000x128xf32>
    tpu.vector_store %arg3[%swap3A, %swap3A_6], %slice3A {strides = array<i32>} : memref<2000x128xf32, #tpu.memory_space<vmem>>, vector<2000x128xf32>,
    %slice3A_8 = vector.extract_strided_slice %dot_general3A_5 {offsets = [0, 128], sizes = [2000, 64], strides = [1, 1]} : vector<2000x256xf32> to vector<2000x64xf32>
    %slice3A_9 = vector.extract_strided_slice %dot_general3A_5 {offsets = [0, 192], sizes = [2000, 64], strides = [1, 1]} : vector<2000x256xf32> to vector<2000x64xf32>
    %stack3A = vector.shape_cast %slice3A_8 : vector<2000x64xf32> to vector<1x2000x64xf32>
    %stack3A_10 = vector.shape_cast %slice3A_9 : vector<2000x64xf32> to vector<1x2000x64xf32>
    %stack3A_11 = tpu.concatenate %stack3A, %stack3A_10 in 0 : vector<1x2000x64xf32>, vector<1x2000x64xf32> -> vector<2x2000x64xf32>
    %swap3A_12 = arith.constant 0 : index
    %swap3A_13 = arith.constant 0 : index
    %swap3A_14 = arith.constant 0 : index
    %swap3A_15 = vector.load %arg4[%swap3A_12, %swap3A_13, %swap3A_14] : memref<2x2000x64xf32, #tpu.memory_space<vmem>>, vector<2x2000x64xf32>
    tpu.vector_store %arg4[%swap3A_12, %swap3A_13, %swap3A_14], %stack3A_11 {strides = array<i32>} : memref<2x2000x64xf32, #tpu.memory_space<vmem>>, vector<2x2000x64xf32>,
    return
  }
  func.func @transform_0(%arg0: i32) -> (i32, i32) {
    %c0_i32 = arith.constant 0 : i32
    %c0_i32_0 = arith.constant 0 : i32
    return %arg0, %c0_i32 : i32, i32
  }
  func.func @transform_1(%arg0: i32) -> (i32, i32) {
    %c0_i32 = arith.constant 0 : i32
    %c0_i32_0 = arith.constant 0 : i32
    %c0_i32_1 = arith.constant 0 : i32
    return %c0_i32, %c0_i32_0 : i32, i32
  }
  func.func @transform_2(%arg0: i32) -> (i32, i32) {
    %c0_i32 = arith.constant 0 : i32
    %c0_i32_0 = arith.constant 0 : i32
    return %arg0, %c0_i32 : i32, i32
  }
  func.func @transform_3(%arg0: i32) -> (i32, i32, i32) {
    %c0_i32 = arith.constant 0 : i32
    %c0_i32_0 = arith.constant 0 : i32
    %c0_i32_1 = arith.constant 0 : i32
    return %c0_i32, %arg0, %c0_i32_0 : i32, i32, i32
  }
}

module attributes {stable_mosaic.version = 14 : i64} {
  func.func @_layer_body(%arg0: i32, %arg1: memref<2000x128xf32, #tpu.memory_space<vmem>>, %arg2: memref<2x2000x64xf32, #tpu.memory_space<vmem>>, %arg3: memref<128x256xf32, #tpu.memory_space<vmem>>, %arg4: memref<2000x128xf32, #tpu.memory_space<vmem>>, %arg5: memref<2x2000x64xf32, #tpu.memory_space<vmem>>) attributes {dimension_semantics = [#tpu.dimension_semantics<arbitrary>], iteration_bounds = array<i64: 5>, scalar_prefetch = 0 : i64, scratch_operands = 0 : i64, tpu.core_type = #tpu.core_type<tc>, window_params = [{transform_indices = @transform_0, window_bounds = array<i64: 2000, 128>}, {transform_indices = @transform_1, window_bounds = array<i64: 2, 2000, 64>}, {pipeline_mode = #tpu.pipeline_mode<synchronous>, transform_indices = @transform_2, window_bounds = array<i64: 128, 256>}, {transform_indices = @transform_3, window_bounds = array<i64: 2000, 128>}, {transform_indices = @transform_4, window_bounds = array<i64: 2, 2000, 64>}]} {
    %get3A = arith.constant 0 : index
    %get3A_0 = arith.constant 0 : index
    %get3A_1 = arith.constant 0 : index
    %get3A_2 = vector.load %arg2[%get3A, %get3A_0, %get3A_1] : memref<2x2000x64xf32, #tpu.memory_space<vmem>>, vector<1x2000x64xf32>
    %get3A_3 = vector.shape_cast %get3A_2 : vector<1x2000x64xf32> to vector<2000x64xf32>
    %get3A_4 = arith.constant 1 : index
    %get3A_5 = arith.constant 0 : index
    %get3A_6 = arith.constant 0 : index
    %get3A_7 = vector.load %arg2[%get3A_4, %get3A_5, %get3A_6] : memref<2x2000x64xf32, #tpu.memory_space<vmem>>, vector<1x2000x64xf32>
    %get3A_8 = vector.shape_cast %get3A_7 : vector<1x2000x64xf32> to vector<2000x64xf32>
    %concatenate3A = tpu.concatenate %get3A_3, %get3A_8 in 1 : vector<2000x64xf32>, vector<2000x64xf32> -> vector<2000x128xf32>
    %get3A_9 = arith.constant 0 : index
    %get3A_10 = arith.constant 0 : index
    %get3A_11 = vector.load %arg1[%get3A_9, %get3A_10] : memref<2000x128xf32, #tpu.memory_space<vmem>>, vector<2000x128xf32>
    %add3A = arith.addf %get3A_11, %concatenate3A : vector<2000x128xf32>
    %max3A = arith.constant 0.000000e+00 : f32
    %max3A_12 = vector.broadcast %max3A : f32 to vector<2000x128xf32>
    %max3A_13 = arith.maximumf %add3A, %max3A_12 : vector<2000x128xf32>
    %get3A_14 = arith.constant 0 : index
    %get3A_15 = arith.constant 0 : index
    %get3A_16 = vector.load %arg3[%get3A_14, %get3A_15] : memref<128x256xf32, #tpu.memory_space<vmem>>, vector<128x256xf32>
    %dot_general3A = arith.constant dense<0.000000e+00> : vector<2000x256xf32>
    %dot_general3A_17 = tpu.matmul %max3A_13, %get3A_16, %dot_general3A {dimension_numbers = #tpu.dot_dimension_numbers<[1], [0], [0], [1], [0, 0, 1, 1], [], []>, transpose_lhs_hint = false} : vector<2000x128xf32>, vector<128x256xf32>, vector<2000x256xf32> -> vector<2000x256xf32>
    %slice3A = vector.extract_strided_slice %dot_general3A_17 {offsets = [0, 0], sizes = [2000, 128], strides = [1, 1]} : vector<2000x256xf32> to vector<2000x128xf32>
    %swap3A = arith.constant 0 : index
    %swap3A_18 = arith.constant 0 : index
    %swap3A_19 = vector.load %arg4[%swap3A, %swap3A_18] : memref<2000x128xf32, #tpu.memory_space<vmem>>, vector<2000x128xf32>
    tpu.vector_store %arg4[%swap3A, %swap3A_18], %slice3A {strides = array<i32>} : memref<2000x128xf32, #tpu.memory_space<vmem>>, vector<2000x128xf32>,
    %slice3A_20 = vector.extract_strided_slice %dot_general3A_17 {offsets = [0, 128], sizes = [2000, 64], strides = [1, 1]} : vector<2000x256xf32> to vector<2000x64xf32>
    %slice3A_21 = vector.extract_strided_slice %dot_general3A_17 {offsets = [0, 192], sizes = [2000, 64], strides = [1, 1]} : vector<2000x256xf32> to vector<2000x64xf32>
    %stack3A = vector.shape_cast %slice3A_20 : vector<2000x64xf32> to vector<1x2000x64xf32>
    %stack3A_22 = vector.shape_cast %slice3A_21 : vector<2000x64xf32> to vector<1x2000x64xf32>
    %stack3A_23 = tpu.concatenate %stack3A, %stack3A_22 in 0 : vector<1x2000x64xf32>, vector<1x2000x64xf32> -> vector<2x2000x64xf32>
    %swap3A_24 = arith.constant 0 : index
    %swap3A_25 = arith.constant 0 : index
    %swap3A_26 = arith.constant 0 : index
    %swap3A_27 = vector.load %arg5[%swap3A_24, %swap3A_25, %swap3A_26] : memref<2x2000x64xf32, #tpu.memory_space<vmem>>, vector<2x2000x64xf32>
    tpu.vector_store %arg5[%swap3A_24, %swap3A_25, %swap3A_26], %stack3A_23 {strides = array<i32>} : memref<2x2000x64xf32, #tpu.memory_space<vmem>>, vector<2x2000x64xf32>,
    return
  }
  func.func @transform_0(%arg0: i32) -> (i32, i32) {
    %c0_i32 = arith.constant 0 : i32
    %c0_i32_0 = arith.constant 0 : i32
    return %arg0, %c0_i32 : i32, i32
  }
  func.func @transform_1(%arg0: i32) -> (i32, i32, i32) {
    %c0_i32 = arith.constant 0 : i32
    %c0_i32_0 = arith.constant 0 : i32
    %c0_i32_1 = arith.constant 0 : i32
    return %c0_i32, %arg0, %c0_i32_0 : i32, i32, i32
  }
  func.func @transform_2(%arg0: i32) -> (i32, i32) {
    %c0_i32 = arith.constant 0 : i32
    %c0_i32_0 = arith.constant 0 : i32
    %c0_i32_1 = arith.constant 0 : i32
    return %c0_i32, %c0_i32_0 : i32, i32
  }
  func.func @transform_3(%arg0: i32) -> (i32, i32) {
    %c0_i32 = arith.constant 0 : i32
    %c0_i32_0 = arith.constant 0 : i32
    return %arg0, %c0_i32 : i32, i32
  }
  func.func @transform_4(%arg0: i32) -> (i32, i32, i32) {
    %c0_i32 = arith.constant 0 : i32
    %c0_i32_0 = arith.constant 0 : i32
    %c0_i32_1 = arith.constant 0 : i32
    return %c0_i32, %arg0, %c0_i32_0 : i32, i32, i32
  }
}

module attributes {stable_mosaic.version = 14 : i64} {
  func.func @_pool_body(%arg0: i32, %arg1: memref<2000x128xf32, #tpu.memory_space<vmem>>, %arg2: memref<2x2000x64xf32, #tpu.memory_space<vmem>>, %arg3: memref<2000x1xi32, #tpu.memory_space<vmem>>, %arg4: memref<128x64xf32, #tpu.memory_space<vmem>>, %arg5: memref<1x64xf32, #tpu.memory_space<vmem>>, %arg6: memref<64x64xf32, #tpu.memory_space<vmem>>, %arg7: memref<64x128xf32, #tpu.memory_space<vmem>>, %arg8: memref<64x128xf32, #tpu.memory_space<vmem>>) attributes {dimension_semantics = [#tpu.dimension_semantics<arbitrary>], iteration_bounds = array<i64: 5>, scalar_prefetch = 0 : i64, scratch_operands = 2 : i64, tpu.core_type = #tpu.core_type<tc>, window_params = [{transform_indices = @transform_0, window_bounds = array<i64: 2000, 128>}, {transform_indices = @transform_1, window_bounds = array<i64: 2, 2000, 64>}, {transform_indices = @transform_2, window_bounds = array<i64: 2000, 1>}, {pipeline_mode = #tpu.pipeline_mode<synchronous>, transform_indices = @transform_3, window_bounds = array<i64: 128, 64>}, {pipeline_mode = #tpu.pipeline_mode<synchronous>, transform_indices = @transform_4, window_bounds = array<i64: 1, 64>}, {pipeline_mode = #tpu.pipeline_mode<synchronous>, transform_indices = @transform_5, window_bounds = array<i64: 64, 64>}]} {
    %eq3A = arith.constant 0 : i32
    %eq3A_0 = arith.cmpi eq, %arg0, %eq3A : i32
    %convert_element_type3A = arith.extui %eq3A_0 : i1 to i32
    %cond3A = arith.constant 0 : i32
    %cond3A_1 = arith.cmpi ne, %convert_element_type3A, %cond3A : i32
    scf.if %cond3A_1 {
      %broadcast_in_dim3A_46 = arith.constant 0.000000e+00 : f32
      %broadcast_in_dim3A_47 = vector.broadcast %broadcast_in_dim3A_46 : f32 to vector<64x128xf32>
      %swap3A_48 = arith.constant 0 : index
      %swap3A_49 = arith.constant 0 : index
      %swap3A_50 = vector.load %arg7[%swap3A_48, %swap3A_49] : memref<64x128xf32, #tpu.memory_space<vmem>>, vector<64x128xf32>
      tpu.vector_store %arg7[%swap3A_48, %swap3A_49], %broadcast_in_dim3A_47 {strides = array<i32>} : memref<64x128xf32, #tpu.memory_space<vmem>>, vector<64x128xf32>,
      %broadcast_in_dim3A_51 = arith.constant 0.000000e+00 : f32
      %broadcast_in_dim3A_52 = vector.broadcast %broadcast_in_dim3A_51 : f32 to vector<64x128xf32>
      %swap3A_53 = arith.constant 0 : index
      %swap3A_54 = arith.constant 0 : index
      %swap3A_55 = vector.load %arg8[%swap3A_53, %swap3A_54] : memref<64x128xf32, #tpu.memory_space<vmem>>, vector<64x128xf32>
      tpu.vector_store %arg8[%swap3A_53, %swap3A_54], %broadcast_in_dim3A_52 {strides = array<i32>} : memref<64x128xf32, #tpu.memory_space<vmem>>, vector<64x128xf32>,
    } else {
    }
    %get3A = arith.constant 0 : index
    %get3A_2 = arith.constant 0 : index
    %get3A_3 = arith.constant 0 : index
    %get3A_4 = vector.load %arg2[%get3A, %get3A_2, %get3A_3] : memref<2x2000x64xf32, #tpu.memory_space<vmem>>, vector<1x2000x64xf32>
    %get3A_5 = vector.shape_cast %get3A_4 : vector<1x2000x64xf32> to vector<2000x64xf32>
    %get3A_6 = arith.constant 1 : index
    %get3A_7 = arith.constant 0 : index
    %get3A_8 = arith.constant 0 : index
    %get3A_9 = vector.load %arg2[%get3A_6, %get3A_7, %get3A_8] : memref<2x2000x64xf32, #tpu.memory_space<vmem>>, vector<1x2000x64xf32>
    %get3A_10 = vector.shape_cast %get3A_9 : vector<1x2000x64xf32> to vector<2000x64xf32>
    %concatenate3A = tpu.concatenate %get3A_5, %get3A_10 in 1 : vector<2000x64xf32>, vector<2000x64xf32> -> vector<2000x128xf32>
    %get3A_11 = arith.constant 0 : index
    %get3A_12 = arith.constant 0 : index
    %get3A_13 = vector.load %arg1[%get3A_11, %get3A_12] : memref<2000x128xf32, #tpu.memory_space<vmem>>, vector<2000x128xf32>
    %add3A = arith.addf %get3A_13, %concatenate3A : vector<2000x128xf32>
    %max3A = arith.constant 0.000000e+00 : f32
    %max3A_14 = vector.broadcast %max3A : f32 to vector<2000x128xf32>
    %max3A_15 = arith.maximumf %add3A, %max3A_14 : vector<2000x128xf32>
    %get3A_16 = arith.constant 0 : index
    %get3A_17 = arith.constant 0 : index
    %get3A_18 = vector.load %arg3[%get3A_16, %get3A_17] : memref<2000x1xi32, #tpu.memory_space<vmem>>, vector<2000x1xi32>
    %iota3A = tpu.iota {dimensions = array<i32: 1>} : vector<1x64xi32>
    %eq3A_19 = vector.broadcast %get3A_18 : vector<2000x1xi32> to vector<2000x64xi32>
    %eq3A_20 = vector.broadcast %iota3A : vector<1x64xi32> to vector<2000x64xi32>
    %eq3A_21 = arith.cmpi eq, %eq3A_19, %eq3A_20 : vector<2000x64xi32>
    %convert_element_type3A_22 = arith.extui %eq3A_21 : vector<2000x64xi1> to vector<2000x64xi32>
    %convert_element_type3A_23 = arith.sitofp %convert_element_type3A_22 : vector<2000x64xi32> to vector<2000x64xf32>
    %get3A_24 = arith.constant 0 : index
    %get3A_25 = arith.constant 0 : index
    %get3A_26 = vector.load %arg7[%get3A_24, %get3A_25] : memref<64x128xf32, #tpu.memory_space<vmem>>, vector<64x128xf32>
    %dot_general3A = arith.constant dense<0.000000e+00> : vector<64x128xf32>
    %dot_general3A_27 = tpu.matmul %convert_element_type3A_23, %max3A_15, %dot_general3A {dimension_numbers = #tpu.dot_dimension_numbers<[0], [0], [1], [1], [0, 1, 1, 1], [], []>, transpose_lhs_hint = false} : vector<2000x64xf32>, vector<2000x128xf32>, vector<64x128xf32> -> vector<64x128xf32>
    %add3A_28 = arith.addf %get3A_26, %dot_general3A_27 : vector<64x128xf32>
    %swap3A = arith.constant 0 : index
    %swap3A_29 = arith.constant 0 : index
    %swap3A_30 = vector.load %arg7[%swap3A, %swap3A_29] : memref<64x128xf32, #tpu.memory_space<vmem>>, vector<64x128xf32>
    tpu.vector_store %arg7[%swap3A, %swap3A_29], %add3A_28 {strides = array<i32>} : memref<64x128xf32, #tpu.memory_space<vmem>>, vector<64x128xf32>,
    %get3A_31 = arith.constant 0 : index
    %get3A_32 = arith.constant 0 : index
    %get3A_33 = vector.load %arg8[%get3A_31, %get3A_32] : memref<64x128xf32, #tpu.memory_space<vmem>>, vector<64x128xf32>
    %broadcast_in_dim3A = arith.constant 1.000000e+00 : f32
    %broadcast_in_dim3A_34 = vector.broadcast %broadcast_in_dim3A : f32 to vector<2000x128xf32>
    %dot_general3A_35 = arith.constant dense<0.000000e+00> : vector<64x128xf32>
    %dot_general3A_36 = tpu.matmul %convert_element_type3A_23, %broadcast_in_dim3A_34, %dot_general3A_35 {dimension_numbers = #tpu.dot_dimension_numbers<[0], [0], [1], [1], [0, 1, 1, 1], [], []>, transpose_lhs_hint = false} : vector<2000x64xf32>, vector<2000x128xf32>, vector<64x128xf32> -> vector<64x128xf32>
    %add3A_37 = arith.addf %get3A_33, %dot_general3A_36 : vector<64x128xf32>
    %swap3A_38 = arith.constant 0 : index
    %swap3A_39 = arith.constant 0 : index
    %swap3A_40 = vector.load %arg8[%swap3A_38, %swap3A_39] : memref<64x128xf32, #tpu.memory_space<vmem>>, vector<64x128xf32>
    tpu.vector_store %arg8[%swap3A_38, %swap3A_39], %add3A_37 {strides = array<i32>} : memref<64x128xf32, #tpu.memory_space<vmem>>, vector<64x128xf32>,
    %eq3A_41 = arith.constant 4 : i32
    %eq3A_42 = arith.cmpi eq, %arg0, %eq3A_41 : i32
    %convert_element_type3A_43 = arith.extui %eq3A_42 : i1 to i32
    %cond3A_44 = arith.constant 0 : i32
    %cond3A_45 = arith.cmpi ne, %convert_element_type3A_43, %cond3A_44 : i32
    scf.if %cond3A_45 {
      %get3A_46 = arith.constant 0 : index
      %get3A_47 = arith.constant 0 : index
      %get3A_48 = vector.load %arg7[%get3A_46, %get3A_47] : memref<64x128xf32, #tpu.memory_space<vmem>>, vector<64x128xf32>
      %get3A_49 = arith.constant 0 : index
      %get3A_50 = arith.constant 0 : index
      %get3A_51 = vector.load %arg8[%get3A_49, %get3A_50] : memref<64x128xf32, #tpu.memory_space<vmem>>, vector<64x128xf32>
      %max3A_52 = arith.constant 1.000000e+00 : f32
      %max3A_53 = vector.broadcast %max3A_52 : f32 to vector<64x128xf32>
      %max3A_54 = arith.maximumf %get3A_51, %max3A_53 : vector<64x128xf32>
      %div3A = arith.divf %get3A_48, %max3A_54 : vector<64x128xf32>
      %get3A_55 = arith.constant 0 : index
      %get3A_56 = arith.constant 0 : index
      %get3A_57 = vector.load %arg4[%get3A_55, %get3A_56] : memref<128x64xf32, #tpu.memory_space<vmem>>, vector<128x64xf32>
      %dot_general3A_58 = arith.constant dense<0.000000e+00> : vector<64x64xf32>
      %dot_general3A_59 = tpu.matmul %div3A, %get3A_57, %dot_general3A_58 {dimension_numbers = #tpu.dot_dimension_numbers<[1], [0], [0], [1], [0, 0, 1, 1], [], []>, transpose_lhs_hint = false} : vector<64x128xf32>, vector<128x64xf32>, vector<64x64xf32> -> vector<64x64xf32>
      %get3A_60 = arith.constant 0 : index
      %get3A_61 = arith.constant 0 : index
      %get3A_62 = vector.load %arg5[%get3A_60, %get3A_61] : memref<1x64xf32, #tpu.memory_space<vmem>>, vector<1x64xf32>
      %add3A_63 = vector.broadcast %get3A_62 : vector<1x64xf32> to vector<64x64xf32>
      %add3A_64 = arith.addf %dot_general3A_59, %add3A_63 : vector<64x64xf32>
      %swap3A_65 = arith.constant 0 : index
      %swap3A_66 = arith.constant 0 : index
      %swap3A_67 = vector.load %arg6[%swap3A_65, %swap3A_66] : memref<64x64xf32, #tpu.memory_space<vmem>>, vector<64x64xf32>
      tpu.vector_store %arg6[%swap3A_65, %swap3A_66], %add3A_64 {strides = array<i32>} : memref<64x64xf32, #tpu.memory_space<vmem>>, vector<64x64xf32>,
    } else {
    }
    return
  }
  func.func @transform_0(%arg0: i32) -> (i32, i32) {
    %c0_i32 = arith.constant 0 : i32
    %c0_i32_0 = arith.constant 0 : i32
    return %arg0, %c0_i32 : i32, i32
  }
  func.func @transform_1(%arg0: i32) -> (i32, i32, i32) {
    %c0_i32 = arith.constant 0 : i32
    %c0_i32_0 = arith.constant 0 : i32
    %c0_i32_1 = arith.constant 0 : i32
    return %c0_i32, %arg0, %c0_i32_0 : i32, i32, i32
  }
  func.func @transform_2(%arg0: i32) -> (i32, i32) {
    %c0_i32 = arith.constant 0 : i32
    %c0_i32_0 = arith.constant 0 : i32
    return %arg0, %c0_i32 : i32, i32
  }
  func.func @transform_3(%arg0: i32) -> (i32, i32) {
    %c0_i32 = arith.constant 0 : i32
    %c0_i32_0 = arith.constant 0 : i32
    %c0_i32_1 = arith.constant 0 : i32
    return %c0_i32, %c0_i32_0 : i32, i32
  }
  func.func @transform_4(%arg0: i32) -> (i32, i32) {
    %c0_i32 = arith.constant 0 : i32
    %c0_i32_0 = arith.constant 0 : i32
    %c0_i32_1 = arith.constant 0 : i32
    return %c0_i32, %c0_i32_0 : i32, i32
  }
  func.func @transform_5(%arg0: i32) -> (i32, i32) {
    %c0_i32 = arith.constant 0 : i32
    %c0_i32_0 = arith.constant 0 : i32
    %c0_i32_1 = arith.constant 0 : i32
    return %c0_i32, %c0_i32_0 : i32, i32
  }
}

</mosaic_0001>

<sc_bundles>
// kernel: kernel.12.cloned.1.call-start
scs
__scs_entry_jumppad:
0x0: {  	(pc) =	sbr.rel $0x88, $3  }
0x1: {  	(tag) =	ssettag $0x0;
	lr =	simm.s32 $0x1  }
0x2: {  	[smem:$0x3F96] =	sst lr;
	_ =	strace $0xD0000000  }
0x3: {  	_ = 	snop  }
0x4: {  	_ = 	snop  }
0x5: {  	_ = 	snop  }
0x6: {  	_ = 	snop  }
0x7: {  	_ = 	snop  }
__scs_overlays_trampoline_lowered:
0x8: {  	[smem:$0x3FA5] =	sst s0  }
0x9: {  	[smem:$0x3FA6] =	sst s1  }
0xa: {  	[smem:$0x3FA7] =	sst s2  }
0xb: {  	[smem:$0x3FA8] =	sst s3  }
0xc: {  	[smem:$0x3FA9] =	sst s4  }
0xd: {  	[smem:$0x3FAA] =	sst s5  }
0xe: {  	[smem:$0x3FAB] =	sst s6  }
0xf: {  	[smem:$0x3FAC] =	sst s7  }
0x10: {  	[smem:$0x3FAD] =	sst s8  }
0x11: {  	[smem:$0x3FAE] =	sst s9;
	s0 =	simm.s32 @!p0 $0x0  }
0x12: {  	s1 =	sld [smem:$0x3F94];
	s0 =	simm.s32 @p0 $0x1  }
0x13: {  	[smem:$0x3FAF] =	sst s0;
	s0 =	simm.s32 @!p1 $0x0  }
0x14: {  	s2 =	sld [smem:$0x3F93];
	s0 =	simm.s32 @p1 $0x1  }
0x15: {  	[smem:$0x3FB0] =	sst s0;
	s0 =	simm.s32 @!p2 $0x0  }
0x16: {  	s3 =	sld [smem:$0x3FDB];
	s0 =	simm.s32 @p2 $0x1  }
0x17: {  	s4 =	simm.s32 $0x1BF5;
	[smem:$0x3FB2] =	sst s0  }
0x18: {  	s0 =	sld [smem:$0x3F95];
	_ =	swait.ge [sflag:s4], $0x0  }
0x19: {  	s7 =	sld [smem:$0x3F96]  }
0x1a: {  	s8 =	sadd.s32 $0xFFFFE003, lr  }
0x1b: {  	s9 =	sadd.s32 $0xFFFFFEF7, lr;
	s5 =	simm.s32 $0xFFFFFFFF;
	p2 =	slt.u32 s8, $0xFFFFF086  }
0x1c: {  	p1 =	slt.u32 s9, $0xF7A;
	s5 =	simm.s32 @!p2 $0x0  }
0x1d: {  	s5 =	simm.s32 @p1 $0x1;
	p0 =	seq.s32 s7, s2  }
0x1e: {  	s7 =	smul.u32 @!p0 $0xF7A, s2;
	p2 =	seq.s32 @!p0 s5, $0x0  }
0x1f: {  	s9 =	smul.u32 $0xF7A, s1;
	s8 =	simm.s32 @!p0 $0x1BF5;
	p2 =	por !p2, p0  }
0x20: {  	[sflag:s8] =	ssyncset.s32 @!p0 $0xFFFFF086;
	s6 =	sadd.s32 @!p0 s3, s7;
	s7 =	simm.s32 @!p0 $0x108  }
0x21: {  	s3 =	sadd.s32 s3, s9;
	s6 =	sadd.s32 @!p0 $0x88, s6;
	s7 =	simm.s32 @p2 $0x1082  }
0x22: {  	[simem:s7], [sflag:s8] =	dma.local @!p0 [hbm:s6], $0xF7A  }
0x23: {  	s9 =	sor.u32 $0xD0000000, s2;
	s6 =	simm.s32 $0x108;
	_ =	swait.ge @!p0 [sflag:s8], $0x0  }
0x24: {  	s3 =	sadd.s32 $0x88, s3;
	s6 =	simm.s32 @!p1 $0x1082;
	[sflag:s4] =	ssyncset.s32 $0xFFFFF086  }
0x25: {  	[simem:s6], [sflag:s4] =	dma.local [hbm:s3], $0xF7A  }
0x26: {  	[smem:$0x3F96] =	sst s1;
	(tag) =	ssettag s2;
	_ =	strace s9  }
0x27: {  	s1 =	sld [smem:$0x3FA6]  }
0x28: {  	s2 =	sld [smem:$0x3FA7]  }
0x29: {  	s4 =	sld [smem:$0x3FA9]  }
0x2a: {  	p0 =	seq.s32 s5, $0x0;
	s5 =	sld [smem:$0x3FAA]  }
0x2b: {  	s6 =	sld [smem:$0x3FAB]  }
0x2c: {  	s7 =	sld [smem:$0x3FAC]  }
0x2d: {  	s3 =	simm.s32 $0x108;
	s8 =	sld [smem:$0x3FAD]  }
0x2e: {  	s3 =	simm.s32 @!p0 $0x1082;
	s9 =	sld [smem:$0x3FAE]  }
0x2f: {  	lr =	sadd.s32 s0, s3;
	s0 =	sld [smem:$0x3FA5]  }
0x30: {  	s3 =	sld [smem:$0x3FA8]  }
0x31: {  	[smem:$0x3FB1] =	sst s10  }
0x32: {  	s10 =	sld [smem:$0x3FAF];
	_ =	sdelay $0x3  }
0x33: {  	p0 =	seq.s32 s10, $0x1;
	s10 =	sld [smem:$0x3FB1];
	_ =	sdelay $0x3  }
0x34: {  	[smem:$0x3FB1] =	sst s10  }
0x35: {  	s10 =	sld [smem:$0x3FB0];
	_ =	sdelay $0x3  }
0x36: {  	p1 =	seq.s32 s10, $0x1;
	s10 =	sld [smem:$0x3FB1];
	_ =	sdelay $0x3  }
0x37: {  	[smem:$0x3FB1] =	sst s10  }
0x38: {  	s10 =	sld [smem:$0x3FB2]  }
0x39: {  	_ = 	snop;
	(pc) =	sbr.ind lr, $3  }
0x3a: {  	_ = 	snop  }
0x3b: {  	_ = 	snop  }
0x3c: {  	p2 =	seq.s32 s10, $0x1;
	s10 =	sld [smem:$0x3FB1]  }
0x3d: {  	_ =	shalt  }
0x3e: {  	_ =	shalt  }
0x3f: {  	_ =	shalt  }
0x40: {  	_ =	shalt  }
0x41: {  	_ =	shalt  }
0x42: {  	_ =	shalt  }
0x43: {  	_ =	shalt  }
0x44: {  	_ =	shalt  }
0x45: {  	_ =	shalt  }
0x46: {  	_ =	shalt  }
0x47: {  	_ =	shalt  }
0x48: {  	_ =	shalt  }
0x49: {  	_ =	shalt  }
0x4a: {  	_ =	shalt  }
0x4b: {  	_ =	shalt  }
0x4c: {  	_ =	shalt  }
0x4d: {  	_ =	shalt  }
0x4e: {  	_ =	shalt  }
0x4f: {  	_ =	shalt  }
0x50: {  	_ =	shalt  }
0x51: {  	_ =	shalt  }
0x52: {  	_ =	shalt  }
0x53: {  	_ =	shalt  }
0x54: {  	_ =	shalt  }
0x55: {  	_ =	shalt  }
0x56: {  	_ =	shalt  }
0x57: {  	_ =	shalt  }
0x58: {  	_ =	shalt  }
0x59: {  	_ =	shalt  }
0x5a: {  	_ =	shalt  }
0x5b: {  	_ =	shalt  }
0x5c: {  	_ =	shalt  }
0x5d: {  	_ =	shalt  }
0x5e: {  	_ =	shalt  }
0x5f: {  	_ =	shalt  }
0x60: {  	_ =	shalt  }
0x61: {  	_ =	shalt  }
0x62: {  	_ =	shalt  }
0x63: {  	_ =	shalt  }
0x64: {  	_ =	shalt  }
0x65: {  	_ =	shalt  }
0x66: {  	_ =	shalt  }
0x67: {  	_ =	shalt  }
0x68: {  	_ =	shalt  }
0x69: {  	_ =	shalt  }
0x6a: {  	_ =	shalt  }
0x6b: {  	_ =	shalt  }
0x6c: {  	_ =	shalt  }
0x6d: {  	_ =	shalt  }
0x6e: {  	_ =	shalt  }
0x6f: {  	_ =	shalt  }
0x70: {  	_ =	shalt  }
0x71: {  	_ =	shalt  }
0x72: {  	_ =	shalt  }
0x73: {  	_ =	shalt  }
0x74: {  	_ =	shalt  }
0x75: {  	_ =	shalt  }
0x76: {  	_ =	shalt  }
0x77: {  	_ =	shalt  }
0x78: {  	_ =	shalt  }
0x79: {  	_ =	shalt  }
0x7a: {  	_ =	shalt  }
0x7b: {  	_ =	shalt  }
0x7c: {  	_ =	shalt  }
0x7d: {  	_ =	shalt  }
0x7e: {  	_ =	shalt  }
0x7f: {  	_ =	shalt  }
0x80: {  	_ =	shalt  }
0x81: {  	_ =	shalt  }
0x82: {  	_ =	shalt  }
0x83: {  	_ =	shalt  }
0x84: {  	_ =	shalt  }
0x85: {  	_ =	shalt  }
0x86: {  	_ =	shalt  }
0x87: {  	_ =	shalt  }
.Lfunc_end0:
.L_simem_size_0:
called_computation.1_lowered:
.L_overlay_start_0:
0x88: {  	s2 =	sld [smem:$0x3FD9]  }
0x89: {  	s3 =	sld [smem:$0x3FFE];
	_ =	sdelay $0x1  }
0x8a: {  	s1 =	srdreg.scid  }
0x8b: {  	s0 =	sand.u32 $0x1, s1  }
0x8c: {  	s16 =	sshll.u32 s0, $0xA;
	s2 =	sadd.s32 s3, s2  }
0x8d: {  	s2 =	sadd.s32 s2, s16  }
0x8e: {  	[smem:$0x3FBD] =	sst s2  }
0x8f: {  	_ = 	snop  }
0x90: {  	(tm) =	ssettm $0x1  }
0x91: {  	s17 =	sld [smem:$0x3FFB];
	_ =	sdelay $0x3  }
0x92: {  	_ =	strace s17  }
0x93: {  	s2 =	sld [smem:$0x3FFC];
	_ =	sdelay $0x3  }
0x94: {  	_ =	strace s2  }
0x95: {  	s2 =	sld [smem:$0x3FFD];
	_ =	sdelay $0x3  }
0x96: {  	_ =	strace s2  }
0x97: {  	_ =	strace $0x8FFFFFFF  }
0x98: {  	s18 =	sld [smem:$0x3FDB];
	_ =	sdelay $0x1  }
0x99: {  	s19 =	simm.s32 $_scs_section_size  }
0x9a: {  	s4 =	simm.s32 $_size__tile_overlayer_lowered;
	s5 =	simm.s32 $_tile_overlayer_lowered  }
0x9b: {  	s22 =	simm.s32 $0x1BFF;
	s21 =	sshll.u32 s5, $0x1;
	s2 =	sadd.s32 s19, s18  }
0x9c: {  	s6 =	simm.s32 $0x0;
	s20 =	sshll.u32 s4, $0x1;
	s4 =	sadd.s32 s21, s2  }
0x9d: {  	[timem:s6], [sflag:s22] =	dma.local [hbm:s4], s20  }
0x9e: {  	_ =	swait.ge [sflag:s22], s20  }
0x9f: {  	s3 =	ssub.s32 $0x0, s20;
	[sflag:s22] =	ssyncset.done $0x0  }
0xa0: {  	[sflag:s22] =	ssyncadd.s32 s3;
	_ =	sdelay $0x1  }
0xa1: {  	s23 =	simm.s32 $0x1B8B  }
0xa2: {  	_ =	swait.ge [sflag:s23], $0x1  }
0xa3: {  	[sflag:s23] =	ssyncset.done $0x0  }
0xa4: {  	s25 =	simm.s32 $0x1B8E;
	s24 =	sld [smem:$0x3FFE];
	[sflag:s23] =	ssyncadd.s32 $0xFFFFFFFF  }
0xa5: {  	s26 =	simm.s32 $execute0_lowered;
	[smem:$0x3FD2] =	sst s25  }
0xa6: {  	s4 =	sshll.u32 s26, $0x1;
	_ =	strace $0x80000049;
	[dreg:$0x1] =	wrdreg $0xFFFFFFFF  }
0xa7: {  	s28 =	simm.s32 $_size_execute0_lowered;
	s2 =	sadd.s32 s2, s4;
	[dreg:$0x0] =	wrdreg $0x0  }
0xa8: {  	s4 =	sshll.u32 s28, $0x1;
	[dreg:$0x2] =	wrdreg s2  }
0xa9: {  	[dreg:$0x3] =	wrdreg s4  }
0xaa: {  	[dreg:$0x4] =	wrdreg $0xC0  }
0xab: {  	_ =	task [dreg:s6], $0x5FFFF  }
0xac: {  	[dreg:$0x1] =	wrdreg $0xFFFFFFFF  }
0xad: {  	[dreg:$0x0] =	wrdreg $0x60  }
0xae: {  	[dreg:$0x2] =	wrdreg s24  }
0xaf: {  	[dreg:$0x3] =	wrdreg $0x100400  }
0xb0: {  	[dreg:$0x4] =	wrdreg $0x9  }
0xb1: {  	_ =	task.clear_ibuf [dreg:s6], $0x5FFFF;
	_ =	strace $0x90000049  }
0xb2: {  	s29 =	simm.s32 $0x9;
	_ =	strace $0x8000004B  }
0xb3: {  	_ =	swait.ge [sflag:s29], $0x1  }
0xb4: {  	[sflag:s29] =	ssyncadd.s32 $0xFFFFFFFF  }
0xb5: {  	_ =	strace $0x9000004B  }
0xb6: {  	_ =	sfence  }
0xb7: {  	s30 =	sld [smem:$0x0];
	_ =	sdelay $0x2  }
0xb8: {  	s31 =	sshll.u32 s1, $0xD;
	s1 =	sshrl.u32 s1, $0x2  }
0xb9: {  	s3 =	sand.u32 $0x4000, s31;
	s1 =	sadd.s32 s1, s30  }
0xba: {  	s0 =	sor.u32 s3, s0;
	s1 =	sshll.u32 s1, $0x11  }
0xbb: {  	s0 =	sor.u32 s1, s0  }
0xbc: {  	s0 =	sadd.s32 $0x8F2B, s0  }
0xbd: {  	[sflag:s0] =	ssyncadd.remote.s32 $0x1  }
0xbe: {  	_ =	sfence.sel $0xFFFF  }
0xbf: {  	[dreg:$0x0] =	wrdreg $0xFFFFFFFF;
	(pc) =	sbr.abs _section_cstart, $3  }
0xc0: {  	[dreg:$0x1] =	wrdreg $0xFFFFFFFF  }
0xc1: {  	_ =	task.clear_ibuf [dreg:s6], $0x2FFFF;
	_ =	strace $0x9FFFFFFF  }
0xc2: {  	(tm) =	ssettm $0x7FFFFFFF  }
0xc3: {  	_ =	shalt  }
tec
execute0_lowered:
.L_overlay_start_1:
0x0: {  	(tag) =	ssettag $0x1  }
0x1: {  	s0 =	srdreg.scid  }
0x2: {  	s1 =	rddreg [dreg:$0x0];
	s16 =	stileid.u32  }
0x3: {  	s2 =	rddreg [dreg:$0x1];
	s3 =	simm.s32 $0x0;
	s10 =	simm.s32 $0x6  }
0x4: {  	s11 =	simm.s32 $0x4E20;
	s12 =	simm.s32 $0x50;
	s13 =	simm.s32 $0x9C40  }
0x5: {  	s15 =	simm.s32 $0xB040;
	s17 =	simm.s32 $0xC440;
	s19 =	simm.s32 $0xD840  }
0x6: {  	s21 =	simm.s32 $0xEC40;
	s24 =	simm.s32 $0x1;
	s28 =	simm.s32 $0x4  }
0x7: {  	s29 =	simm.s32 $0x5;
	s31 =	simm.s32 $0x4CE0;
	s8 =	smul.u32 $0xA000, s16  }
0x8: {  	s0 =	sand.u32 $0x1, s0;
	[smem:$0x7FF] =	sst s3;
	s6 =	smul.u32 $0x9C4, s16  }
0x9: {  	s30 =	sshll.u32 s16, $0x6;
	s16 =	simm.s32 $0x0;
	s4 =	smul.u32 $0x13880, s0  }
0xa: {  	s5 =	smul.u32 $0xA0000, s0;
	_ =	strace $0x8000004A;
	s0 =	ssub.s32 $0x2, s0  }
0xb: {  	s22 =	sor.u32 $0x1C06, s30;
	s6 =	sadd.s32 s6, s1;
	s26 =	sshrl.u32 s0, $0x1  }
0xc: {  	s14 =	sadd.s32 s8, s2;
	s7 =	sadd.s32 s4, s1;
	s25 =	sadd.s32 s8, s5  }
0xd: {  	s4 =	sadd.s32 $0x3CC00, s1;
	s0 =	ssub.s32 s0, s26;
	s23 =	sshrl.u32 s14, $0x3  }
0xe: {  	s26 =	simm.s32 $0x3;
	s14 =	simm.s32 $0x4DD0;
	s5 =	sshrl.u32 s25, $0x3  }
0xf: {  	s7 =	sadd.s32 $0x15A00, s7;
	s9 =	smax.u32 s0, $0x1;
	s25 =	simm.s32 $0x2  }
0x10: {  	s0 =	simm.s32 $0x4D80;
	s1 =	sadd.s32 s5, s1;
	s5 =	sadd.s32 $0xBC00, s6  }
0x11: {  	s6 =	sadd.s32 $0x1E00, s6;
	s8 =	sadd.s32 $0x3E000, s1;
	s1 =	simm.s32 $0x4D30  }
.LBB2_1:
0x12: {  	[tilespmem:s3], [sflag:$0x6] =	stream.linear.gather [hbm4b:s5+s3], $0x4E20, $0x38;
	[tilespmem:$0x1A040] =	vst v63  }
0x13: {  	_ =	swait.ge [sflag:s10], $0x4E20  }
0x14: {  	[sflag:s10] =	ssyncset.done $0x0  }
0x15: {  	[sflag:s10] =	ssyncadd.s32 $0xFFFFB1E0  }
0x16: {  	[tilespmem:s11], [sflag:$0x6] =	stream.linear.gather [hbm4b:s6+s3], $0x4E20, $0x38;
	[tilespmem:$0x1A040] =	vst v63  }
0x17: {  	_ =	swait.ge [sflag:s10], $0x4E20  }
0x18: {  	[sflag:s10] =	ssyncset.done $0x0  }
0x19: {  	[sflag:s10] =	ssyncadd.s32 $0xFFFFB1E0  }
0x1a: {  	[tilespmem:s13], [sflag:$0x1] =	stream.indirect.gather [hbm4b:s7+s12], $0x40, s11, s12, $0xb8;
	[tilespmem:$0x1A040] =	vst v63  }
0x1b: {  	s18 =	simm.s32 $0x4E70  }
0x1c: {  	[tilespmem:s15], [sflag:$0x2] =	stream.indirect.gather [hbm4b:s7+s12], $0x40, s18, s12, $0xb8;
	[tilespmem:$0x1A040] =	vst v63  }
0x1d: {  	s20 =	simm.s32 $0x4EC0  }
0x1e: {  	[tilespmem:s17], [sflag:$0x3] =	stream.indirect.gather [hbm4b:s7+s12], $0x40, s20, s12, $0xb8;
	[tilespmem:$0x1A040] =	vst v63  }
0x1f: {  	s30 =	simm.s32 $0x4F10  }
0x20: {  	[tilespmem:s19], [sflag:$0x4] =	stream.indirect.gather [hbm4b:s7+s12], $0x40, s30, s12, $0xb8;
	[tilespmem:$0x1A040] =	vst v63  }
0x21: {  	s20 =	simm.s32 $0x4F60  }
0x22: {  	[tilespmem:s21], [sflag:$0x5] =	stream.indirect.gather [hbm4b:s7+s12], $0x40, s20, s12, $0xb8;
	[tilespmem:$0x1A040] =	vst v63  }
0x23: {  	[spmem:s23], [sflag:s22] =	dma.local [hbm:s4], $0x1400  }
0x24: {  	_ =	swait.ge [sflag:s10], $0x1400  }
0x25: {  	[sflag:s10] =	ssyncset.done $0x0  }
0x26: {  	[sflag:s10] =	ssyncadd.s32 $0xFFFFEC00  }
0x27: {  	[bflag:$0x0] =	sbarrier.arrive $0xFFFF  }
0x28: {  	_ =	swait.ge [sflag:s24], $0x1400  }
0x29: {  	[sflag:s24] =	ssyncset.done $0x0  }
0x2a: {  	s30 =	simm.s32 $0x0;
	[sflag:s24] =	ssyncadd.s32 $0xFFFFEC00  }
0x2b: {  	[spmem:s2] =	stream.indirect.scatter.add.f32 [tilespmem:s13], [sflag:$0x6], $0x40, s30, s12, $0xb8;
	[tilespmem:$0x1A040] =	vst v63  }
0x2c: {  	_ =	swait.ge [sflag:s10], $0x1400  }
0x2d: {  	[sflag:s10] =	ssyncset.done $0x0  }
0x2e: {  	s20 =	simm.s32 $0x4FB0;
	[sflag:s10] =	ssyncadd.s32 $0xFFFFEC00  }
0x2f: {  	[tilespmem:s13], [sflag:$0x1] =	stream.indirect.gather [hbm4b:s7+s12], $0x40, s20, s12, $0xb8;
	[tilespmem:$0x1A040] =	vst v63  }
0x30: {  	_ =	swait.ge [sflag:s25], $0x1400  }
0x31: {  	[sflag:s25] =	ssyncset.done $0x0  }
0x32: {  	s30 =	simm.s32 $0x50;
	[sflag:s25] =	ssyncadd.s32 $0xFFFFEC00  }
0x33: {  	[spmem:s2] =	stream.indirect.scatter.add.f32 [tilespmem:s15], [sflag:$0x6], $0x40, s30, s12, $0xb8;
	[tilespmem:$0x1A040] =	vst v63  }
0x34: {  	_ =	swait.ge [sflag:s10], $0x1400  }
0x35: {  	[sflag:s10] =	ssyncset.done $0x0  }
0x36: {  	s20 =	simm.s32 $0x5000;
	[sflag:s10] =	ssyncadd.s32 $0xFFFFEC00  }
0x37: {  	[tilespmem:s15], [sflag:$0x2] =	stream.indirect.gather [hbm4b:s7+s12], $0x40, s20, s12, $0xb8;
	[tilespmem:$0x1A040] =	vst v63  }
0x38: {  	_ =	swait.ge [sflag:s26], $0x1400  }
0x39: {  	[sflag:s26] =	ssyncset.done $0x0  }
0x3a: {  	s30 =	simm.s32 $0xA0;
	[sflag:s26] =	ssyncadd.s32 $0xFFFFEC00  }
0x3b: {  	[spmem:s2] =	stream.indirect.scatter.add.f32 [tilespmem:s17], [sflag:$0x6], $0x40, s30, s12, $0xb8;
	[tilespmem:$0x1A040] =	vst v63  }
0x3c: {  	_ =	swait.ge [sflag:s10], $0x1400  }
0x3d: {  	[sflag:s10] =	ssyncset.done $0x0  }
0x3e: {  	s20 =	simm.s32 $0x5050;
	[sflag:s10] =	ssyncadd.s32 $0xFFFFEC00  }
0x3f: {  	[tilespmem:s17], [sflag:$0x3] =	stream.indirect.gather [hbm4b:s7+s12], $0x40, s20, s12, $0xb8;
	[tilespmem:$0x1A040] =	vst v63  }
0x40: {  	_ =	swait.ge [sflag:s28], $0x1400  }
0x41: {  	[sflag:s28] =	ssyncset.done $0x0  }
0x42: {  	s30 =	simm.s32 $0xF0;
	[sflag:s28] =	ssyncadd.s32 $0xFFFFEC00  }
0x43: {  	[spmem:s2] =	stream.indirect.scatter.add.f32 [tilespmem:s19], [sflag:$0x6], $0x40, s30, s12, $0xb8;
	[tilespmem:$0x1A040] =	vst v63  }
0x44: {  	_ =	swait.ge [sflag:s10], $0x1400  }
0x45: {  	[sflag:s10] =	ssyncset.done $0x0  }
0x46: {  	s20 =	simm.s32 $0x50A0;
	[sflag:s10] =	ssyncadd.s32 $0xFFFFEC00  }
0x47: {  	[tilespmem:s19], [sflag:$0x4] =	stream.indirect.gather [hbm4b:s7+s12], $0x40, s20, s12, $0xb8;
	[tilespmem:$0x1A040] =	vst v63  }
0x48: {  	_ =	swait.ge [sflag:s29], $0x1400  }
0x49: {  	[sflag:s29] =	ssyncset.done $0x0  }
0x4a: {  	s30 =	simm.s32 $0x140;
	[sflag:s29] =	ssyncadd.s32 $0xFFFFEC00  }
0x4b: {  	[spmem:s2] =	stream.indirect.scatter.add.f32 [tilespmem:s21], [sflag:$0x6], $0x40, s30, s12, $0xb8;
	[tilespmem:$0x1A040] =	vst v63  }
0x4c: {  	_ =	swait.ge [sflag:s10], $0x1400  }
0x4d: {  	[sflag:s10] =	ssyncset.done $0x0  }
0x4e: {  	s18 =	simm.s32 $0x640;
	s20 =	simm.s32 $0x50F0;
	[sflag:s10] =	ssyncadd.s32 $0xFFFFEC00  }
.LBB2_2:
0x4f: {  	[tilespmem:s21], [sflag:$0x5] =	stream.indirect.gather [hbm4b:s7+s12], $0x40, s20, s12, $0xb8;
	[tilespmem:$0x1A040] =	vst v63  }
0x50: {  	s20 =	smov.u32 s18  }
0x51: {  	p0 =	sne.s32 s18, $0x12C00;
	s18 =	sadd.s32 $0x640, s18;
	_ =	swait.ge [sflag:s24], $0x1400  }
0x52: {  	[sflag:s24] =	ssyncset.done $0x0  }
0x53: {  	s20 =	sshra.s32 s20, $0x2;
	[sflag:s24] =	ssyncadd.s32 $0xFFFFEC00  }
0x54: {  	[spmem:s2] =	stream.indirect.scatter.add.f32 [tilespmem:s13], [sflag:$0x6], $0x40, s20, s12, $0xb8;
	[tilespmem:$0x1A040] =	vst v63  }
0x55: {  	_ =	swait.ge [sflag:s10], $0x1400  }
0x56: {  	[sflag:s10] =	ssyncset.done $0x0  }
0x57: {  	s30 =	sadd.s32 $0x4FB0, s20;
	[sflag:s10] =	ssyncadd.s32 $0xFFFFEC00  }
0x58: {  	[tilespmem:s13], [sflag:$0x1] =	stream.indirect.gather [hbm4b:s7+s12], $0x40, s30, s12, $0xb8;
	[tilespmem:$0x1A040] =	vst v63  }
0x59: {  	_ =	swait.ge [sflag:s25], $0x1400  }
0x5a: {  	[sflag:s25] =	ssyncset.done $0x0  }
0x5b: {  	s30 =	sadd.s32 $0x50, s20;
	[sflag:s25] =	ssyncadd.s32 $0xFFFFEC00  }
0x5c: {  	[spmem:s2] =	stream.indirect.scatter.add.f32 [tilespmem:s15], [sflag:$0x6], $0x40, s30, s12, $0xb8;
	[tilespmem:$0x1A040] =	vst v63  }
0x5d: {  	_ =	swait.ge [sflag:s10], $0x1400  }
0x5e: {  	[sflag:s10] =	ssyncset.done $0x0  }
0x5f: {  	s30 =	sadd.s32 $0x5000, s20;
	[sflag:s10] =	ssyncadd.s32 $0xFFFFEC00  }
0x60: {  	[tilespmem:s15], [sflag:$0x2] =	stream.indirect.gather [hbm4b:s7+s12], $0x40, s30, s12, $0xb8;
	[tilespmem:$0x1A040] =	vst v63  }
0x61: {  	_ =	swait.ge [sflag:s26], $0x1400  }
0x62: {  	[sflag:s26] =	ssyncset.done $0x0  }
0x63: {  	s30 =	sadd.s32 $0xA0, s20;
	[sflag:s26] =	ssyncadd.s32 $0xFFFFEC00  }
0x64: {  	[spmem:s2] =	stream.indirect.scatter.add.f32 [tilespmem:s17], [sflag:$0x6], $0x40, s30, s12, $0xb8;
	[tilespmem:$0x1A040] =	vst v63  }
0x65: {  	_ =	swait.ge [sflag:s10], $0x1400  }
0x66: {  	[sflag:s10] =	ssyncset.done $0x0  }
0x67: {  	s30 =	sadd.s32 $0x5050, s20;
	[sflag:s10] =	ssyncadd.s32 $0xFFFFEC00  }
0x68: {  	[tilespmem:s17], [sflag:$0x3] =	stream.indirect.gather [hbm4b:s7+s12], $0x40, s30, s12, $0xb8;
	[tilespmem:$0x1A040] =	vst v63  }
0x69: {  	_ =	swait.ge [sflag:s28], $0x1400  }
0x6a: {  	[sflag:s28] =	ssyncset.done $0x0  }
0x6b: {  	s30 =	sadd.s32 $0xF0, s20;
	[sflag:s28] =	ssyncadd.s32 $0xFFFFEC00  }
0x6c: {  	[spmem:s2] =	stream.indirect.scatter.add.f32 [tilespmem:s19], [sflag:$0x6], $0x40, s30, s12, $0xb8;
	[tilespmem:$0x1A040] =	vst v63  }
0x6d: {  	_ =	swait.ge [sflag:s10], $0x1400  }
0x6e: {  	[sflag:s10] =	ssyncset.done $0x0  }
0x6f: {  	s30 =	sadd.s32 $0x50A0, s20;
	[sflag:s10] =	ssyncadd.s32 $0xFFFFEC00  }
0x70: {  	[tilespmem:s19], [sflag:$0x4] =	stream.indirect.gather [hbm4b:s7+s12], $0x40, s30, s12, $0xb8;
	[tilespmem:$0x1A040] =	vst v63  }
0x71: {  	_ =	swait.ge [sflag:s29], $0x1400  }
0x72: {  	[sflag:s29] =	ssyncset.done $0x0  }
.Ltmp0:
0x73: {  	s30 =	sadd.s32 $0x140, s20;
	[sflag:s29] =	ssyncadd.s32 $0xFFFFEC00;
	(pc) =	sbr.rel @p0 .LBB2_2-.Ltmp0, $4  }
0x74: {  	[spmem:s2] =	stream.indirect.scatter.add.f32 [tilespmem:s21], [sflag:$0x6], $0x40, s30, s12, $0xb8;
	[tilespmem:$0x1A040] =	vst v63  }
0x75: {  	_ =	swait.ge [sflag:s10], $0x1400  }
0x76: {  	[sflag:s10] =	ssyncset.done $0x0  }
0x77: {  	s20 =	sadd.s32 $0x50F0, s20;
	[sflag:s10] =	ssyncadd.s32 $0xFFFFEC00  }
0x78: {  	[tilespmem:s21], [sflag:$0x5] =	stream.indirect.gather [hbm4b:s7+s12], $0x40, s20, s12, $0xb8;
	[tilespmem:$0x1A040] =	vst v63  }
0x79: {  	_ =	swait.ge [sflag:s24], $0x1400  }
0x7a: {  	[sflag:s24] =	ssyncset.done $0x0  }
0x7b: {  	s18 =	simm.s32 $0x4C90;
	[sflag:s24] =	ssyncadd.s32 $0xFFFFEC00  }
0x7c: {  	[spmem:s2] =	stream.indirect.scatter.add.f32 [tilespmem:s13], [sflag:$0x6], $0x40, s18, s12, $0xb8;
	[tilespmem:$0x1A040] =	vst v63  }
0x7d: {  	_ =	swait.ge [sflag:s10], $0x1400  }
0x7e: {  	[sflag:s10] =	ssyncset.done $0x0  }
0x7f: {  	[sflag:s10] =	ssyncadd.s32 $0xFFFFEC00  }
0x80: {  	_ =	swait.ge [sflag:s25], $0x1400  }
0x81: {  	[sflag:s25] =	ssyncset.done $0x0  }
0x82: {  	[sflag:s25] =	ssyncadd.s32 $0xFFFFEC00  }
0x83: {  	[spmem:s2] =	stream.indirect.scatter.add.f32 [tilespmem:s15], [sflag:$0x6], $0x40, s31, s12, $0xb8;
	[tilespmem:$0x1A040] =	vst v63  }
0x84: {  	_ =	swait.ge [sflag:s10], $0x1400  }
0x85: {  	[sflag:s10] =	ssyncset.done $0x0  }
0x86: {  	[sflag:s10] =	ssyncadd.s32 $0xFFFFEC00  }
0x87: {  	_ =	swait.ge [sflag:s26], $0x1400  }
0x88: {  	[sflag:s26] =	ssyncset.done $0x0  }
0x89: {  	[sflag:s26] =	ssyncadd.s32 $0xFFFFEC00  }
0x8a: {  	[spmem:s2] =	stream.indirect.scatter.add.f32 [tilespmem:s17], [sflag:$0x6], $0x40, s1, s12, $0xb8;
	[tilespmem:$0x1A040] =	vst v63  }
0x8b: {  	_ =	swait.ge [sflag:s10], $0x1400  }
0x8c: {  	[sflag:s10] =	ssyncset.done $0x0  }
0x8d: {  	[sflag:s10] =	ssyncadd.s32 $0xFFFFEC00  }
0x8e: {  	_ =	swait.ge [sflag:s28], $0x1400  }
0x8f: {  	[sflag:s28] =	ssyncset.done $0x0  }
0x90: {  	[sflag:s28] =	ssyncadd.s32 $0xFFFFEC00  }
0x91: {  	[spmem:s2] =	stream.indirect.scatter.add.f32 [tilespmem:s19], [sflag:$0x6], $0x40, s0, s12, $0xb8;
	[tilespmem:$0x1A040] =	vst v63  }
0x92: {  	_ =	swait.ge [sflag:s10], $0x1400  }
0x93: {  	[sflag:s10] =	ssyncset.done $0x0  }
0x94: {  	[sflag:s10] =	ssyncadd.s32 $0xFFFFEC00  }
0x95: {  	_ =	swait.ge [sflag:s29], $0x1400  }
0x96: {  	[sflag:s29] =	ssyncset.done $0x0  }
0x97: {  	[sflag:s29] =	ssyncadd.s32 $0xFFFFEC00  }
0x98: {  	[spmem:s2] =	stream.indirect.scatter.add.f32 [tilespmem:s21], [sflag:$0x6], $0x40, s14, s12, $0xb8;
	[tilespmem:$0x1A040] =	vst v63  }
0x99: {  	_ =	swait.ge [sflag:s10], $0x1400  }
0x9a: {  	s16 =	sadd.s32 $0x1, s16;
	[sflag:s10] =	ssyncset.done $0x0  }
0x9b: {  	p0 =	sne.s32 s16, s9;
	[sflag:s10] =	ssyncadd.s32 $0xFFFFEC00  }
.Ltmp1:
0x9c: {  	[bflag:$0x0] =	sbarrier.arrive $0xFFFF;
	(pc) =	sbr.rel @p0 .LBB2_1-.Ltmp1, $4  }
0x9d: {  	[hbm:s8], [sflag:s22] =	dma.local [spmem:s23], $0x1400  }
0x9e: {  	_ =	swait.ge [sflag:s10], $0x1400  }
0x9f: {  	[sflag:s10] =	ssyncset.done $0x0  }
0xa0: {  	[sflag:s10] =	ssyncadd.s32 $0xFFFFEC00  }
0xa1: {  	_ =	sfence.sel $0x180000  }
0xa2: {  	[bflag:$0x0] =	sbarrier.arrive $0xFFFF  }
0xa3: {  	_ =	strace $0x9000004A  }
0xa4: {  	s0 =	stileid.u32;
	[bflag:$0x2] =	sbarrier.arrive $0xFFFF  }
0xa5: {  	p0 =	sne.s32 s0, $0x0;
	s0 =	rddreg [dreg:$0x2]  }
0xa6: {  	s0 =	sadd.s32 @!p0 $0x100000, s0  }
0xa7: {  	[sflag:s0] =	ssyncadd.tile.s32 @!p0 $0x1;
	_ =	shalt  }
.Lfunc_end2:
_tile_overlayer_lowered:
.L_overlay_start_2:
0xa8: {  	(tag) =	ssettag $0x2  }
0xa9: {  	s0 =	rddreg [dreg:$0x0];
	s2 =	stileid.u32  }
0xaa: {  	s1 =	rddreg [dreg:$0x1];
	p0 =	sne.s32 s2, $0x0  }
0xab: {  	s3 =	rddreg [dreg:$0x2];
	[bflag:$0x3] =	sbarrier.arrive $0xFFFF;
	s2 =	simm.s32 @!p0 $0x1C06  }
0xac: {  	[timem:s3], [sflag:s2] =	dma.local @!p0 [hbm:s0], s1  }
0xad: {  	s0 =	simm.s32 @!p0 $0x6  }
0xae: {  	_ =	swait.ge @!p0 [sflag:s0], s1  }
0xaf: {  	s1 =	ssub.s32 @!p0 $0x0, s1;
	[sflag:s0] =	ssyncset.done @!p0 $0x0  }
0xb0: {  	[sflag:s0] =	ssyncadd.s32 @!p0 s1  }
0xb1: {  	[bflag:$0x3] =	sbarrier.arrive $0xFFFF  }
0xb2: {  	_ =	shalt  }

// kernel: kernel.15.cloned.1.call-start
scs
__scs_entry_jumppad:
0x0: {  	(pc) =	sbr.rel $0x88, $3  }
0x1: {  	(tag) =	ssettag $0x0;
	lr =	simm.s32 $0x1  }
0x2: {  	[smem:$0x3F96] =	sst lr;
	_ =	strace $0xD0000000  }
0x3: {  	_ = 	snop  }
0x4: {  	_ = 	snop  }
0x5: {  	_ = 	snop  }
0x6: {  	_ = 	snop  }
0x7: {  	_ = 	snop  }
__scs_overlays_trampoline_lowered:
0x8: {  	[smem:$0x3FA5] =	sst s0  }
0x9: {  	[smem:$0x3FA6] =	sst s1  }
0xa: {  	[smem:$0x3FA7] =	sst s2  }
0xb: {  	[smem:$0x3FA8] =	sst s3  }
0xc: {  	[smem:$0x3FA9] =	sst s4  }
0xd: {  	[smem:$0x3FAA] =	sst s5  }
0xe: {  	[smem:$0x3FAB] =	sst s6  }
0xf: {  	[smem:$0x3FAC] =	sst s7  }
0x10: {  	[smem:$0x3FAD] =	sst s8  }
0x11: {  	[smem:$0x3FAE] =	sst s9;
	s0 =	simm.s32 @!p0 $0x0  }
0x12: {  	s1 =	sld [smem:$0x3F94];
	s0 =	simm.s32 @p0 $0x1  }
0x13: {  	[smem:$0x3FAF] =	sst s0;
	s0 =	simm.s32 @!p1 $0x0  }
0x14: {  	s2 =	sld [smem:$0x3F93];
	s0 =	simm.s32 @p1 $0x1  }
0x15: {  	[smem:$0x3FB0] =	sst s0;
	s0 =	simm.s32 @!p2 $0x0  }
0x16: {  	s3 =	sld [smem:$0x3FDB];
	s0 =	simm.s32 @p2 $0x1  }
0x17: {  	s4 =	simm.s32 $0x1BF5;
	[smem:$0x3FB2] =	sst s0  }
0x18: {  	s0 =	sld [smem:$0x3F95];
	_ =	swait.ge [sflag:s4], $0x0  }
0x19: {  	s7 =	sld [smem:$0x3F96]  }
0x1a: {  	s8 =	sadd.s32 $0xFFFFE003, lr  }
0x1b: {  	s9 =	sadd.s32 $0xFFFFFEF7, lr;
	s5 =	simm.s32 $0xFFFFFFFF;
	p2 =	slt.u32 s8, $0xFFFFF086  }
0x1c: {  	p1 =	slt.u32 s9, $0xF7A;
	s5 =	simm.s32 @!p2 $0x0  }
0x1d: {  	s5 =	simm.s32 @p1 $0x1;
	p0 =	seq.s32 s7, s2  }
0x1e: {  	s7 =	smul.u32 @!p0 $0xF7A, s2;
	p2 =	seq.s32 @!p0 s5, $0x0  }
0x1f: {  	s9 =	smul.u32 $0xF7A, s1;
	s8 =	simm.s32 @!p0 $0x1BF5;
	p2 =	por !p2, p0  }
0x20: {  	[sflag:s8] =	ssyncset.s32 @!p0 $0xFFFFF086;
	s6 =	sadd.s32 @!p0 s3, s7;
	s7 =	simm.s32 @!p0 $0x108  }
0x21: {  	s3 =	sadd.s32 s3, s9;
	s6 =	sadd.s32 @!p0 $0x88, s6;
	s7 =	simm.s32 @p2 $0x1082  }
0x22: {  	[simem:s7], [sflag:s8] =	dma.local @!p0 [hbm:s6], $0xF7A  }
0x23: {  	s9 =	sor.u32 $0xD0000000, s2;
	s6 =	simm.s32 $0x108;
	_ =	swait.ge @!p0 [sflag:s8], $0x0  }
0x24: {  	s3 =	sadd.s32 $0x88, s3;
	s6 =	simm.s32 @!p1 $0x1082;
	[sflag:s4] =	ssyncset.s32 $0xFFFFF086  }
0x25: {  	[simem:s6], [sflag:s4] =	dma.local [hbm:s3], $0xF7A  }
0x26: {  	[smem:$0x3F96] =	sst s1;
	(tag) =	ssettag s2;
	_ =	strace s9  }
0x27: {  	s1 =	sld [smem:$0x3FA6]  }
0x28: {  	s2 =	sld [smem:$0x3FA7]  }
0x29: {  	s4 =	sld [smem:$0x3FA9]  }
0x2a: {  	p0 =	seq.s32 s5, $0x0;
	s5 =	sld [smem:$0x3FAA]  }
0x2b: {  	s6 =	sld [smem:$0x3FAB]  }
0x2c: {  	s7 =	sld [smem:$0x3FAC]  }
0x2d: {  	s3 =	simm.s32 $0x108;
	s8 =	sld [smem:$0x3FAD]  }
0x2e: {  	s3 =	simm.s32 @!p0 $0x1082;
	s9 =	sld [smem:$0x3FAE]  }
0x2f: {  	lr =	sadd.s32 s0, s3;
	s0 =	sld [smem:$0x3FA5]  }
0x30: {  	s3 =	sld [smem:$0x3FA8]  }
0x31: {  	[smem:$0x3FB1] =	sst s10  }
0x32: {  	s10 =	sld [smem:$0x3FAF];
	_ =	sdelay $0x3  }
0x33: {  	p0 =	seq.s32 s10, $0x1;
	s10 =	sld [smem:$0x3FB1];
	_ =	sdelay $0x3  }
0x34: {  	[smem:$0x3FB1] =	sst s10  }
0x35: {  	s10 =	sld [smem:$0x3FB0];
	_ =	sdelay $0x3  }
0x36: {  	p1 =	seq.s32 s10, $0x1;
	s10 =	sld [smem:$0x3FB1];
	_ =	sdelay $0x3  }
0x37: {  	[smem:$0x3FB1] =	sst s10  }
0x38: {  	s10 =	sld [smem:$0x3FB2]  }
0x39: {  	_ = 	snop;
	(pc) =	sbr.ind lr, $3  }
0x3a: {  	_ = 	snop  }
0x3b: {  	_ = 	snop  }
0x3c: {  	p2 =	seq.s32 s10, $0x1;
	s10 =	sld [smem:$0x3FB1]  }
0x3d: {  	_ =	shalt  }
0x3e: {  	_ =	shalt  }
0x3f: {  	_ =	shalt  }
0x40: {  	_ =	shalt  }
0x41: {  	_ =	shalt  }
0x42: {  	_ =	shalt  }
0x43: {  	_ =	shalt  }
0x44: {  	_ =	shalt  }
0x45: {  	_ =	shalt  }
0x46: {  	_ =	shalt  }
0x47: {  	_ =	shalt  }
0x48: {  	_ =	shalt  }
0x49: {  	_ =	shalt  }
0x4a: {  	_ =	shalt  }
0x4b: {  	_ =	shalt  }
0x4c: {  	_ =	shalt  }
0x4d: {  	_ =	shalt  }
0x4e: {  	_ =	shalt  }
0x4f: {  	_ =	shalt  }
0x50: {  	_ =	shalt  }
0x51: {  	_ =	shalt  }
0x52: {  	_ =	shalt  }
0x53: {  	_ =	shalt  }
0x54: {  	_ =	shalt  }
0x55: {  	_ =	shalt  }
0x56: {  	_ =	shalt  }
0x57: {  	_ =	shalt  }
0x58: {  	_ =	shalt  }
0x59: {  	_ =	shalt  }
0x5a: {  	_ =	shalt  }
0x5b: {  	_ =	shalt  }
0x5c: {  	_ =	shalt  }
0x5d: {  	_ =	shalt  }
0x5e: {  	_ =	shalt  }
0x5f: {  	_ =	shalt  }
0x60: {  	_ =	shalt  }
0x61: {  	_ =	shalt  }
0x62: {  	_ =	shalt  }
0x63: {  	_ =	shalt  }
0x64: {  	_ =	shalt  }
0x65: {  	_ =	shalt  }
0x66: {  	_ =	shalt  }
0x67: {  	_ =	shalt  }
0x68: {  	_ =	shalt  }
0x69: {  	_ =	shalt  }
0x6a: {  	_ =	shalt  }
0x6b: {  	_ =	shalt  }
0x6c: {  	_ =	shalt  }
0x6d: {  	_ =	shalt  }
0x6e: {  	_ =	shalt  }
0x6f: {  	_ =	shalt  }
0x70: {  	_ =	shalt  }
0x71: {  	_ =	shalt  }
0x72: {  	_ =	shalt  }
0x73: {  	_ =	shalt  }
0x74: {  	_ =	shalt  }
0x75: {  	_ =	shalt  }
0x76: {  	_ =	shalt  }
0x77: {  	_ =	shalt  }
0x78: {  	_ =	shalt  }
0x79: {  	_ =	shalt  }
0x7a: {  	_ =	shalt  }
0x7b: {  	_ =	shalt  }
0x7c: {  	_ =	shalt  }
0x7d: {  	_ =	shalt  }
0x7e: {  	_ =	shalt  }
0x7f: {  	_ =	shalt  }
0x80: {  	_ =	shalt  }
0x81: {  	_ =	shalt  }
0x82: {  	_ =	shalt  }
0x83: {  	_ =	shalt  }
0x84: {  	_ =	shalt  }
0x85: {  	_ =	shalt  }
0x86: {  	_ =	shalt  }
0x87: {  	_ =	shalt  }
.Lfunc_end0:
.L_simem_size_0:
called_computation.2_lowered:
.L_overlay_start_0:
0x88: {  	s2 =	sld [smem:$0x3FD9]  }
0x89: {  	s3 =	sld [smem:$0x3FFE];
	_ =	sdelay $0x1  }
0x8a: {  	s1 =	srdreg.scid  }
0x8b: {  	s0 =	sand.u32 $0x1, s1  }
0x8c: {  	s16 =	sshll.u32 s0, $0xA;
	s2 =	sadd.s32 s3, s2  }
0x8d: {  	s2 =	sadd.s32 s2, s16  }
0x8e: {  	[smem:$0x3FBD] =	sst s2  }
0x8f: {  	_ = 	snop  }
0x90: {  	(tm) =	ssettm $0x1  }
0x91: {  	s17 =	sld [smem:$0x3FFB];
	_ =	sdelay $0x3  }
0x92: {  	_ =	strace s17  }
0x93: {  	s2 =	sld [smem:$0x3FFC];
	_ =	sdelay $0x3  }
0x94: {  	_ =	strace s2  }
0x95: {  	s2 =	sld [smem:$0x3FFD];
	_ =	sdelay $0x3  }
0x96: {  	_ =	strace s2  }
0x97: {  	_ =	strace $0x8FFFFFFF  }
0x98: {  	s18 =	sld [smem:$0x3FDB];
	_ =	sdelay $0x1  }
0x99: {  	s19 =	simm.s32 $_scs_section_size  }
0x9a: {  	s4 =	simm.s32 $_size__tile_overlayer_lowered;
	s5 =	simm.s32 $_tile_overlayer_lowered  }
0x9b: {  	s22 =	simm.s32 $0x1BFF;
	s21 =	sshll.u32 s5, $0x1;
	s2 =	sadd.s32 s19, s18  }
0x9c: {  	s6 =	simm.s32 $0x0;
	s20 =	sshll.u32 s4, $0x1;
	s4 =	sadd.s32 s21, s2  }
0x9d: {  	[timem:s6], [sflag:s22] =	dma.local [hbm:s4], s20  }
0x9e: {  	_ =	swait.ge [sflag:s22], s20  }
0x9f: {  	s3 =	ssub.s32 $0x0, s20;
	[sflag:s22] =	ssyncset.done $0x0  }
0xa0: {  	[sflag:s22] =	ssyncadd.s32 s3;
	_ =	sdelay $0x1  }
0xa1: {  	s23 =	simm.s32 $0x1B8B  }
0xa2: {  	_ =	swait.ge [sflag:s23], $0x1  }
0xa3: {  	[sflag:s23] =	ssyncset.done $0x0  }
0xa4: {  	s25 =	simm.s32 $0x1B8E;
	s24 =	sld [smem:$0x3FFE];
	[sflag:s23] =	ssyncadd.s32 $0xFFFFFFFF  }
0xa5: {  	s26 =	simm.s32 $execute0_lowered;
	[smem:$0x3FD2] =	sst s25  }
0xa6: {  	s4 =	sshll.u32 s26, $0x1;
	_ =	strace $0x8000004C;
	[dreg:$0x1] =	wrdreg $0xFFFFFFFF  }
0xa7: {  	s28 =	simm.s32 $_size_execute0_lowered;
	s2 =	sadd.s32 s2, s4;
	[dreg:$0x0] =	wrdreg $0x0  }
0xa8: {  	s4 =	sshll.u32 s28, $0x1;
	[dreg:$0x2] =	wrdreg s2  }
0xa9: {  	[dreg:$0x3] =	wrdreg s4  }
0xaa: {  	[dreg:$0x4] =	wrdreg $0xC0  }
0xab: {  	_ =	task [dreg:s6], $0x5FFFF  }
0xac: {  	[dreg:$0x1] =	wrdreg $0xFFFFFFFF  }
0xad: {  	[dreg:$0x0] =	wrdreg $0x60  }
0xae: {  	[dreg:$0x2] =	wrdreg s24  }
0xaf: {  	[dreg:$0x3] =	wrdreg $0x100400  }
0xb0: {  	[dreg:$0x4] =	wrdreg $0x9  }
0xb1: {  	_ =	task.clear_ibuf [dreg:s6], $0x5FFFF;
	_ =	strace $0x9000004C  }
0xb2: {  	s29 =	simm.s32 $0x9;
	_ =	strace $0x8000004E  }
0xb3: {  	_ =	swait.ge [sflag:s29], $0x1  }
0xb4: {  	[sflag:s29] =	ssyncadd.s32 $0xFFFFFFFF  }
0xb5: {  	_ =	strace $0x9000004E  }
0xb6: {  	_ =	sfence  }
0xb7: {  	s30 =	sld [smem:$0x0];
	_ =	sdelay $0x2  }
0xb8: {  	s31 =	sshll.u32 s1, $0xD;
	s1 =	sshrl.u32 s1, $0x2  }
0xb9: {  	s3 =	sand.u32 $0x4000, s31;
	s1 =	sadd.s32 s1, s30  }
0xba: {  	s0 =	sor.u32 s3, s0;
	s1 =	sshll.u32 s1, $0x11  }
0xbb: {  	s0 =	sor.u32 s1, s0  }
0xbc: {  	s0 =	sadd.s32 $0x8F2B, s0  }
0xbd: {  	[sflag:s0] =	ssyncadd.remote.s32 $0x1  }
0xbe: {  	_ =	sfence.sel $0xFFFF  }
0xbf: {  	[dreg:$0x0] =	wrdreg $0xFFFFFFFF;
	(pc) =	sbr.abs _section_cstart, $3  }
0xc0: {  	[dreg:$0x1] =	wrdreg $0xFFFFFFFF  }
0xc1: {  	_ =	task.clear_ibuf [dreg:s6], $0x2FFFF;
	_ =	strace $0x9FFFFFFF  }
0xc2: {  	(tm) =	ssettm $0x7FFFFFFF  }
0xc3: {  	_ =	shalt  }
tec
execute0_lowered:
.L_overlay_start_1:
0x0: {  	(tag) =	ssettag $0x1  }
0x1: {  	s0 =	srdreg.scid  }
0x2: {  	s1 =	rddreg [dreg:$0x0];
	s16 =	stileid.u32  }
0x3: {  	s2 =	rddreg [dreg:$0x1];
	s3 =	simm.s32 $0x0;
	s10 =	simm.s32 $0x6  }
0x4: {  	s11 =	simm.s32 $0x4E20;
	s12 =	simm.s32 $0x50;
	s13 =	simm.s32 $0x9C40  }
0x5: {  	s15 =	simm.s32 $0xB040;
	s17 =	simm.s32 $0xC440;
	s19 =	simm.s32 $0xD840  }
0x6: {  	s21 =	simm.s32 $0xEC40;
	s24 =	simm.s32 $0x1;
	s28 =	simm.s32 $0x4  }
0x7: {  	s29 =	simm.s32 $0x5;
	s31 =	simm.s32 $0x4CE0;
	s8 =	smul.u32 $0xA000, s16  }
0x8: {  	s0 =	sand.u32 $0x1, s0;
	[smem:$0x7FF] =	sst s3;
	s6 =	smul.u32 $0x9C4, s16  }
0x9: {  	s30 =	sshll.u32 s16, $0x6;
	s16 =	simm.s32 $0x0;
	s4 =	smul.u32 $0x13880, s0  }
0xa: {  	s5 =	smul.u32 $0xA0000, s0;
	_ =	strace $0x8000004D;
	s0 =	ssub.s32 $0x2, s0  }
0xb: {  	s22 =	sor.u32 $0x1C06, s30;
	s6 =	sadd.s32 s6, s1;
	s26 =	sshrl.u32 s0, $0x1  }
0xc: {  	s14 =	sadd.s32 s8, s2;
	s7 =	sadd.s32 s4, s1;
	s25 =	sadd.s32 s8, s5  }
0xd: {  	s4 =	sadd.s32 $0x3CC00, s1;
	s0 =	ssub.s32 s0, s26;
	s23 =	sshrl.u32 s14, $0x3  }
0xe: {  	s26 =	simm.s32 $0x3;
	s14 =	simm.s32 $0x4DD0;
	s5 =	sshrl.u32 s25, $0x3  }
0xf: {  	s7 =	sadd.s32 $0x15A00, s7;
	s9 =	smax.u32 s0, $0x1;
	s25 =	simm.s32 $0x2  }
0x10: {  	s0 =	simm.s32 $0x4D80;
	s1 =	sadd.s32 s5, s1;
	s5 =	sadd.s32 $0xBC00, s6  }
0x11: {  	s6 =	sadd.s32 $0x1E00, s6;
	s8 =	sadd.s32 $0x3E000, s1;
	s1 =	simm.s32 $0x4D30  }
.LBB2_1:
0x12: {  	[tilespmem:s3], [sflag:$0x6] =	stream.linear.gather [hbm4b:s5+s3], $0x4E20, $0x38;
	[tilespmem:$0x1A040] =	vst v63  }
0x13: {  	_ =	swait.ge [sflag:s10], $0x4E20  }
0x14: {  	[sflag:s10] =	ssyncset.done $0x0  }
0x15: {  	[sflag:s10] =	ssyncadd.s32 $0xFFFFB1E0  }
0x16: {  	[tilespmem:s11], [sflag:$0x6] =	stream.linear.gather [hbm4b:s6+s3], $0x4E20, $0x38;
	[tilespmem:$0x1A040] =	vst v63  }
0x17: {  	_ =	swait.ge [sflag:s10], $0x4E20  }
0x18: {  	[sflag:s10] =	ssyncset.done $0x0  }
0x19: {  	[sflag:s10] =	ssyncadd.s32 $0xFFFFB1E0  }
0x1a: {  	[tilespmem:s13], [sflag:$0x1] =	stream.indirect.gather [hbm4b:s7+s12], $0x40, s11, s12, $0xb8;
	[tilespmem:$0x1A040] =	vst v63  }
0x1b: {  	s18 =	simm.s32 $0x4E70  }
0x1c: {  	[tilespmem:s15], [sflag:$0x2] =	stream.indirect.gather [hbm4b:s7+s12], $0x40, s18, s12, $0xb8;
	[tilespmem:$0x1A040] =	vst v63  }
0x1d: {  	s20 =	simm.s32 $0x4EC0  }
0x1e: {  	[tilespmem:s17], [sflag:$0x3] =	stream.indirect.gather [hbm4b:s7+s12], $0x40, s20, s12, $0xb8;
	[tilespmem:$0x1A040] =	vst v63  }
0x1f: {  	s30 =	simm.s32 $0x4F10  }
0x20: {  	[tilespmem:s19], [sflag:$0x4] =	stream.indirect.gather [hbm4b:s7+s12], $0x40, s30, s12, $0xb8;
	[tilespmem:$0x1A040] =	vst v63  }
0x21: {  	s20 =	simm.s32 $0x4F60  }
0x22: {  	[tilespmem:s21], [sflag:$0x5] =	stream.indirect.gather [hbm4b:s7+s12], $0x40, s20, s12, $0xb8;
	[tilespmem:$0x1A040] =	vst v63  }
0x23: {  	[spmem:s23], [sflag:s22] =	dma.local [hbm:s4], $0x1400  }
0x24: {  	_ =	swait.ge [sflag:s10], $0x1400  }
0x25: {  	[sflag:s10] =	ssyncset.done $0x0  }
0x26: {  	[sflag:s10] =	ssyncadd.s32 $0xFFFFEC00  }
0x27: {  	[bflag:$0x0] =	sbarrier.arrive $0xFFFF  }
0x28: {  	_ =	swait.ge [sflag:s24], $0x1400  }
0x29: {  	[sflag:s24] =	ssyncset.done $0x0  }
0x2a: {  	s30 =	simm.s32 $0x0;
	[sflag:s24] =	ssyncadd.s32 $0xFFFFEC00  }
0x2b: {  	[spmem:s2] =	stream.indirect.scatter.add.f32 [tilespmem:s13], [sflag:$0x6], $0x40, s30, s12, $0xb8;
	[tilespmem:$0x1A040] =	vst v63  }
0x2c: {  	_ =	swait.ge [sflag:s10], $0x1400  }
0x2d: {  	[sflag:s10] =	ssyncset.done $0x0  }
0x2e: {  	s20 =	simm.s32 $0x4FB0;
	[sflag:s10] =	ssyncadd.s32 $0xFFFFEC00  }
0x2f: {  	[tilespmem:s13], [sflag:$0x1] =	stream.indirect.gather [hbm4b:s7+s12], $0x40, s20, s12, $0xb8;
	[tilespmem:$0x1A040] =	vst v63  }
0x30: {  	_ =	swait.ge [sflag:s25], $0x1400  }
0x31: {  	[sflag:s25] =	ssyncset.done $0x0  }
0x32: {  	s30 =	simm.s32 $0x50;
	[sflag:s25] =	ssyncadd.s32 $0xFFFFEC00  }
0x33: {  	[spmem:s2] =	stream.indirect.scatter.add.f32 [tilespmem:s15], [sflag:$0x6], $0x40, s30, s12, $0xb8;
	[tilespmem:$0x1A040] =	vst v63  }
0x34: {  	_ =	swait.ge [sflag:s10], $0x1400  }
0x35: {  	[sflag:s10] =	ssyncset.done $0x0  }
0x36: {  	s20 =	simm.s32 $0x5000;
	[sflag:s10] =	ssyncadd.s32 $0xFFFFEC00  }
0x37: {  	[tilespmem:s15], [sflag:$0x2] =	stream.indirect.gather [hbm4b:s7+s12], $0x40, s20, s12, $0xb8;
	[tilespmem:$0x1A040] =	vst v63  }
0x38: {  	_ =	swait.ge [sflag:s26], $0x1400  }
0x39: {  	[sflag:s26] =	ssyncset.done $0x0  }
0x3a: {  	s30 =	simm.s32 $0xA0;
	[sflag:s26] =	ssyncadd.s32 $0xFFFFEC00  }
0x3b: {  	[spmem:s2] =	stream.indirect.scatter.add.f32 [tilespmem:s17], [sflag:$0x6], $0x40, s30, s12, $0xb8;
	[tilespmem:$0x1A040] =	vst v63  }
0x3c: {  	_ =	swait.ge [sflag:s10], $0x1400  }
0x3d: {  	[sflag:s10] =	ssyncset.done $0x0  }
0x3e: {  	s20 =	simm.s32 $0x5050;
	[sflag:s10] =	ssyncadd.s32 $0xFFFFEC00  }
0x3f: {  	[tilespmem:s17], [sflag:$0x3] =	stream.indirect.gather [hbm4b:s7+s12], $0x40, s20, s12, $0xb8;
	[tilespmem:$0x1A040] =	vst v63  }
0x40: {  	_ =	swait.ge [sflag:s28], $0x1400  }
0x41: {  	[sflag:s28] =	ssyncset.done $0x0  }
0x42: {  	s30 =	simm.s32 $0xF0;
	[sflag:s28] =	ssyncadd.s32 $0xFFFFEC00  }
0x43: {  	[spmem:s2] =	stream.indirect.scatter.add.f32 [tilespmem:s19], [sflag:$0x6], $0x40, s30, s12, $0xb8;
	[tilespmem:$0x1A040] =	vst v63  }
0x44: {  	_ =	swait.ge [sflag:s10], $0x1400  }
0x45: {  	[sflag:s10] =	ssyncset.done $0x0  }
0x46: {  	s20 =	simm.s32 $0x50A0;
	[sflag:s10] =	ssyncadd.s32 $0xFFFFEC00  }
0x47: {  	[tilespmem:s19], [sflag:$0x4] =	stream.indirect.gather [hbm4b:s7+s12], $0x40, s20, s12, $0xb8;
	[tilespmem:$0x1A040] =	vst v63  }
0x48: {  	_ =	swait.ge [sflag:s29], $0x1400  }
0x49: {  	[sflag:s29] =	ssyncset.done $0x0  }
0x4a: {  	s30 =	simm.s32 $0x140;
	[sflag:s29] =	ssyncadd.s32 $0xFFFFEC00  }
0x4b: {  	[spmem:s2] =	stream.indirect.scatter.add.f32 [tilespmem:s21], [sflag:$0x6], $0x40, s30, s12, $0xb8;
	[tilespmem:$0x1A040] =	vst v63  }
0x4c: {  	_ =	swait.ge [sflag:s10], $0x1400  }
0x4d: {  	[sflag:s10] =	ssyncset.done $0x0  }
0x4e: {  	s18 =	simm.s32 $0x640;
	s20 =	simm.s32 $0x50F0;
	[sflag:s10] =	ssyncadd.s32 $0xFFFFEC00  }
.LBB2_2:
0x4f: {  	[tilespmem:s21], [sflag:$0x5] =	stream.indirect.gather [hbm4b:s7+s12], $0x40, s20, s12, $0xb8;
	[tilespmem:$0x1A040] =	vst v63  }
0x50: {  	s20 =	smov.u32 s18  }
0x51: {  	p0 =	sne.s32 s18, $0x12C00;
	s18 =	sadd.s32 $0x640, s18;
	_ =	swait.ge [sflag:s24], $0x1400  }
0x52: {  	[sflag:s24] =	ssyncset.done $0x0  }
0x53: {  	s20 =	sshra.s32 s20, $0x2;
	[sflag:s24] =	ssyncadd.s32 $0xFFFFEC00  }
0x54: {  	[spmem:s2] =	stream.indirect.scatter.add.f32 [tilespmem:s13], [sflag:$0x6], $0x40, s20, s12, $0xb8;
	[tilespmem:$0x1A040] =	vst v63  }
0x55: {  	_ =	swait.ge [sflag:s10], $0x1400  }
0x56: {  	[sflag:s10] =	ssyncset.done $0x0  }
0x57: {  	s30 =	sadd.s32 $0x4FB0, s20;
	[sflag:s10] =	ssyncadd.s32 $0xFFFFEC00  }
0x58: {  	[tilespmem:s13], [sflag:$0x1] =	stream.indirect.gather [hbm4b:s7+s12], $0x40, s30, s12, $0xb8;
	[tilespmem:$0x1A040] =	vst v63  }
0x59: {  	_ =	swait.ge [sflag:s25], $0x1400  }
0x5a: {  	[sflag:s25] =	ssyncset.done $0x0  }
0x5b: {  	s30 =	sadd.s32 $0x50, s20;
	[sflag:s25] =	ssyncadd.s32 $0xFFFFEC00  }
0x5c: {  	[spmem:s2] =	stream.indirect.scatter.add.f32 [tilespmem:s15], [sflag:$0x6], $0x40, s30, s12, $0xb8;
	[tilespmem:$0x1A040] =	vst v63  }
0x5d: {  	_ =	swait.ge [sflag:s10], $0x1400  }
0x5e: {  	[sflag:s10] =	ssyncset.done $0x0  }
0x5f: {  	s30 =	sadd.s32 $0x5000, s20;
	[sflag:s10] =	ssyncadd.s32 $0xFFFFEC00  }
0x60: {  	[tilespmem:s15], [sflag:$0x2] =	stream.indirect.gather [hbm4b:s7+s12], $0x40, s30, s12, $0xb8;
	[tilespmem:$0x1A040] =	vst v63  }
0x61: {  	_ =	swait.ge [sflag:s26], $0x1400  }
0x62: {  	[sflag:s26] =	ssyncset.done $0x0  }
0x63: {  	s30 =	sadd.s32 $0xA0, s20;
	[sflag:s26] =	ssyncadd.s32 $0xFFFFEC00  }
0x64: {  	[spmem:s2] =	stream.indirect.scatter.add.f32 [tilespmem:s17], [sflag:$0x6], $0x40, s30, s12, $0xb8;
	[tilespmem:$0x1A040] =	vst v63  }
0x65: {  	_ =	swait.ge [sflag:s10], $0x1400  }
0x66: {  	[sflag:s10] =	ssyncset.done $0x0  }
0x67: {  	s30 =	sadd.s32 $0x5050, s20;
	[sflag:s10] =	ssyncadd.s32 $0xFFFFEC00  }
0x68: {  	[tilespmem:s17], [sflag:$0x3] =	stream.indirect.gather [hbm4b:s7+s12], $0x40, s30, s12, $0xb8;
	[tilespmem:$0x1A040] =	vst v63  }
0x69: {  	_ =	swait.ge [sflag:s28], $0x1400  }
0x6a: {  	[sflag:s28] =	ssyncset.done $0x0  }
0x6b: {  	s30 =	sadd.s32 $0xF0, s20;
	[sflag:s28] =	ssyncadd.s32 $0xFFFFEC00  }
0x6c: {  	[spmem:s2] =	stream.indirect.scatter.add.f32 [tilespmem:s19], [sflag:$0x6], $0x40, s30, s12, $0xb8;
	[tilespmem:$0x1A040] =	vst v63  }
0x6d: {  	_ =	swait.ge [sflag:s10], $0x1400  }
0x6e: {  	[sflag:s10] =	ssyncset.done $0x0  }
0x6f: {  	s30 =	sadd.s32 $0x50A0, s20;
	[sflag:s10] =	ssyncadd.s32 $0xFFFFEC00  }
0x70: {  	[tilespmem:s19], [sflag:$0x4] =	stream.indirect.gather [hbm4b:s7+s12], $0x40, s30, s12, $0xb8;
	[tilespmem:$0x1A040] =	vst v63  }
0x71: {  	_ =	swait.ge [sflag:s29], $0x1400  }
0x72: {  	[sflag:s29] =	ssyncset.done $0x0  }
.Ltmp0:
0x73: {  	s30 =	sadd.s32 $0x140, s20;
	[sflag:s29] =	ssyncadd.s32 $0xFFFFEC00;
	(pc) =	sbr.rel @p0 .LBB2_2-.Ltmp0, $4  }
0x74: {  	[spmem:s2] =	stream.indirect.scatter.add.f32 [tilespmem:s21], [sflag:$0x6], $0x40, s30, s12, $0xb8;
	[tilespmem:$0x1A040] =	vst v63  }
0x75: {  	_ =	swait.ge [sflag:s10], $0x1400  }
0x76: {  	[sflag:s10] =	ssyncset.done $0x0  }
0x77: {  	s20 =	sadd.s32 $0x50F0, s20;
	[sflag:s10] =	ssyncadd.s32 $0xFFFFEC00  }
0x78: {  	[tilespmem:s21], [sflag:$0x5] =	stream.indirect.gather [hbm4b:s7+s12], $0x40, s20, s12, $0xb8;
	[tilespmem:$0x1A040] =	vst v63  }
0x79: {  	_ =	swait.ge [sflag:s24], $0x1400  }
0x7a: {  	[sflag:s24] =	ssyncset.done $0x0  }
0x7b: {  	s18 =	simm.s32 $0x4C90;
	[sflag:s24] =	ssyncadd.s32 $0xFFFFEC00  }
0x7c: {  	[spmem:s2] =	stream.indirect.scatter.add.f32 [tilespmem:s13], [sflag:$0x6], $0x40, s18, s12, $0xb8;
	[tilespmem:$0x1A040] =	vst v63  }
0x7d: {  	_ =	swait.ge [sflag:s10], $0x1400  }
0x7e: {  	[sflag:s10] =	ssyncset.done $0x0  }
0x7f: {  	[sflag:s10] =	ssyncadd.s32 $0xFFFFEC00  }
0x80: {  	_ =	swait.ge [sflag:s25], $0x1400  }
0x81: {  	[sflag:s25] =	ssyncset.done $0x0  }
0x82: {  	[sflag:s25] =	ssyncadd.s32 $0xFFFFEC00  }
0x83: {  	[spmem:s2] =	stream.indirect.scatter.add.f32 [tilespmem:s15], [sflag:$0x6], $0x40, s31, s12, $0xb8;
	[tilespmem:$0x1A040] =	vst v63  }
0x84: {  	_ =	swait.ge [sflag:s10], $0x1400  }
0x85: {  	[sflag:s10] =	ssyncset.done $0x0  }
0x86: {  	[sflag:s10] =	ssyncadd.s32 $0xFFFFEC00  }
0x87: {  	_ =	swait.ge [sflag:s26], $0x1400  }
0x88: {  	[sflag:s26] =	ssyncset.done $0x0  }
0x89: {  	[sflag:s26] =	ssyncadd.s32 $0xFFFFEC00  }
0x8a: {  	[spmem:s2] =	stream.indirect.scatter.add.f32 [tilespmem:s17], [sflag:$0x6], $0x40, s1, s12, $0xb8;
	[tilespmem:$0x1A040] =	vst v63  }
0x8b: {  	_ =	swait.ge [sflag:s10], $0x1400  }
0x8c: {  	[sflag:s10] =	ssyncset.done $0x0  }
0x8d: {  	[sflag:s10] =	ssyncadd.s32 $0xFFFFEC00  }
0x8e: {  	_ =	swait.ge [sflag:s28], $0x1400  }
0x8f: {  	[sflag:s28] =	ssyncset.done $0x0  }
0x90: {  	[sflag:s28] =	ssyncadd.s32 $0xFFFFEC00  }
0x91: {  	[spmem:s2] =	stream.indirect.scatter.add.f32 [tilespmem:s19], [sflag:$0x6], $0x40, s0, s12, $0xb8;
	[tilespmem:$0x1A040] =	vst v63  }
0x92: {  	_ =	swait.ge [sflag:s10], $0x1400  }
0x93: {  	[sflag:s10] =	ssyncset.done $0x0  }
0x94: {  	[sflag:s10] =	ssyncadd.s32 $0xFFFFEC00  }
0x95: {  	_ =	swait.ge [sflag:s29], $0x1400  }
0x96: {  	[sflag:s29] =	ssyncset.done $0x0  }
0x97: {  	[sflag:s29] =	ssyncadd.s32 $0xFFFFEC00  }
0x98: {  	[spmem:s2] =	stream.indirect.scatter.add.f32 [tilespmem:s21], [sflag:$0x6], $0x40, s14, s12, $0xb8;
	[tilespmem:$0x1A040] =	vst v63  }
0x99: {  	_ =	swait.ge [sflag:s10], $0x1400  }
0x9a: {  	s16 =	sadd.s32 $0x1, s16;
	[sflag:s10] =	ssyncset.done $0x0  }
0x9b: {  	p0 =	sne.s32 s16, s9;
	[sflag:s10] =	ssyncadd.s32 $0xFFFFEC00  }
.Ltmp1:
0x9c: {  	[bflag:$0x0] =	sbarrier.arrive $0xFFFF;
	(pc) =	sbr.rel @p0 .LBB2_1-.Ltmp1, $4  }
0x9d: {  	[hbm:s8], [sflag:s22] =	dma.local [spmem:s23], $0x1400  }
0x9e: {  	_ =	swait.ge [sflag:s10], $0x1400  }
0x9f: {  	[sflag:s10] =	ssyncset.done $0x0  }
0xa0: {  	[sflag:s10] =	ssyncadd.s32 $0xFFFFEC00  }
0xa1: {  	_ =	sfence.sel $0x180000  }
0xa2: {  	[bflag:$0x0] =	sbarrier.arrive $0xFFFF  }
0xa3: {  	_ =	strace $0x9000004D  }
0xa4: {  	s0 =	stileid.u32;
	[bflag:$0x2] =	sbarrier.arrive $0xFFFF  }
0xa5: {  	p0 =	sne.s32 s0, $0x0;
	s0 =	rddreg [dreg:$0x2]  }
0xa6: {  	s0 =	sadd.s32 @!p0 $0x100000, s0  }
0xa7: {  	[sflag:s0] =	ssyncadd.tile.s32 @!p0 $0x1;
	_ =	shalt  }
.Lfunc_end2:
_tile_overlayer_lowered:
.L_overlay_start_2:
0xa8: {  	(tag) =	ssettag $0x2  }
0xa9: {  	s0 =	rddreg [dreg:$0x0];
	s2 =	stileid.u32  }
0xaa: {  	s1 =	rddreg [dreg:$0x1];
	p0 =	sne.s32 s2, $0x0  }
0xab: {  	s3 =	rddreg [dreg:$0x2];
	[bflag:$0x3] =	sbarrier.arrive $0xFFFF;
	s2 =	simm.s32 @!p0 $0x1C06  }
0xac: {  	[timem:s3], [sflag:s2] =	dma.local @!p0 [hbm:s0], s1  }
0xad: {  	s0 =	simm.s32 @!p0 $0x6  }
0xae: {  	_ =	swait.ge @!p0 [sflag:s0], s1  }
0xaf: {  	s1 =	ssub.s32 @!p0 $0x0, s1;
	[sflag:s0] =	ssyncset.done @!p0 $0x0  }
0xb0: {  	[sflag:s0] =	ssyncadd.s32 @!p0 s1  }
0xb1: {  	[bflag:$0x3] =	sbarrier.arrive $0xFFFF  }
0xb2: {  	_ =	shalt  }

// kernel: kernel.9.cloned.1.call-start
scs
__scs_entry_jumppad:
0x0: {  	(pc) =	sbr.rel $0x88, $3  }
0x1: {  	(tag) =	ssettag $0x0;
	lr =	simm.s32 $0x1  }
0x2: {  	[smem:$0x3F96] =	sst lr;
	_ =	strace $0xD0000000  }
0x3: {  	_ = 	snop  }
0x4: {  	_ = 	snop  }
0x5: {  	_ = 	snop  }
0x6: {  	_ = 	snop  }
0x7: {  	_ = 	snop  }
__scs_overlays_trampoline_lowered:
0x8: {  	[smem:$0x3FA5] =	sst s0  }
0x9: {  	[smem:$0x3FA6] =	sst s1  }
0xa: {  	[smem:$0x3FA7] =	sst s2  }
0xb: {  	[smem:$0x3FA8] =	sst s3  }
0xc: {  	[smem:$0x3FA9] =	sst s4  }
0xd: {  	[smem:$0x3FAA] =	sst s5  }
0xe: {  	[smem:$0x3FAB] =	sst s6  }
0xf: {  	[smem:$0x3FAC] =	sst s7  }
0x10: {  	[smem:$0x3FAD] =	sst s8  }
0x11: {  	[smem:$0x3FAE] =	sst s9;
	s0 =	simm.s32 @!p0 $0x0  }
0x12: {  	s1 =	sld [smem:$0x3F94];
	s0 =	simm.s32 @p0 $0x1  }
0x13: {  	[smem:$0x3FAF] =	sst s0;
	s0 =	simm.s32 @!p1 $0x0  }
0x14: {  	s2 =	sld [smem:$0x3F93];
	s0 =	simm.s32 @p1 $0x1  }
0x15: {  	[smem:$0x3FB0] =	sst s0;
	s0 =	simm.s32 @!p2 $0x0  }
0x16: {  	s3 =	sld [smem:$0x3FDB];
	s0 =	simm.s32 @p2 $0x1  }
0x17: {  	s4 =	simm.s32 $0x1BF5;
	[smem:$0x3FB2] =	sst s0  }
0x18: {  	s0 =	sld [smem:$0x3F95];
	_ =	swait.ge [sflag:s4], $0x0  }
0x19: {  	s7 =	sld [smem:$0x3F96]  }
0x1a: {  	s8 =	sadd.s32 $0xFFFFE003, lr  }
0x1b: {  	s9 =	sadd.s32 $0xFFFFFEF7, lr;
	s5 =	simm.s32 $0xFFFFFFFF;
	p2 =	slt.u32 s8, $0xFFFFF086  }
0x1c: {  	p1 =	slt.u32 s9, $0xF7A;
	s5 =	simm.s32 @!p2 $0x0  }
0x1d: {  	s5 =	simm.s32 @p1 $0x1;
	p0 =	seq.s32 s7, s2  }
0x1e: {  	s7 =	smul.u32 @!p0 $0xF7A, s2;
	p2 =	seq.s32 @!p0 s5, $0x0  }
0x1f: {  	s9 =	smul.u32 $0xF7A, s1;
	s8 =	simm.s32 @!p0 $0x1BF5;
	p2 =	por !p2, p0  }
0x20: {  	[sflag:s8] =	ssyncset.s32 @!p0 $0xFFFFF086;
	s6 =	sadd.s32 @!p0 s3, s7;
	s7 =	simm.s32 @!p0 $0x108  }
0x21: {  	s3 =	sadd.s32 s3, s9;
	s6 =	sadd.s32 @!p0 $0x88, s6;
	s7 =	simm.s32 @p2 $0x1082  }
0x22: {  	[simem:s7], [sflag:s8] =	dma.local @!p0 [hbm:s6], $0xF7A  }
0x23: {  	s9 =	sor.u32 $0xD0000000, s2;
	s6 =	simm.s32 $0x108;
	_ =	swait.ge @!p0 [sflag:s8], $0x0  }
0x24: {  	s3 =	sadd.s32 $0x88, s3;
	s6 =	simm.s32 @!p1 $0x1082;
	[sflag:s4] =	ssyncset.s32 $0xFFFFF086  }
0x25: {  	[simem:s6], [sflag:s4] =	dma.local [hbm:s3], $0xF7A  }
0x26: {  	[smem:$0x3F96] =	sst s1;
	(tag) =	ssettag s2;
	_ =	strace s9  }
0x27: {  	s1 =	sld [smem:$0x3FA6]  }
0x28: {  	s2 =	sld [smem:$0x3FA7]  }
0x29: {  	s4 =	sld [smem:$0x3FA9]  }
0x2a: {  	p0 =	seq.s32 s5, $0x0;
	s5 =	sld [smem:$0x3FAA]  }
0x2b: {  	s6 =	sld [smem:$0x3FAB]  }
0x2c: {  	s7 =	sld [smem:$0x3FAC]  }
0x2d: {  	s3 =	simm.s32 $0x108;
	s8 =	sld [smem:$0x3FAD]  }
0x2e: {  	s3 =	simm.s32 @!p0 $0x1082;
	s9 =	sld [smem:$0x3FAE]  }
0x2f: {  	lr =	sadd.s32 s0, s3;
	s0 =	sld [smem:$0x3FA5]  }
0x30: {  	s3 =	sld [smem:$0x3FA8]  }
0x31: {  	[smem:$0x3FB1] =	sst s10  }
0x32: {  	s10 =	sld [smem:$0x3FAF];
	_ =	sdelay $0x3  }
0x33: {  	p0 =	seq.s32 s10, $0x1;
	s10 =	sld [smem:$0x3FB1];
	_ =	sdelay $0x3  }
0x34: {  	[smem:$0x3FB1] =	sst s10  }
0x35: {  	s10 =	sld [smem:$0x3FB0];
	_ =	sdelay $0x3  }
0x36: {  	p1 =	seq.s32 s10, $0x1;
	s10 =	sld [smem:$0x3FB1];
	_ =	sdelay $0x3  }
0x37: {  	[smem:$0x3FB1] =	sst s10  }
0x38: {  	s10 =	sld [smem:$0x3FB2]  }
0x39: {  	_ = 	snop;
	(pc) =	sbr.ind lr, $3  }
0x3a: {  	_ = 	snop  }
0x3b: {  	_ = 	snop  }
0x3c: {  	p2 =	seq.s32 s10, $0x1;
	s10 =	sld [smem:$0x3FB1]  }
0x3d: {  	_ =	shalt  }
0x3e: {  	_ =	shalt  }
0x3f: {  	_ =	shalt  }
0x40: {  	_ =	shalt  }
0x41: {  	_ =	shalt  }
0x42: {  	_ =	shalt  }
0x43: {  	_ =	shalt  }
0x44: {  	_ =	shalt  }
0x45: {  	_ =	shalt  }
0x46: {  	_ =	shalt  }
0x47: {  	_ =	shalt  }
0x48: {  	_ =	shalt  }
0x49: {  	_ =	shalt  }
0x4a: {  	_ =	shalt  }
0x4b: {  	_ =	shalt  }
0x4c: {  	_ =	shalt  }
0x4d: {  	_ =	shalt  }
0x4e: {  	_ =	shalt  }
0x4f: {  	_ =	shalt  }
0x50: {  	_ =	shalt  }
0x51: {  	_ =	shalt  }
0x52: {  	_ =	shalt  }
0x53: {  	_ =	shalt  }
0x54: {  	_ =	shalt  }
0x55: {  	_ =	shalt  }
0x56: {  	_ =	shalt  }
0x57: {  	_ =	shalt  }
0x58: {  	_ =	shalt  }
0x59: {  	_ =	shalt  }
0x5a: {  	_ =	shalt  }
0x5b: {  	_ =	shalt  }
0x5c: {  	_ =	shalt  }
0x5d: {  	_ =	shalt  }
0x5e: {  	_ =	shalt  }
0x5f: {  	_ =	shalt  }
0x60: {  	_ =	shalt  }
0x61: {  	_ =	shalt  }
0x62: {  	_ =	shalt  }
0x63: {  	_ =	shalt  }
0x64: {  	_ =	shalt  }
0x65: {  	_ =	shalt  }
0x66: {  	_ =	shalt  }
0x67: {  	_ =	shalt  }
0x68: {  	_ =	shalt  }
0x69: {  	_ =	shalt  }
0x6a: {  	_ =	shalt  }
0x6b: {  	_ =	shalt  }
0x6c: {  	_ =	shalt  }
0x6d: {  	_ =	shalt  }
0x6e: {  	_ =	shalt  }
0x6f: {  	_ =	shalt  }
0x70: {  	_ =	shalt  }
0x71: {  	_ =	shalt  }
0x72: {  	_ =	shalt  }
0x73: {  	_ =	shalt  }
0x74: {  	_ =	shalt  }
0x75: {  	_ =	shalt  }
0x76: {  	_ =	shalt  }
0x77: {  	_ =	shalt  }
0x78: {  	_ =	shalt  }
0x79: {  	_ =	shalt  }
0x7a: {  	_ =	shalt  }
0x7b: {  	_ =	shalt  }
0x7c: {  	_ =	shalt  }
0x7d: {  	_ =	shalt  }
0x7e: {  	_ =	shalt  }
0x7f: {  	_ =	shalt  }
0x80: {  	_ =	shalt  }
0x81: {  	_ =	shalt  }
0x82: {  	_ =	shalt  }
0x83: {  	_ =	shalt  }
0x84: {  	_ =	shalt  }
0x85: {  	_ =	shalt  }
0x86: {  	_ =	shalt  }
0x87: {  	_ =	shalt  }
.Lfunc_end0:
.L_simem_size_0:
called_computation_lowered:
.L_overlay_start_0:
0x88: {  	s2 =	sld [smem:$0x3FD9]  }
0x89: {  	s3 =	sld [smem:$0x3FFE];
	_ =	sdelay $0x1  }
0x8a: {  	s1 =	srdreg.scid  }
0x8b: {  	s0 =	sand.u32 $0x1, s1  }
0x8c: {  	s16 =	sshll.u32 s0, $0xA;
	s2 =	sadd.s32 s3, s2  }
0x8d: {  	s2 =	sadd.s32 s2, s16  }
0x8e: {  	[smem:$0x3FBD] =	sst s2  }
0x8f: {  	_ = 	snop  }
0x90: {  	(tm) =	ssettm $0x1  }
0x91: {  	s17 =	sld [smem:$0x3FFB];
	_ =	sdelay $0x3  }
0x92: {  	_ =	strace s17  }
0x93: {  	s2 =	sld [smem:$0x3FFC];
	_ =	sdelay $0x3  }
0x94: {  	_ =	strace s2  }
0x95: {  	s2 =	sld [smem:$0x3FFD];
	_ =	sdelay $0x3  }
0x96: {  	_ =	strace s2  }
0x97: {  	_ =	strace $0x8FFFFFFF  }
0x98: {  	s18 =	sld [smem:$0x3FDB];
	_ =	sdelay $0x1  }
0x99: {  	s19 =	simm.s32 $_scs_section_size  }
0x9a: {  	s4 =	simm.s32 $_size__tile_overlayer_lowered;
	s5 =	simm.s32 $_tile_overlayer_lowered  }
0x9b: {  	s22 =	simm.s32 $0x1BFF;
	s21 =	sshll.u32 s5, $0x1;
	s2 =	sadd.s32 s19, s18  }
0x9c: {  	s6 =	simm.s32 $0x0;
	s20 =	sshll.u32 s4, $0x1;
	s4 =	sadd.s32 s21, s2  }
0x9d: {  	[timem:s6], [sflag:s22] =	dma.local [hbm:s4], s20  }
0x9e: {  	_ =	swait.ge [sflag:s22], s20  }
0x9f: {  	s3 =	ssub.s32 $0x0, s20;
	[sflag:s22] =	ssyncset.done $0x0  }
0xa0: {  	[sflag:s22] =	ssyncadd.s32 s3;
	_ =	sdelay $0x1  }
0xa1: {  	s23 =	simm.s32 $0x1B8B  }
0xa2: {  	_ =	swait.ge [sflag:s23], $0x1  }
0xa3: {  	[sflag:s23] =	ssyncset.done $0x0  }
0xa4: {  	s25 =	simm.s32 $0x1B8E;
	s24 =	sld [smem:$0x3FFE];
	[sflag:s23] =	ssyncadd.s32 $0xFFFFFFFF  }
0xa5: {  	s26 =	simm.s32 $execute0_lowered;
	[smem:$0x3FD2] =	sst s25  }
0xa6: {  	s4 =	sshll.u32 s26, $0x1;
	_ =	strace $0x80000046;
	[dreg:$0x1] =	wrdreg $0xFFFFFFFF  }
0xa7: {  	s28 =	simm.s32 $_size_execute0_lowered;
	s2 =	sadd.s32 s2, s4;
	[dreg:$0x0] =	wrdreg $0x0  }
0xa8: {  	s4 =	sshll.u32 s28, $0x1;
	[dreg:$0x2] =	wrdreg s2  }
0xa9: {  	[dreg:$0x3] =	wrdreg s4  }
0xaa: {  	[dreg:$0x4] =	wrdreg $0xC0  }
0xab: {  	_ =	task [dreg:s6], $0x5FFFF  }
0xac: {  	[dreg:$0x1] =	wrdreg $0xFFFFFFFF  }
0xad: {  	[dreg:$0x0] =	wrdreg $0x60  }
0xae: {  	[dreg:$0x2] =	wrdreg s24  }
0xaf: {  	[dreg:$0x3] =	wrdreg $0x100400  }
0xb0: {  	[dreg:$0x4] =	wrdreg $0x9  }
0xb1: {  	_ =	task.clear_ibuf [dreg:s6], $0x5FFFF;
	_ =	strace $0x90000046  }
0xb2: {  	s29 =	simm.s32 $0x9;
	_ =	strace $0x80000048  }
0xb3: {  	_ =	swait.ge [sflag:s29], $0x1  }
0xb4: {  	[sflag:s29] =	ssyncadd.s32 $0xFFFFFFFF  }
0xb5: {  	_ =	strace $0x90000048  }
0xb6: {  	_ =	sfence  }
0xb7: {  	s30 =	sld [smem:$0x0];
	_ =	sdelay $0x2  }
0xb8: {  	s31 =	sshll.u32 s1, $0xD;
	s1 =	sshrl.u32 s1, $0x2  }
0xb9: {  	s3 =	sand.u32 $0x4000, s31;
	s1 =	sadd.s32 s1, s30  }
0xba: {  	s0 =	sor.u32 s3, s0;
	s1 =	sshll.u32 s1, $0x11  }
0xbb: {  	s0 =	sor.u32 s1, s0  }
0xbc: {  	s0 =	sadd.s32 $0x8F2B, s0  }
0xbd: {  	[sflag:s0] =	ssyncadd.remote.s32 $0x1  }
0xbe: {  	_ =	sfence.sel $0xFFFF  }
0xbf: {  	[dreg:$0x0] =	wrdreg $0xFFFFFFFF;
	(pc) =	sbr.abs _section_cstart, $3  }
0xc0: {  	[dreg:$0x1] =	wrdreg $0xFFFFFFFF  }
0xc1: {  	_ =	task.clear_ibuf [dreg:s6], $0x2FFFF;
	_ =	strace $0x9FFFFFFF  }
0xc2: {  	(tm) =	ssettm $0x7FFFFFFF  }
0xc3: {  	_ =	shalt  }
tec
execute0_lowered:
.L_overlay_start_1:
0x0: {  	(tag) =	ssettag $0x1  }
0x1: {  	s0 =	srdreg.scid  }
0x2: {  	s1 =	rddreg [dreg:$0x0];
	s16 =	stileid.u32  }
0x3: {  	s2 =	rddreg [dreg:$0x1];
	s3 =	simm.s32 $0x0;
	s10 =	simm.s32 $0x6  }
0x4: {  	s11 =	simm.s32 $0x4E20;
	s12 =	simm.s32 $0x50;
	s13 =	simm.s32 $0x9C40  }
0x5: {  	s15 =	simm.s32 $0xB040;
	s17 =	simm.s32 $0xC440;
	s19 =	simm.s32 $0xD840  }
0x6: {  	s21 =	simm.s32 $0xEC40;
	s24 =	simm.s32 $0x1;
	s28 =	simm.s32 $0x4  }
0x7: {  	s29 =	simm.s32 $0x5;
	s31 =	simm.s32 $0x4CE0;
	s8 =	smul.u32 $0xA000, s16  }
0x8: {  	s0 =	sand.u32 $0x1, s0;
	[smem:$0x7FF] =	sst s3;
	s6 =	smul.u32 $0x9C4, s16  }
0x9: {  	s30 =	sshll.u32 s16, $0x6;
	s16 =	simm.s32 $0x0;
	s4 =	smul.u32 $0x13880, s0  }
0xa: {  	s5 =	smul.u32 $0xA0000, s0;
	_ =	strace $0x80000047;
	s0 =	ssub.s32 $0x2, s0  }
0xb: {  	s22 =	sor.u32 $0x1C06, s30;
	s6 =	sadd.s32 s6, s1;
	s26 =	sshrl.u32 s0, $0x1  }
0xc: {  	s14 =	sadd.s32 s8, s2;
	s7 =	sadd.s32 s4, s1;
	s25 =	sadd.s32 s8, s5  }
0xd: {  	s4 =	sadd.s32 $0x3CC00, s1;
	s0 =	ssub.s32 s0, s26;
	s23 =	sshrl.u32 s14, $0x3  }
0xe: {  	s26 =	simm.s32 $0x3;
	s14 =	simm.s32 $0x4DD0;
	s5 =	sshrl.u32 s25, $0x3  }
0xf: {  	s7 =	sadd.s32 $0x15A00, s7;
	s9 =	smax.u32 s0, $0x1;
	s25 =	simm.s32 $0x2  }
0x10: {  	s0 =	simm.s32 $0x4D80;
	s1 =	sadd.s32 s5, s1;
	s5 =	sadd.s32 $0xBC00, s6  }
0x11: {  	s6 =	sadd.s32 $0x1E00, s6;
	s8 =	sadd.s32 $0x3E000, s1;
	s1 =	simm.s32 $0x4D30  }
.LBB2_1:
0x12: {  	[tilespmem:s3], [sflag:$0x6] =	stream.linear.gather [hbm4b:s5+s3], $0x4E20, $0x38;
	[tilespmem:$0x1A040] =	vst v63  }
0x13: {  	_ =	swait.ge [sflag:s10], $0x4E20  }
0x14: {  	[sflag:s10] =	ssyncset.done $0x0  }
0x15: {  	[sflag:s10] =	ssyncadd.s32 $0xFFFFB1E0  }
0x16: {  	[tilespmem:s11], [sflag:$0x6] =	stream.linear.gather [hbm4b:s6+s3], $0x4E20, $0x38;
	[tilespmem:$0x1A040] =	vst v63  }
0x17: {  	_ =	swait.ge [sflag:s10], $0x4E20  }
0x18: {  	[sflag:s10] =	ssyncset.done $0x0  }
0x19: {  	[sflag:s10] =	ssyncadd.s32 $0xFFFFB1E0  }
0x1a: {  	[tilespmem:s13], [sflag:$0x1] =	stream.indirect.gather [hbm4b:s7+s12], $0x40, s11, s12, $0xb8;
	[tilespmem:$0x1A040] =	vst v63  }
0x1b: {  	s18 =	simm.s32 $0x4E70  }
0x1c: {  	[tilespmem:s15], [sflag:$0x2] =	stream.indirect.gather [hbm4b:s7+s12], $0x40, s18, s12, $0xb8;
	[tilespmem:$0x1A040] =	vst v63  }
0x1d: {  	s20 =	simm.s32 $0x4EC0  }
0x1e: {  	[tilespmem:s17], [sflag:$0x3] =	stream.indirect.gather [hbm4b:s7+s12], $0x40, s20, s12, $0xb8;
	[tilespmem:$0x1A040] =	vst v63  }
0x1f: {  	s30 =	simm.s32 $0x4F10  }
0x20: {  	[tilespmem:s19], [sflag:$0x4] =	stream.indirect.gather [hbm4b:s7+s12], $0x40, s30, s12, $0xb8;
	[tilespmem:$0x1A040] =	vst v63  }
0x21: {  	s20 =	simm.s32 $0x4F60  }
0x22: {  	[tilespmem:s21], [sflag:$0x5] =	stream.indirect.gather [hbm4b:s7+s12], $0x40, s20, s12, $0xb8;
	[tilespmem:$0x1A040] =	vst v63  }
0x23: {  	[spmem:s23], [sflag:s22] =	dma.local [hbm:s4], $0x1400  }
0x24: {  	_ =	swait.ge [sflag:s10], $0x1400  }
0x25: {  	[sflag:s10] =	ssyncset.done $0x0  }
0x26: {  	[sflag:s10] =	ssyncadd.s32 $0xFFFFEC00  }
0x27: {  	[bflag:$0x0] =	sbarrier.arrive $0xFFFF  }
0x28: {  	_ =	swait.ge [sflag:s24], $0x1400  }
0x29: {  	[sflag:s24] =	ssyncset.done $0x0  }
0x2a: {  	s30 =	simm.s32 $0x0;
	[sflag:s24] =	ssyncadd.s32 $0xFFFFEC00  }
0x2b: {  	[spmem:s2] =	stream.indirect.scatter.add.f32 [tilespmem:s13], [sflag:$0x6], $0x40, s30, s12, $0xb8;
	[tilespmem:$0x1A040] =	vst v63  }
0x2c: {  	_ =	swait.ge [sflag:s10], $0x1400  }
0x2d: {  	[sflag:s10] =	ssyncset.done $0x0  }
0x2e: {  	s20 =	simm.s32 $0x4FB0;
	[sflag:s10] =	ssyncadd.s32 $0xFFFFEC00  }
0x2f: {  	[tilespmem:s13], [sflag:$0x1] =	stream.indirect.gather [hbm4b:s7+s12], $0x40, s20, s12, $0xb8;
	[tilespmem:$0x1A040] =	vst v63  }
0x30: {  	_ =	swait.ge [sflag:s25], $0x1400  }
0x31: {  	[sflag:s25] =	ssyncset.done $0x0  }
0x32: {  	s30 =	simm.s32 $0x50;
	[sflag:s25] =	ssyncadd.s32 $0xFFFFEC00  }
0x33: {  	[spmem:s2] =	stream.indirect.scatter.add.f32 [tilespmem:s15], [sflag:$0x6], $0x40, s30, s12, $0xb8;
	[tilespmem:$0x1A040] =	vst v63  }
0x34: {  	_ =	swait.ge [sflag:s10], $0x1400  }
0x35: {  	[sflag:s10] =	ssyncset.done $0x0  }
0x36: {  	s20 =	simm.s32 $0x5000;
	[sflag:s10] =	ssyncadd.s32 $0xFFFFEC00  }
0x37: {  	[tilespmem:s15], [sflag:$0x2] =	stream.indirect.gather [hbm4b:s7+s12], $0x40, s20, s12, $0xb8;
	[tilespmem:$0x1A040] =	vst v63  }
0x38: {  	_ =	swait.ge [sflag:s26], $0x1400  }
0x39: {  	[sflag:s26] =	ssyncset.done $0x0  }
0x3a: {  	s30 =	simm.s32 $0xA0;
	[sflag:s26] =	ssyncadd.s32 $0xFFFFEC00  }
0x3b: {  	[spmem:s2] =	stream.indirect.scatter.add.f32 [tilespmem:s17], [sflag:$0x6], $0x40, s30, s12, $0xb8;
	[tilespmem:$0x1A040] =	vst v63  }
0x3c: {  	_ =	swait.ge [sflag:s10], $0x1400  }
0x3d: {  	[sflag:s10] =	ssyncset.done $0x0  }
0x3e: {  	s20 =	simm.s32 $0x5050;
	[sflag:s10] =	ssyncadd.s32 $0xFFFFEC00  }
0x3f: {  	[tilespmem:s17], [sflag:$0x3] =	stream.indirect.gather [hbm4b:s7+s12], $0x40, s20, s12, $0xb8;
	[tilespmem:$0x1A040] =	vst v63  }
0x40: {  	_ =	swait.ge [sflag:s28], $0x1400  }
0x41: {  	[sflag:s28] =	ssyncset.done $0x0  }
0x42: {  	s30 =	simm.s32 $0xF0;
	[sflag:s28] =	ssyncadd.s32 $0xFFFFEC00  }
0x43: {  	[spmem:s2] =	stream.indirect.scatter.add.f32 [tilespmem:s19], [sflag:$0x6], $0x40, s30, s12, $0xb8;
	[tilespmem:$0x1A040] =	vst v63  }
0x44: {  	_ =	swait.ge [sflag:s10], $0x1400  }
0x45: {  	[sflag:s10] =	ssyncset.done $0x0  }
0x46: {  	s20 =	simm.s32 $0x50A0;
	[sflag:s10] =	ssyncadd.s32 $0xFFFFEC00  }
0x47: {  	[tilespmem:s19], [sflag:$0x4] =	stream.indirect.gather [hbm4b:s7+s12], $0x40, s20, s12, $0xb8;
	[tilespmem:$0x1A040] =	vst v63  }
0x48: {  	_ =	swait.ge [sflag:s29], $0x1400  }
0x49: {  	[sflag:s29] =	ssyncset.done $0x0  }
0x4a: {  	s30 =	simm.s32 $0x140;
	[sflag:s29] =	ssyncadd.s32 $0xFFFFEC00  }
0x4b: {  	[spmem:s2] =	stream.indirect.scatter.add.f32 [tilespmem:s21], [sflag:$0x6], $0x40, s30, s12, $0xb8;
	[tilespmem:$0x1A040] =	vst v63  }
0x4c: {  	_ =	swait.ge [sflag:s10], $0x1400  }
0x4d: {  	[sflag:s10] =	ssyncset.done $0x0  }
0x4e: {  	s18 =	simm.s32 $0x640;
	s20 =	simm.s32 $0x50F0;
	[sflag:s10] =	ssyncadd.s32 $0xFFFFEC00  }
.LBB2_2:
0x4f: {  	[tilespmem:s21], [sflag:$0x5] =	stream.indirect.gather [hbm4b:s7+s12], $0x40, s20, s12, $0xb8;
	[tilespmem:$0x1A040] =	vst v63  }
0x50: {  	s20 =	smov.u32 s18  }
0x51: {  	p0 =	sne.s32 s18, $0x12C00;
	s18 =	sadd.s32 $0x640, s18;
	_ =	swait.ge [sflag:s24], $0x1400  }
0x52: {  	[sflag:s24] =	ssyncset.done $0x0  }
0x53: {  	s20 =	sshra.s32 s20, $0x2;
	[sflag:s24] =	ssyncadd.s32 $0xFFFFEC00  }
0x54: {  	[spmem:s2] =	stream.indirect.scatter.add.f32 [tilespmem:s13], [sflag:$0x6], $0x40, s20, s12, $0xb8;
	[tilespmem:$0x1A040] =	vst v63  }
0x55: {  	_ =	swait.ge [sflag:s10], $0x1400  }
0x56: {  	[sflag:s10] =	ssyncset.done $0x0  }
0x57: {  	s30 =	sadd.s32 $0x4FB0, s20;
	[sflag:s10] =	ssyncadd.s32 $0xFFFFEC00  }
0x58: {  	[tilespmem:s13], [sflag:$0x1] =	stream.indirect.gather [hbm4b:s7+s12], $0x40, s30, s12, $0xb8;
	[tilespmem:$0x1A040] =	vst v63  }
0x59: {  	_ =	swait.ge [sflag:s25], $0x1400  }
0x5a: {  	[sflag:s25] =	ssyncset.done $0x0  }
0x5b: {  	s30 =	sadd.s32 $0x50, s20;
	[sflag:s25] =	ssyncadd.s32 $0xFFFFEC00  }
0x5c: {  	[spmem:s2] =	stream.indirect.scatter.add.f32 [tilespmem:s15], [sflag:$0x6], $0x40, s30, s12, $0xb8;
	[tilespmem:$0x1A040] =	vst v63  }
0x5d: {  	_ =	swait.ge [sflag:s10], $0x1400  }
0x5e: {  	[sflag:s10] =	ssyncset.done $0x0  }
0x5f: {  	s30 =	sadd.s32 $0x5000, s20;
	[sflag:s10] =	ssyncadd.s32 $0xFFFFEC00  }
0x60: {  	[tilespmem:s15], [sflag:$0x2] =	stream.indirect.gather [hbm4b:s7+s12], $0x40, s30, s12, $0xb8;
	[tilespmem:$0x1A040] =	vst v63  }
0x61: {  	_ =	swait.ge [sflag:s26], $0x1400  }
0x62: {  	[sflag:s26] =	ssyncset.done $0x0  }
0x63: {  	s30 =	sadd.s32 $0xA0, s20;
	[sflag:s26] =	ssyncadd.s32 $0xFFFFEC00  }
0x64: {  	[spmem:s2] =	stream.indirect.scatter.add.f32 [tilespmem:s17], [sflag:$0x6], $0x40, s30, s12, $0xb8;
	[tilespmem:$0x1A040] =	vst v63  }
0x65: {  	_ =	swait.ge [sflag:s10], $0x1400  }
0x66: {  	[sflag:s10] =	ssyncset.done $0x0  }
0x67: {  	s30 =	sadd.s32 $0x5050, s20;
	[sflag:s10] =	ssyncadd.s32 $0xFFFFEC00  }
0x68: {  	[tilespmem:s17], [sflag:$0x3] =	stream.indirect.gather [hbm4b:s7+s12], $0x40, s30, s12, $0xb8;
	[tilespmem:$0x1A040] =	vst v63  }
0x69: {  	_ =	swait.ge [sflag:s28], $0x1400  }
0x6a: {  	[sflag:s28] =	ssyncset.done $0x0  }
0x6b: {  	s30 =	sadd.s32 $0xF0, s20;
	[sflag:s28] =	ssyncadd.s32 $0xFFFFEC00  }
0x6c: {  	[spmem:s2] =	stream.indirect.scatter.add.f32 [tilespmem:s19], [sflag:$0x6], $0x40, s30, s12, $0xb8;
	[tilespmem:$0x1A040] =	vst v63  }
0x6d: {  	_ =	swait.ge [sflag:s10], $0x1400  }
0x6e: {  	[sflag:s10] =	ssyncset.done $0x0  }
0x6f: {  	s30 =	sadd.s32 $0x50A0, s20;
	[sflag:s10] =	ssyncadd.s32 $0xFFFFEC00  }
0x70: {  	[tilespmem:s19], [sflag:$0x4] =	stream.indirect.gather [hbm4b:s7+s12], $0x40, s30, s12, $0xb8;
	[tilespmem:$0x1A040] =	vst v63  }
0x71: {  	_ =	swait.ge [sflag:s29], $0x1400  }
0x72: {  	[sflag:s29] =	ssyncset.done $0x0  }
.Ltmp0:
0x73: {  	s30 =	sadd.s32 $0x140, s20;
	[sflag:s29] =	ssyncadd.s32 $0xFFFFEC00;
	(pc) =	sbr.rel @p0 .LBB2_2-.Ltmp0, $4  }
0x74: {  	[spmem:s2] =	stream.indirect.scatter.add.f32 [tilespmem:s21], [sflag:$0x6], $0x40, s30, s12, $0xb8;
	[tilespmem:$0x1A040] =	vst v63  }
0x75: {  	_ =	swait.ge [sflag:s10], $0x1400  }
0x76: {  	[sflag:s10] =	ssyncset.done $0x0  }
0x77: {  	s20 =	sadd.s32 $0x50F0, s20;
	[sflag:s10] =	ssyncadd.s32 $0xFFFFEC00  }
0x78: {  	[tilespmem:s21], [sflag:$0x5] =	stream.indirect.gather [hbm4b:s7+s12], $0x40, s20, s12, $0xb8;
	[tilespmem:$0x1A040] =	vst v63  }
0x79: {  	_ =	swait.ge [sflag:s24], $0x1400  }
0x7a: {  	[sflag:s24] =	ssyncset.done $0x0  }
0x7b: {  	s18 =	simm.s32 $0x4C90;
	[sflag:s24] =	ssyncadd.s32 $0xFFFFEC00  }
0x7c: {  	[spmem:s2] =	stream.indirect.scatter.add.f32 [tilespmem:s13], [sflag:$0x6], $0x40, s18, s12, $0xb8;
	[tilespmem:$0x1A040] =	vst v63  }
0x7d: {  	_ =	swait.ge [sflag:s10], $0x1400  }
0x7e: {  	[sflag:s10] =	ssyncset.done $0x0  }
0x7f: {  	[sflag:s10] =	ssyncadd.s32 $0xFFFFEC00  }
0x80: {  	_ =	swait.ge [sflag:s25], $0x1400  }
0x81: {  	[sflag:s25] =	ssyncset.done $0x0  }
0x82: {  	[sflag:s25] =	ssyncadd.s32 $0xFFFFEC00  }
0x83: {  	[spmem:s2] =	stream.indirect.scatter.add.f32 [tilespmem:s15], [sflag:$0x6], $0x40, s31, s12, $0xb8;
	[tilespmem:$0x1A040] =	vst v63  }
0x84: {  	_ =	swait.ge [sflag:s10], $0x1400  }
0x85: {  	[sflag:s10] =	ssyncset.done $0x0  }
0x86: {  	[sflag:s10] =	ssyncadd.s32 $0xFFFFEC00  }
0x87: {  	_ =	swait.ge [sflag:s26], $0x1400  }
0x88: {  	[sflag:s26] =	ssyncset.done $0x0  }
0x89: {  	[sflag:s26] =	ssyncadd.s32 $0xFFFFEC00  }
0x8a: {  	[spmem:s2] =	stream.indirect.scatter.add.f32 [tilespmem:s17], [sflag:$0x6], $0x40, s1, s12, $0xb8;
	[tilespmem:$0x1A040] =	vst v63  }
0x8b: {  	_ =	swait.ge [sflag:s10], $0x1400  }
0x8c: {  	[sflag:s10] =	ssyncset.done $0x0  }
0x8d: {  	[sflag:s10] =	ssyncadd.s32 $0xFFFFEC00  }
0x8e: {  	_ =	swait.ge [sflag:s28], $0x1400  }
0x8f: {  	[sflag:s28] =	ssyncset.done $0x0  }
0x90: {  	[sflag:s28] =	ssyncadd.s32 $0xFFFFEC00  }
0x91: {  	[spmem:s2] =	stream.indirect.scatter.add.f32 [tilespmem:s19], [sflag:$0x6], $0x40, s0, s12, $0xb8;
	[tilespmem:$0x1A040] =	vst v63  }
0x92: {  	_ =	swait.ge [sflag:s10], $0x1400  }
0x93: {  	[sflag:s10] =	ssyncset.done $0x0  }
0x94: {  	[sflag:s10] =	ssyncadd.s32 $0xFFFFEC00  }
0x95: {  	_ =	swait.ge [sflag:s29], $0x1400  }
0x96: {  	[sflag:s29] =	ssyncset.done $0x0  }
0x97: {  	[sflag:s29] =	ssyncadd.s32 $0xFFFFEC00  }
0x98: {  	[spmem:s2] =	stream.indirect.scatter.add.f32 [tilespmem:s21], [sflag:$0x6], $0x40, s14, s12, $0xb8;
	[tilespmem:$0x1A040] =	vst v63  }
0x99: {  	_ =	swait.ge [sflag:s10], $0x1400  }
0x9a: {  	s16 =	sadd.s32 $0x1, s16;
	[sflag:s10] =	ssyncset.done $0x0  }
0x9b: {  	p0 =	sne.s32 s16, s9;
	[sflag:s10] =	ssyncadd.s32 $0xFFFFEC00  }
.Ltmp1:
0x9c: {  	[bflag:$0x0] =	sbarrier.arrive $0xFFFF;
	(pc) =	sbr.rel @p0 .LBB2_1-.Ltmp1, $4  }
0x9d: {  	[hbm:s8], [sflag:s22] =	dma.local [spmem:s23], $0x1400  }
0x9e: {  	_ =	swait.ge [sflag:s10], $0x1400  }
0x9f: {  	[sflag:s10] =	ssyncset.done $0x0  }
0xa0: {  	[sflag:s10] =	ssyncadd.s32 $0xFFFFEC00  }
0xa1: {  	_ =	sfence.sel $0x180000  }
0xa2: {  	[bflag:$0x0] =	sbarrier.arrive $0xFFFF  }
0xa3: {  	_ =	strace $0x90000047  }
0xa4: {  	s0 =	stileid.u32;
	[bflag:$0x2] =	sbarrier.arrive $0xFFFF  }
0xa5: {  	p0 =	sne.s32 s0, $0x0;
	s0 =	rddreg [dreg:$0x2]  }
0xa6: {  	s0 =	sadd.s32 @!p0 $0x100000, s0  }
0xa7: {  	[sflag:s0] =	ssyncadd.tile.s32 @!p0 $0x1;
	_ =	shalt  }
.Lfunc_end2:
_tile_overlayer_lowered:
.L_overlay_start_2:
0xa8: {  	(tag) =	ssettag $0x2  }
0xa9: {  	s0 =	rddreg [dreg:$0x0];
	s2 =	stileid.u32  }
0xaa: {  	s1 =	rddreg [dreg:$0x1];
	p0 =	sne.s32 s2, $0x0  }
0xab: {  	s3 =	rddreg [dreg:$0x2];
	[bflag:$0x3] =	sbarrier.arrive $0xFFFF;
	s2 =	simm.s32 @!p0 $0x1C06  }
0xac: {  	[timem:s3], [sflag:s2] =	dma.local @!p0 [hbm:s0], s1  }
0xad: {  	s0 =	simm.s32 @!p0 $0x6  }
0xae: {  	_ =	swait.ge @!p0 [sflag:s0], s1  }
0xaf: {  	s1 =	ssub.s32 @!p0 $0x0, s1;
	[sflag:s0] =	ssyncset.done @!p0 $0x0  }
0xb0: {  	[sflag:s0] =	ssyncadd.s32 @!p0 s1  }
0xb1: {  	[bflag:$0x3] =	sbarrier.arrive $0xFFFF  }
0xb2: {  	_ =	shalt  }

</sc_bundles>
